<compile_context>
chip_gen: v7x
topology: tpu7x:2x2x1
jax: 0.10.2.dev20260603
libtpu: 0.0.44.dev20260713+nightly
codegen_flags: <defaults>
</compile_context>

<pallas_src>
import functools

import jax
import jax.numpy as jnp
from jax import lax
from jax.experimental import pallas as pl
from jax.experimental.pallas import tpu as pltpu
from jax.experimental.pallas import tpu_sc as plsc

N = 64
D = 16384
E = 16384
PER_COL = 16

NC = 2
NS = 16
NW = NC * NS

NP = 128
CHUNK_COLS = 16
ROWS_PER_CHUNK = CHUNK_COLS * PER_COL
IDX_BLK = 128
GPC = ROWS_PER_CHUNK // IDX_BLK

LANE = 16
NLB = N // LANE


def _tree_max(vs):
    while len(vs) > 1:
        vs = [jnp.maximum(vs[i], vs[i + 1]) for i in range(0, len(vs) - 1, 2)] + (
            [vs[-1]] if len(vs) % 2 else [])
    return vs[0]


def _tree_sum(vs):
    while len(vs) > 1:
        vs = [vs[i] + vs[i + 1] for i in range(0, len(vs) - 1, 2)] + (
            [vs[-1]] if len(vs) % 2 else [])
    return vs[0]


def _make_sc(n_shard, shard):
    e_shard = E // n_shard
    cols_per_tile = e_shard // NW
    nnz_per_tile = cols_per_tile * PER_COL
    nchunk = cols_per_tile // CHUNK_COLS
    npair = nchunk // 2

    @functools.partial(
        pl.kernel,
        out_type=jax.ShapeDtypeStruct((e_shard * NP,), jnp.float32),
        mesh=plsc.VectorSubcoreMesh(core_axis_name="c", subcore_axis_name="s"),
        compiler_params=pltpu.CompilerParams(use_tc_tiling_on_sc=False),
        scratch_types=[
            pltpu.VMEM((nnz_per_tile,), jnp.int32),
            pltpu.VMEM((nnz_per_tile,), jnp.float32),
            pltpu.VMEM((ROWS_PER_CHUNK, N), jnp.float32),
            pltpu.VMEM((ROWS_PER_CHUNK, N), jnp.float32),
            pltpu.VMEM((CHUNK_COLS * NP,), jnp.float32),
            pltpu.VMEM((CHUNK_COLS * NP,), jnp.float32),
            pltpu.SemaphoreType.DMA,
            pltpu.SemaphoreType.DMA,
            pltpu.SemaphoreType.DMA,
            pltpu.SemaphoreType.DMA,
        ],
    )
    def sc_body(xT, vals, ridx, out_o,
                idx_v, val_v, rows_a, rows_b, ob_a, ob_b,
                sem_a, sem_b, sem_oa, sem_ob):
        wid = lax.axis_index("s") * NC + lax.axis_index("c")
        nnz_base = shard * e_shard * PER_COL + wid * nnz_per_tile
        col_base = wid * cols_per_tile

        c1 = pltpu.async_copy(ridx.at[pl.ds(nnz_base, nnz_per_tile)], idx_v, sem_a)
        c2 = pltpu.async_copy(vals.at[pl.ds(nnz_base, nnz_per_tile)], val_v, sem_a)
        c1.wait()
        c2.wait()

        def issue_gather(g, buf, sem):
            for i in range(GPC):
                off = g * ROWS_PER_CHUNK + i * IDX_BLK
                pltpu.async_copy(
                    xT.at[idx_v.at[pl.ds(off, IDX_BLK)]],
                    buf.at[pl.ds(i * IDX_BLK, IDX_BLK)],
                    sem,
                )

        def wait_gather(buf, sem):
            for i in range(GPC):
                pltpu.make_async_copy(
                    xT.at[idx_v.at[pl.ds(i * IDX_BLK, IDX_BLK)]],
                    buf.at[pl.ds(i * IDX_BLK, IDX_BLK)],
                    sem,
                ).wait()

        def compute_chunk(g, buf, ob):
            @plsc.parallel_loop(0, CHUNK_COLS, unroll=1)
            def col_body(c):
                j0 = c * PER_COL
                jv = g * ROWS_PER_CHUNK + c * PER_COL
                vv = val_v[pl.ds(jv, PER_COL)]
                for l in range(NLB):
                    lanes = pl.ds(l * LANE, LANE)
                    xv = [buf[j0 + k, lanes] + vv[k] for k in range(PER_COL)]
                    m = _tree_max(xv)
                    s = _tree_sum([jnp.exp(v - m) for v in xv])
                    ob[pl.ds(c * NP + l * LANE, LANE)] = m
                    ob[pl.ds(c * NP + N + l * LANE, LANE)] = s

        def issue_out(g, ob, sem):
            dst = pl.ds((col_base + g * CHUNK_COLS) * NP, CHUNK_COLS * NP)
            pltpu.async_copy(ob, out_o.at[dst], sem)

        def wait_out(ob, sem):
            pltpu.make_async_copy(
                ob, out_o.at[pl.ds(0, CHUNK_COLS * NP)], sem).wait()

        issue_gather(0, rows_a, sem_a)

        def pair_body(p, carry):
            g0 = p * 2
            issue_gather(g0 + 1, rows_b, sem_b)
            wait_gather(rows_a, sem_a)

            @pl.when(p > 0)
            def _():
                wait_out(ob_a, sem_oa)

            compute_chunk(g0, rows_a, ob_a)
            issue_out(g0, ob_a, sem_oa)

            @pl.when(p + 1 < npair)
            def _():
                issue_gather(g0 + 2, rows_a, sem_a)

            wait_gather(rows_b, sem_b)

            @pl.when(p > 0)
            def _():
                wait_out(ob_b, sem_ob)

            compute_chunk(g0 + 1, rows_b, ob_b)
            issue_out(g0 + 1, ob_b, sem_ob)
            return carry

        lax.fori_loop(0, npair, pair_body, 0)
        wait_out(ob_a, sem_oa)
        wait_out(ob_b, sem_ob)

    return sc_body


_N_SHARD = 1
_sc_shards = [_make_sc(_N_SHARD, s) for s in range(_N_SHARD)]


_TB = 2048


def _xpose_body(x_ref, o_ref):
    t = x_ref[...].T.reshape(_TB // 2, 2, N)
    y = jnp.concatenate([t[:, 0, :], t[:, 1, :]], axis=1)
    o_ref[...] = y.reshape(_TB * N)


_xpose = pl.pallas_call(
    _xpose_body,
    grid=(D // _TB,),
    in_specs=[pl.BlockSpec((N, _TB), lambda i: (0, i))],
    out_specs=pl.BlockSpec((_TB * N,), lambda i: (i,)),
    out_shape=jax.ShapeDtypeStruct((D * N,), jnp.float32),
)


_EB = 8192


def _finish_body(packed_ref, o_ref):
    mb = packed_ref[...].reshape(_EB, NP)
    o_ref[...] = (mb[:, :N] + jnp.log(mb[:, N:])).T


def _make_finish(e_shard):
    return pl.pallas_call(
        _finish_body,
        grid=(e_shard // _EB,),
        in_specs=[pl.BlockSpec((_EB * NP,), lambda i: (i,))],
        out_specs=pl.BlockSpec((N, _EB), lambda i: (0, i)),
        out_shape=jax.ShapeDtypeStruct((N, e_shard), jnp.float32),
    )


_finish = _make_finish(E // _N_SHARD)


def kernel(x, A_values, A_row_idx, A_col_idx):
    del A_col_idx
    xT = _xpose(x).reshape(D, N)
    ridx = A_row_idx.astype(jnp.int32)
    parts = []
    for sc in _sc_shards:
        packed = sc(xT, A_values, ridx)
        parts.append(_finish(packed))
    return jnp.concatenate(parts, axis=1) if len(parts) > 1 else parts[0]

# --- scband reference (transcript-rebuilt; emitter-appended) ---
"""Pipeline reference for scband-log-mmexp-dense-spmodel-async-30511447671546 (READ-ONLY COPY).

The authoritative reference and input builder live on the scoring server;
editing this copy changes nothing except your own understanding.
"""

import jax, jax.numpy as jnp
import numpy as np

N = 64        # batch rows of X
D = 16384     # rows of sparse matrix A (= cols of X)
E = 16384     # cols of sparse matrix A (output dim)
PER_COL = 16  # nnz per column (density = 0.001)
NNZ = E * PER_COL


def setup_inputs(seed: int = 0) -> dict:
    key = jax.random.key(seed)
    k1, k2, k3 = jax.random.split(key, 3)
    x = jax.random.normal(k1, (N, D), dtype=jnp.float32)
    # Learned sparse matrix A in CSC-like layout: values sorted by column,
    # indices[0] = row ids, indices[1] = column ids (sorted, 16 nnz per column).
    A_values = jax.random.normal(k2, (NNZ,), dtype=jnp.float32)
    A_row_idx = jax.random.randint(k3, (NNZ,), 0, D, dtype=jnp.int64 if jax.config.read('jax_enable_x64') else jnp.int32)
    A_col_idx = jnp.repeat(jnp.arange(E, dtype=A_row_idx.dtype), PER_COL)
    return {"x": x, "A_values": A_values, "A_row_idx": A_row_idx, "A_col_idx": A_col_idx}


def reference(x, A_values, A_row_idx, A_col_idx):
    # f_A(X) = log_matmul_exp(X, A): out[n, e] = log(sum_d exp(x[n, d] + A[d, e]))
    # expansion[n, j] = A.values[j] + x[n, A.indices[0][j]]  -> [N, NNZ]
    expansion = A_values[None, :] + x[:, A_row_idx]
    # segment_csr(max) over columns (indptr along nnz axis) == sorted segment max by col id
    maximums = jax.ops.segment_max(expansion.T, A_col_idx, num_segments=E,
                                   indices_are_sorted=True).T  # [N, E]
    # segment_csr(sum) of exp(expansion - max broadcast back to nnz)
    shifted = jnp.exp(expansion - maximums[:, A_col_idx])
    sumexp_offset = jax.ops.segment_sum(shifted.T, A_col_idx, num_segments=E,
                                        indices_are_sorted=True).T  # [N, E]
    return maximums + jnp.log(sumexp_offset)

if __name__ == "__main__":
    import jax
    _d = setup_inputs()
    print(jax.jit(kernel)(*tuple(_d.values())))

</pallas_src>

<mosaic_0001>
#map = affine_map<(d0, d1) -> (0, 0)>
#map1 = affine_map<(d0, d1) -> (0)>
module attributes {stable_mosaic.version = 14 : i64} {
  func.func @sc_body(%arg0: i32, %arg1: i32, %arg2: memref<16384x64xf32, #tpu.memory_space<hbm>>, %arg3: memref<262144xf32, #tpu.memory_space<hbm>>, %arg4: memref<262144xi32, #tpu.memory_space<hbm>>, %arg5: memref<2097152xf32, #tpu.memory_space<hbm>>, %arg6: memref<8192xi32, #tpu.memory_space<vmem>>, %arg7: memref<8192xf32, #tpu.memory_space<vmem>>, %arg8: memref<256x64xf32, #tpu.memory_space<vmem>>, %arg9: memref<256x64xf32, #tpu.memory_space<vmem>>, %arg10: memref<2048xf32, #tpu.memory_space<vmem>>, %arg11: memref<2048xf32, #tpu.memory_space<vmem>>, %arg12: memref<!tpu.dma_semaphore, #tpu.memory_space<semaphore_mem>>, %arg13: memref<!tpu.dma_semaphore, #tpu.memory_space<semaphore_mem>>, %arg14: memref<!tpu.dma_semaphore, #tpu.memory_space<semaphore_mem>>, %arg15: memref<!tpu.dma_semaphore, #tpu.memory_space<semaphore_mem>>) attributes {dimension_semantics = [#tpu.dimension_semantics<core_parallel>, #tpu.dimension_semantics<subcore_parallel>], iteration_bounds = array<i64: 2, 16>, scalar_prefetch = 0 : i64, scratch_operands = 10 : i64, tpu.core_type = #tpu.core_type<sc_vector_subcore>, window_params = [{transform_indices = #map}, {transform_indices = #map1}, {transform_indices = #map1}, {transform_indices = #map1}]} {
    %mul3A = arith.constant 2 : i32
    %mul3A_0 = arith.muli %arg1, %mul3A : i32
    %add3A = arith.addi %mul3A_0, %arg0 : i32
    %mul3A_1 = arith.constant 8192 : i32
    %mul3A_2 = arith.muli %add3A, %mul3A_1 : i32
    %add3A_3 = arith.constant 0 : i32
    %add3A_4 = arith.addi %add3A_3, %mul3A_2 : i32
    %mul3A_5 = arith.constant 512 : i32
    %mul3A_6 = arith.muli %add3A, %mul3A_5 : i32
    %dma_start3A = tpu.memref_slice %arg4[%add3A_4] : memref<262144xi32, #tpu.memory_space<hbm>> -> memref<8192xi32, #tpu.memory_space<hbm>>
    %dma_start3A_7 = tpu.memref_slice %arg4[%add3A_4] : memref<262144xi32, #tpu.memory_space<hbm>> -> memref<8192xi32, #tpu.memory_space<hbm>>
    tpu.enqueue_dma source(%dma_start3A_7 : memref<8192xi32, #tpu.memory_space<hbm>>) target(%arg6 : memref<8192xi32, #tpu.memory_space<vmem>>) target_semaphore(%arg12 : memref<!tpu.dma_semaphore, #tpu.memory_space<semaphore_mem>>)
    %dma_start3A_8 = tpu.memref_slice %arg3[%add3A_4] : memref<262144xf32, #tpu.memory_space<hbm>> -> memref<8192xf32, #tpu.memory_space<hbm>>
    %dma_start3A_9 = tpu.memref_slice %arg3[%add3A_4] : memref<262144xf32, #tpu.memory_space<hbm>> -> memref<8192xf32, #tpu.memory_space<hbm>>
    tpu.enqueue_dma source(%dma_start3A_9 : memref<8192xf32, #tpu.memory_space<hbm>>) target(%arg7 : memref<8192xf32, #tpu.memory_space<vmem>>) target_semaphore(%arg12 : memref<!tpu.dma_semaphore, #tpu.memory_space<semaphore_mem>>)
    %dma_wait3A = tpu.memref_slice %arg4[%add3A_4] : memref<262144xi32, #tpu.memory_space<hbm>> -> memref<8192xi32, #tpu.memory_space<hbm>>
    %dma_wait3A_10 = tpu.memref_slice %arg4[%add3A_4] : memref<262144xi32, #tpu.memory_space<hbm>> -> memref<8192xi32, #tpu.memory_space<hbm>>
    tpu.wait_dma2 semaphore(%arg12 : memref<!tpu.dma_semaphore, #tpu.memory_space<semaphore_mem>>) src(%dma_wait3A_10 : memref<8192xi32, #tpu.memory_space<hbm>>) dst(%arg6 : memref<8192xi32, #tpu.memory_space<vmem>>)
    %dma_wait3A_11 = tpu.memref_slice %arg3[%add3A_4] : memref<262144xf32, #tpu.memory_space<hbm>> -> memref<8192xf32, #tpu.memory_space<hbm>>
    %dma_wait3A_12 = tpu.memref_slice %arg3[%add3A_4] : memref<262144xf32, #tpu.memory_space<hbm>> -> memref<8192xf32, #tpu.memory_space<hbm>>
    tpu.wait_dma2 semaphore(%arg12 : memref<!tpu.dma_semaphore, #tpu.memory_space<semaphore_mem>>) src(%dma_wait3A_12 : memref<8192xf32, #tpu.memory_space<hbm>>) dst(%arg7 : memref<8192xf32, #tpu.memory_space<vmem>>)
    %dma_start3A_13 = arith.constant 0 : i32
    %dma_start3A_14 = arith.constant 0 : i32
    %dma_start3A_15 = tpu.memref_slice %arg8[%dma_start3A_13, %dma_start3A_14] : memref<256x64xf32, #tpu.memory_space<vmem>> -> memref<128x64xf32, #tpu.memory_space<vmem>>
    %dma_start3A_16 = arith.constant 0 : i32
    %dma_start3A_17 = tpu.memref_slice %arg6[%dma_start3A_16] : memref<8192xi32, #tpu.memory_space<vmem>> -> memref<128xi32, #tpu.memory_space<vmem>>
    %dma_start3A_18 = arith.constant 0 : i32
    %dma_start3A_19 = arith.constant 0 : i32
    %dma_start3A_20 = tpu.memref_slice %arg2[%dma_start3A_18, %dma_start3A_19] : memref<16384x64xf32, #tpu.memory_space<hbm>> -> memref<16384x64xf32, #tpu.memory_space<hbm>>
    tpu.enqueue_indirect_dma source(%dma_start3A_20 : memref<16384x64xf32, #tpu.memory_space<hbm>>) target(%dma_start3A_15 : memref<128x64xf32, #tpu.memory_space<vmem>>) offsets(%dma_start3A_17 : memref<128xi32, #tpu.memory_space<vmem>>) semaphore(%arg12 : memref<!tpu.dma_semaphore, #tpu.memory_space<semaphore_mem>>)
    %dma_start3A_21 = arith.constant 128 : i32
    %dma_start3A_22 = arith.constant 0 : i32
    %dma_start3A_23 = tpu.memref_slice %arg8[%dma_start3A_21, %dma_start3A_22] : memref<256x64xf32, #tpu.memory_space<vmem>> -> memref<128x64xf32, #tpu.memory_space<vmem>>
    %dma_start3A_24 = arith.constant 128 : i32
    %dma_start3A_25 = tpu.memref_slice %arg6[%dma_start3A_24] : memref<8192xi32, #tpu.memory_space<vmem>> -> memref<128xi32, #tpu.memory_space<vmem>>
    %dma_start3A_26 = arith.constant 0 : i32
    %dma_start3A_27 = arith.constant 0 : i32
    %dma_start3A_28 = tpu.memref_slice %arg2[%dma_start3A_26, %dma_start3A_27] : memref<16384x64xf32, #tpu.memory_space<hbm>> -> memref<16384x64xf32, #tpu.memory_space<hbm>>
    tpu.enqueue_indirect_dma source(%dma_start3A_28 : memref<16384x64xf32, #tpu.memory_space<hbm>>) target(%dma_start3A_23 : memref<128x64xf32, #tpu.memory_space<vmem>>) offsets(%dma_start3A_25 : memref<128xi32, #tpu.memory_space<vmem>>) semaphore(%arg12 : memref<!tpu.dma_semaphore, #tpu.memory_space<semaphore_mem>>)
    %scan3A = arith.constant 0 : i32
    %scan3A_29 = arith.constant 0 : i32
    %scan3A_30 = arith.constant 16 : i32
    %scan3A_31 = arith.addi %scan3A_29, %scan3A_30 : i32
    %scan3A_32 = arith.constant 1 : i32
    scf.for %scan3A_42 = %scan3A_29 to %scan3A_31 step %scan3A_32  : i32 {
      %mul3A_43 = arith.constant 2 : i32
      %mul3A_44 = arith.muli %scan3A_42, %mul3A_43 : i32
      %add3A_45 = arith.constant 1 : i32
      %add3A_46 = arith.addi %mul3A_44, %add3A_45 : i32
      %mul3A_47 = arith.constant 256 : i32
      %mul3A_48 = arith.muli %add3A_46, %mul3A_47 : i32
      %add3A_49 = arith.constant 0 : i32
      %add3A_50 = arith.addi %mul3A_48, %add3A_49 : i32
      %dma_start3A_51 = arith.constant 0 : i32
      %dma_start3A_52 = arith.constant 0 : i32
      %dma_start3A_53 = tpu.memref_slice %arg9[%dma_start3A_51, %dma_start3A_52] : memref<256x64xf32, #tpu.memory_space<vmem>> -> memref<128x64xf32, #tpu.memory_space<vmem>>
      %dma_start3A_54 = tpu.memref_slice %arg6[%add3A_50] : memref<8192xi32, #tpu.memory_space<vmem>> -> memref<128xi32, #tpu.memory_space<vmem>>
      %dma_start3A_55 = arith.constant 0 : i32
      %dma_start3A_56 = arith.constant 0 : i32
      %dma_start3A_57 = tpu.memref_slice %arg2[%dma_start3A_55, %dma_start3A_56] : memref<16384x64xf32, #tpu.memory_space<hbm>> -> memref<16384x64xf32, #tpu.memory_space<hbm>>
      tpu.enqueue_indirect_dma source(%dma_start3A_57 : memref<16384x64xf32, #tpu.memory_space<hbm>>) target(%dma_start3A_53 : memref<128x64xf32, #tpu.memory_space<vmem>>) offsets(%dma_start3A_54 : memref<128xi32, #tpu.memory_space<vmem>>) semaphore(%arg13 : memref<!tpu.dma_semaphore, #tpu.memory_space<semaphore_mem>>)
      %mul3A_58 = arith.constant 256 : i32
      %mul3A_59 = arith.muli %add3A_46, %mul3A_58 : i32
      %add3A_60 = arith.constant 128 : i32
      %add3A_61 = arith.addi %mul3A_59, %add3A_60 : i32
      %dma_start3A_62 = arith.constant 128 : i32
      %dma_start3A_63 = arith.constant 0 : i32
      %dma_start3A_64 = tpu.memref_slice %arg9[%dma_start3A_62, %dma_start3A_63] : memref<256x64xf32, #tpu.memory_space<vmem>> -> memref<128x64xf32, #tpu.memory_space<vmem>>
      %dma_start3A_65 = tpu.memref_slice %arg6[%add3A_61] : memref<8192xi32, #tpu.memory_space<vmem>> -> memref<128xi32, #tpu.memory_space<vmem>>
      %dma_start3A_66 = arith.constant 0 : i32
      %dma_start3A_67 = arith.constant 0 : i32
      %dma_start3A_68 = tpu.memref_slice %arg2[%dma_start3A_66, %dma_start3A_67] : memref<16384x64xf32, #tpu.memory_space<hbm>> -> memref<16384x64xf32, #tpu.memory_space<hbm>>
      tpu.enqueue_indirect_dma source(%dma_start3A_68 : memref<16384x64xf32, #tpu.memory_space<hbm>>) target(%dma_start3A_64 : memref<128x64xf32, #tpu.memory_space<vmem>>) offsets(%dma_start3A_65 : memref<128xi32, #tpu.memory_space<vmem>>) semaphore(%arg13 : memref<!tpu.dma_semaphore, #tpu.memory_space<semaphore_mem>>)
      %dma_wait3A_69 = arith.constant 0 : i32
      %dma_wait3A_70 = arith.constant 0 : i32
      %dma_wait3A_71 = tpu.memref_slice %arg8[%dma_wait3A_69, %dma_wait3A_70] : memref<256x64xf32, #tpu.memory_space<vmem>> -> memref<128x64xf32, #tpu.memory_space<vmem>>
      %dma_wait3A_72 = arith.constant 0 : i32
      %dma_wait3A_73 = tpu.memref_slice %arg6[%dma_wait3A_72] : memref<8192xi32, #tpu.memory_space<vmem>> -> memref<128xi32, #tpu.memory_space<vmem>>
      %dma_wait3A_74 = arith.constant 0 : i32
      %dma_wait3A_75 = arith.constant 0 : i32
      %dma_wait3A_76 = tpu.memref_slice %arg2[%dma_wait3A_74, %dma_wait3A_75] : memref<16384x64xf32, #tpu.memory_space<hbm>> -> memref<16384x64xf32, #tpu.memory_space<hbm>>
      tpu.wait_indirect_dma semaphore(%arg12 : memref<!tpu.dma_semaphore, #tpu.memory_space<semaphore_mem>>) src(%dma_wait3A_76 : memref<16384x64xf32, #tpu.memory_space<hbm>>) dst(%dma_wait3A_71 : memref<128x64xf32, #tpu.memory_space<vmem>>)
      %dma_wait3A_77 = arith.constant 128 : i32
      %dma_wait3A_78 = arith.constant 0 : i32
      %dma_wait3A_79 = tpu.memref_slice %arg8[%dma_wait3A_77, %dma_wait3A_78] : memref<256x64xf32, #tpu.memory_space<vmem>> -> memref<128x64xf32, #tpu.memory_space<vmem>>
      %dma_wait3A_80 = arith.constant 128 : i32
      %dma_wait3A_81 = tpu.memref_slice %arg6[%dma_wait3A_80] : memref<8192xi32, #tpu.memory_space<vmem>> -> memref<128xi32, #tpu.memory_space<vmem>>
      %dma_wait3A_82 = arith.constant 0 : i32
      %dma_wait3A_83 = arith.constant 0 : i32
      %dma_wait3A_84 = tpu.memref_slice %arg2[%dma_wait3A_82, %dma_wait3A_83] : memref<16384x64xf32, #tpu.memory_space<hbm>> -> memref<16384x64xf32, #tpu.memory_space<hbm>>
      tpu.wait_indirect_dma semaphore(%arg12 : memref<!tpu.dma_semaphore, #tpu.memory_space<semaphore_mem>>) src(%dma_wait3A_84 : memref<16384x64xf32, #tpu.memory_space<hbm>>) dst(%dma_wait3A_79 : memref<128x64xf32, #tpu.memory_space<vmem>>)
      %gt3A = arith.constant 0 : i32
      %gt3A_85 = arith.cmpi sgt, %scan3A_42, %gt3A : i32
      %convert_element_type3A = arith.extui %gt3A_85 : i1 to i32
      %cond3A = arith.constant 0 : i32
      %cond3A_86 = arith.cmpi ne, %convert_element_type3A, %cond3A : i32
      scf.if %cond3A_86 {
        %dma_wait3A_137 = arith.constant 0 : i32
        %dma_wait3A_138 = tpu.memref_slice %arg5[%dma_wait3A_137] : memref<2097152xf32, #tpu.memory_space<hbm>> -> memref<2048xf32, #tpu.memory_space<hbm>>
        %dma_wait3A_139 = arith.constant 0 : i32
        %dma_wait3A_140 = tpu.memref_slice %arg5[%dma_wait3A_139] : memref<2097152xf32, #tpu.memory_space<hbm>> -> memref<2048xf32, #tpu.memory_space<hbm>>
        tpu.wait_dma2 semaphore(%arg14 : memref<!tpu.dma_semaphore, #tpu.memory_space<semaphore_mem>>) src(%arg10 : memref<2048xf32, #tpu.memory_space<vmem>>) dst(%dma_wait3A_140 : memref<2048xf32, #tpu.memory_space<hbm>>)
      } else {
      }
      %parallel_loop3A = arith.constant 0 : i32
      %parallel_loop3A_87 = arith.constant 16 : i32
      %parallel_loop3A_88 = arith.constant 1 : i32
      scf.for %parallel_loop3A_137 = %parallel_loop3A to %parallel_loop3A_87 step %parallel_loop3A_88  : i32 {
        %parallel_loop3A_138 = arith.constant 16 : i32
        %parallel_loop3A_139 = arith.muli %parallel_loop3A_137, %parallel_loop3A_138 : i32
        %parallel_loop3A_140 = arith.constant 256 : i32
        %parallel_loop3A_141 = arith.muli %mul3A_44, %parallel_loop3A_140 : i32
        %parallel_loop3A_142 = arith.constant 16 : i32
        %parallel_loop3A_143 = arith.muli %parallel_loop3A_137, %parallel_loop3A_142 : i32
        %parallel_loop3A_144 = arith.addi %parallel_loop3A_141, %parallel_loop3A_143 : i32
        %parallel_loop3A_145 = arith.index_cast %parallel_loop3A_144 : i32 to index
        %parallel_loop3A_146 = tpu.vector_load %arg7[%parallel_loop3A_145] {strides = array<i32>} : memref<8192xf32, #tpu.memory_space<vmem>>, vector<16xf32>,
        %parallel_loop3A_147 = vector.shape_cast %parallel_loop3A_146 : vector<16xf32> to vector<16xf32>
        %parallel_loop3A_148 = arith.constant 0 : i32
        %parallel_loop3A_149 = arith.addi %parallel_loop3A_139, %parallel_loop3A_148 : i32
        %parallel_loop3A_150 = arith.index_cast %parallel_loop3A_149 : i32 to index
        %parallel_loop3A_151 = arith.constant 0 : index
        %parallel_loop3A_152 = tpu.vector_load %arg8[%parallel_loop3A_150, %parallel_loop3A_151] {strides = array<i32>} : memref<256x64xf32, #tpu.memory_space<vmem>>, vector<1x16xf32>,
        %parallel_loop3A_153 = vector.shape_cast %parallel_loop3A_152 : vector<1x16xf32> to vector<16xf32>
        %parallel_loop3A_154 = vector.extract_strided_slice %parallel_loop3A_147 {offsets = [0], sizes = [1], strides = [1]} : vector<16xf32> to vector<1xf32>
        %parallel_loop3A_155 = vector.extract %parallel_loop3A_154[0] : f32 from vector<1xf32>
        %parallel_loop3A_156 = vector.broadcast %parallel_loop3A_155 : f32 to vector<16xf32>
        %parallel_loop3A_157 = arith.addf %parallel_loop3A_153, %parallel_loop3A_156 : vector<16xf32>
        %parallel_loop3A_158 = arith.constant 1 : i32
        %parallel_loop3A_159 = arith.addi %parallel_loop3A_139, %parallel_loop3A_158 : i32
        %parallel_loop3A_160 = arith.index_cast %parallel_loop3A_159 : i32 to index
        %parallel_loop3A_161 = arith.constant 0 : index
        %parallel_loop3A_162 = tpu.vector_load %arg8[%parallel_loop3A_160, %parallel_loop3A_161] {strides = array<i32>} : memref<256x64xf32, #tpu.memory_space<vmem>>, vector<1x16xf32>,
        %parallel_loop3A_163 = vector.shape_cast %parallel_loop3A_162 : vector<1x16xf32> to vector<16xf32>
        %parallel_loop3A_164 = vector.extract_strided_slice %parallel_loop3A_147 {offsets = [1], sizes = [1], strides = [1]} : vector<16xf32> to vector<1xf32>
        %parallel_loop3A_165 = vector.extract %parallel_loop3A_164[0] : f32 from vector<1xf32>
        %parallel_loop3A_166 = vector.broadcast %parallel_loop3A_165 : f32 to vector<16xf32>
        %parallel_loop3A_167 = arith.addf %parallel_loop3A_163, %parallel_loop3A_166 : vector<16xf32>
        %parallel_loop3A_168 = arith.constant 2 : i32
        %parallel_loop3A_169 = arith.addi %parallel_loop3A_139, %parallel_loop3A_168 : i32
        %parallel_loop3A_170 = arith.index_cast %parallel_loop3A_169 : i32 to index
        %parallel_loop3A_171 = arith.constant 0 : index
        %parallel_loop3A_172 = tpu.vector_load %arg8[%parallel_loop3A_170, %parallel_loop3A_171] {strides = array<i32>} : memref<256x64xf32, #tpu.memory_space<vmem>>, vector<1x16xf32>,
        %parallel_loop3A_173 = vector.shape_cast %parallel_loop3A_172 : vector<1x16xf32> to vector<16xf32>
        %parallel_loop3A_174 = vector.extract_strided_slice %parallel_loop3A_147 {offsets = [2], sizes = [1], strides = [1]} : vector<16xf32> to vector<1xf32>
        %parallel_loop3A_175 = vector.extract %parallel_loop3A_174[0] : f32 from vector<1xf32>
        %parallel_loop3A_176 = vector.broadcast %parallel_loop3A_175 : f32 to vector<16xf32>
        %parallel_loop3A_177 = arith.addf %parallel_loop3A_173, %parallel_loop3A_176 : vector<16xf32>
        %parallel_loop3A_178 = arith.constant 3 : i32
        %parallel_loop3A_179 = arith.addi %parallel_loop3A_139, %parallel_loop3A_178 : i32
        %parallel_loop3A_180 = arith.index_cast %parallel_loop3A_179 : i32 to index
        %parallel_loop3A_181 = arith.constant 0 : index
        %parallel_loop3A_182 = tpu.vector_load %arg8[%parallel_loop3A_180, %parallel_loop3A_181] {strides = array<i32>} : memref<256x64xf32, #tpu.memory_space<vmem>>, vector<1x16xf32>,
        %parallel_loop3A_183 = vector.shape_cast %parallel_loop3A_182 : vector<1x16xf32> to vector<16xf32>
        %parallel_loop3A_184 = vector.extract_strided_slice %parallel_loop3A_147 {offsets = [3], sizes = [1], strides = [1]} : vector<16xf32> to vector<1xf32>
        %parallel_loop3A_185 = vector.extract %parallel_loop3A_184[0] : f32 from vector<1xf32>
        %parallel_loop3A_186 = vector.broadcast %parallel_loop3A_185 : f32 to vector<16xf32>
        %parallel_loop3A_187 = arith.addf %parallel_loop3A_183, %parallel_loop3A_186 : vector<16xf32>
        %parallel_loop3A_188 = arith.constant 4 : i32
        %parallel_loop3A_189 = arith.addi %parallel_loop3A_139, %parallel_loop3A_188 : i32
        %parallel_loop3A_190 = arith.index_cast %parallel_loop3A_189 : i32 to index
        %parallel_loop3A_191 = arith.constant 0 : index
        %parallel_loop3A_192 = tpu.vector_load %arg8[%parallel_loop3A_190, %parallel_loop3A_191] {strides = array<i32>} : memref<256x64xf32, #tpu.memory_space<vmem>>, vector<1x16xf32>,
        %parallel_loop3A_193 = vector.shape_cast %parallel_loop3A_192 : vector<1x16xf32> to vector<16xf32>
        %parallel_loop3A_194 = vector.extract_strided_slice %parallel_loop3A_147 {offsets = [4], sizes = [1], strides = [1]} : vector<16xf32> to vector<1xf32>
        %parallel_loop3A_195 = vector.extract %parallel_loop3A_194[0] : f32 from vector<1xf32>
        %parallel_loop3A_196 = vector.broadcast %parallel_loop3A_195 : f32 to vector<16xf32>
        %parallel_loop3A_197 = arith.addf %parallel_loop3A_193, %parallel_loop3A_196 : vector<16xf32>
        %parallel_loop3A_198 = arith.constant 5 : i32
        %parallel_loop3A_199 = arith.addi %parallel_loop3A_139, %parallel_loop3A_198 : i32
        %parallel_loop3A_200 = arith.index_cast %parallel_loop3A_199 : i32 to index
        %parallel_loop3A_201 = arith.constant 0 : index
        %parallel_loop3A_202 = tpu.vector_load %arg8[%parallel_loop3A_200, %parallel_loop3A_201] {strides = array<i32>} : memref<256x64xf32, #tpu.memory_space<vmem>>, vector<1x16xf32>,
        %parallel_loop3A_203 = vector.shape_cast %parallel_loop3A_202 : vector<1x16xf32> to vector<16xf32>
        %parallel_loop3A_204 = vector.extract_strided_slice %parallel_loop3A_147 {offsets = [5], sizes = [1], strides = [1]} : vector<16xf32> to vector<1xf32>
        %parallel_loop3A_205 = vector.extract %parallel_loop3A_204[0] : f32 from vector<1xf32>
        %parallel_loop3A_206 = vector.broadcast %parallel_loop3A_205 : f32 to vector<16xf32>
        %parallel_loop3A_207 = arith.addf %parallel_loop3A_203, %parallel_loop3A_206 : vector<16xf32>
        %parallel_loop3A_208 = arith.constant 6 : i32
        %parallel_loop3A_209 = arith.addi %parallel_loop3A_139, %parallel_loop3A_208 : i32
        %parallel_loop3A_210 = arith.index_cast %parallel_loop3A_209 : i32 to index
        %parallel_loop3A_211 = arith.constant 0 : index
        %parallel_loop3A_212 = tpu.vector_load %arg8[%parallel_loop3A_210, %parallel_loop3A_211] {strides = array<i32>} : memref<256x64xf32, #tpu.memory_space<vmem>>, vector<1x16xf32>,
        %parallel_loop3A_213 = vector.shape_cast %parallel_loop3A_212 : vector<1x16xf32> to vector<16xf32>
        %parallel_loop3A_214 = vector.extract_strided_slice %parallel_loop3A_147 {offsets = [6], sizes = [1], strides = [1]} : vector<16xf32> to vector<1xf32>
        %parallel_loop3A_215 = vector.extract %parallel_loop3A_214[0] : f32 from vector<1xf32>
        %parallel_loop3A_216 = vector.broadcast %parallel_loop3A_215 : f32 to vector<16xf32>
        %parallel_loop3A_217 = arith.addf %parallel_loop3A_213, %parallel_loop3A_216 : vector<16xf32>
        %parallel_loop3A_218 = arith.constant 7 : i32
        %parallel_loop3A_219 = arith.addi %parallel_loop3A_139, %parallel_loop3A_218 : i32
        %parallel_loop3A_220 = arith.index_cast %parallel_loop3A_219 : i32 to index
        %parallel_loop3A_221 = arith.constant 0 : index
        %parallel_loop3A_222 = tpu.vector_load %arg8[%parallel_loop3A_220, %parallel_loop3A_221] {strides = array<i32>} : memref<256x64xf32, #tpu.memory_space<vmem>>, vector<1x16xf32>,
        %parallel_loop3A_223 = vector.shape_cast %parallel_loop3A_222 : vector<1x16xf32> to vector<16xf32>
        %parallel_loop3A_224 = vector.extract_strided_slice %parallel_loop3A_147 {offsets = [7], sizes = [1], strides = [1]} : vector<16xf32> to vector<1xf32>
        %parallel_loop3A_225 = vector.extract %parallel_loop3A_224[0] : f32 from vector<1xf32>
        %parallel_loop3A_226 = vector.broadcast %parallel_loop3A_225 : f32 to vector<16xf32>
        %parallel_loop3A_227 = arith.addf %parallel_loop3A_223, %parallel_loop3A_226 : vector<16xf32>
        %parallel_loop3A_228 = arith.constant 8 : i32
        %parallel_loop3A_229 = arith.addi %parallel_loop3A_139, %parallel_loop3A_228 : i32
        %parallel_loop3A_230 = arith.index_cast %parallel_loop3A_229 : i32 to index
        %parallel_loop3A_231 = arith.constant 0 : index
        %parallel_loop3A_232 = tpu.vector_load %arg8[%parallel_loop3A_230, %parallel_loop3A_231] {strides = array<i32>} : memref<256x64xf32, #tpu.memory_space<vmem>>, vector<1x16xf32>,
        %parallel_loop3A_233 = vector.shape_cast %parallel_loop3A_232 : vector<1x16xf32> to vector<16xf32>
        %parallel_loop3A_234 = vector.extract_strided_slice %parallel_loop3A_147 {offsets = [8], sizes = [1], strides = [1]} : vector<16xf32> to vector<1xf32>
        %parallel_loop3A_235 = vector.extract %parallel_loop3A_234[0] : f32 from vector<1xf32>
        %parallel_loop3A_236 = vector.broadcast %parallel_loop3A_235 : f32 to vector<16xf32>
        %parallel_loop3A_237 = arith.addf %parallel_loop3A_233, %parallel_loop3A_236 : vector<16xf32>
        %parallel_loop3A_238 = arith.constant 9 : i32
        %parallel_loop3A_239 = arith.addi %parallel_loop3A_139, %parallel_loop3A_238 : i32
        %parallel_loop3A_240 = arith.index_cast %parallel_loop3A_239 : i32 to index
        %parallel_loop3A_241 = arith.constant 0 : index
        %parallel_loop3A_242 = tpu.vector_load %arg8[%parallel_loop3A_240, %parallel_loop3A_241] {strides = array<i32>} : memref<256x64xf32, #tpu.memory_space<vmem>>, vector<1x16xf32>,
        %parallel_loop3A_243 = vector.shape_cast %parallel_loop3A_242 : vector<1x16xf32> to vector<16xf32>
        %parallel_loop3A_244 = vector.extract_strided_slice %parallel_loop3A_147 {offsets = [9], sizes = [1], strides = [1]} : vector<16xf32> to vector<1xf32>
        %parallel_loop3A_245 = vector.extract %parallel_loop3A_244[0] : f32 from vector<1xf32>
        %parallel_loop3A_246 = vector.broadcast %parallel_loop3A_245 : f32 to vector<16xf32>
        %parallel_loop3A_247 = arith.addf %parallel_loop3A_243, %parallel_loop3A_246 : vector<16xf32>
        %parallel_loop3A_248 = arith.constant 10 : i32
        %parallel_loop3A_249 = arith.addi %parallel_loop3A_139, %parallel_loop3A_248 : i32
        %parallel_loop3A_250 = arith.index_cast %parallel_loop3A_249 : i32 to index
        %parallel_loop3A_251 = arith.constant 0 : index
        %parallel_loop3A_252 = tpu.vector_load %arg8[%parallel_loop3A_250, %parallel_loop3A_251] {strides = array<i32>} : memref<256x64xf32, #tpu.memory_space<vmem>>, vector<1x16xf32>,
        %parallel_loop3A_253 = vector.shape_cast %parallel_loop3A_252 : vector<1x16xf32> to vector<16xf32>
        %parallel_loop3A_254 = vector.extract_strided_slice %parallel_loop3A_147 {offsets = [10], sizes = [1], strides = [1]} : vector<16xf32> to vector<1xf32>
        %parallel_loop3A_255 = vector.extract %parallel_loop3A_254[0] : f32 from vector<1xf32>
        %parallel_loop3A_256 = vector.broadcast %parallel_loop3A_255 : f32 to vector<16xf32>
        %parallel_loop3A_257 = arith.addf %parallel_loop3A_253, %parallel_loop3A_256 : vector<16xf32>
        %parallel_loop3A_258 = arith.constant 11 : i32
        %parallel_loop3A_259 = arith.addi %parallel_loop3A_139, %parallel_loop3A_258 : i32
        %parallel_loop3A_260 = arith.index_cast %parallel_loop3A_259 : i32 to index
        %parallel_loop3A_261 = arith.constant 0 : index
        %parallel_loop3A_262 = tpu.vector_load %arg8[%parallel_loop3A_260, %parallel_loop3A_261] {strides = array<i32>} : memref<256x64xf32, #tpu.memory_space<vmem>>, vector<1x16xf32>,
        %parallel_loop3A_263 = vector.shape_cast %parallel_loop3A_262 : vector<1x16xf32> to vector<16xf32>
        %parallel_loop3A_264 = vector.extract_strided_slice %parallel_loop3A_147 {offsets = [11], sizes = [1], strides = [1]} : vector<16xf32> to vector<1xf32>
        %parallel_loop3A_265 = vector.extract %parallel_loop3A_264[0] : f32 from vector<1xf32>
        %parallel_loop3A_266 = vector.broadcast %parallel_loop3A_265 : f32 to vector<16xf32>
        %parallel_loop3A_267 = arith.addf %parallel_loop3A_263, %parallel_loop3A_266 : vector<16xf32>
        %parallel_loop3A_268 = arith.constant 12 : i32
        %parallel_loop3A_269 = arith.addi %parallel_loop3A_139, %parallel_loop3A_268 : i32
        %parallel_loop3A_270 = arith.index_cast %parallel_loop3A_269 : i32 to index
        %parallel_loop3A_271 = arith.constant 0 : index
        %parallel_loop3A_272 = tpu.vector_load %arg8[%parallel_loop3A_270, %parallel_loop3A_271] {strides = array<i32>} : memref<256x64xf32, #tpu.memory_space<vmem>>, vector<1x16xf32>,
        %parallel_loop3A_273 = vector.shape_cast %parallel_loop3A_272 : vector<1x16xf32> to vector<16xf32>
        %parallel_loop3A_274 = vector.extract_strided_slice %parallel_loop3A_147 {offsets = [12], sizes = [1], strides = [1]} : vector<16xf32> to vector<1xf32>
        %parallel_loop3A_275 = vector.extract %parallel_loop3A_274[0] : f32 from vector<1xf32>
        %parallel_loop3A_276 = vector.broadcast %parallel_loop3A_275 : f32 to vector<16xf32>
        %parallel_loop3A_277 = arith.addf %parallel_loop3A_273, %parallel_loop3A_276 : vector<16xf32>
        %parallel_loop3A_278 = arith.constant 13 : i32
        %parallel_loop3A_279 = arith.addi %parallel_loop3A_139, %parallel_loop3A_278 : i32
        %parallel_loop3A_280 = arith.index_cast %parallel_loop3A_279 : i32 to index
        %parallel_loop3A_281 = arith.constant 0 : index
        %parallel_loop3A_282 = tpu.vector_load %arg8[%parallel_loop3A_280, %parallel_loop3A_281] {strides = array<i32>} : memref<256x64xf32, #tpu.memory_space<vmem>>, vector<1x16xf32>,
        %parallel_loop3A_283 = vector.shape_cast %parallel_loop3A_282 : vector<1x16xf32> to vector<16xf32>
        %parallel_loop3A_284 = vector.extract_strided_slice %parallel_loop3A_147 {offsets = [13], sizes = [1], strides = [1]} : vector<16xf32> to vector<1xf32>
        %parallel_loop3A_285 = vector.extract %parallel_loop3A_284[0] : f32 from vector<1xf32>
        %parallel_loop3A_286 = vector.broadcast %parallel_loop3A_285 : f32 to vector<16xf32>
        %parallel_loop3A_287 = arith.addf %parallel_loop3A_283, %parallel_loop3A_286 : vector<16xf32>
        %parallel_loop3A_288 = arith.constant 14 : i32
        %parallel_loop3A_289 = arith.addi %parallel_loop3A_139, %parallel_loop3A_288 : i32
        %parallel_loop3A_290 = arith.index_cast %parallel_loop3A_289 : i32 to index
        %parallel_loop3A_291 = arith.constant 0 : index
        %parallel_loop3A_292 = tpu.vector_load %arg8[%parallel_loop3A_290, %parallel_loop3A_291] {strides = array<i32>} : memref<256x64xf32, #tpu.memory_space<vmem>>, vector<1x16xf32>,
        %parallel_loop3A_293 = vector.shape_cast %parallel_loop3A_292 : vector<1x16xf32> to vector<16xf32>
        %parallel_loop3A_294 = vector.extract_strided_slice %parallel_loop3A_147 {offsets = [14], sizes = [1], strides = [1]} : vector<16xf32> to vector<1xf32>
        %parallel_loop3A_295 = vector.extract %parallel_loop3A_294[0] : f32 from vector<1xf32>
        %parallel_loop3A_296 = vector.broadcast %parallel_loop3A_295 : f32 to vector<16xf32>
        %parallel_loop3A_297 = arith.addf %parallel_loop3A_293, %parallel_loop3A_296 : vector<16xf32>
        %parallel_loop3A_298 = arith.constant 15 : i32
        %parallel_loop3A_299 = arith.addi %parallel_loop3A_139, %parallel_loop3A_298 : i32
        %parallel_loop3A_300 = arith.index_cast %parallel_loop3A_299 : i32 to index
        %parallel_loop3A_301 = arith.constant 0 : index
        %parallel_loop3A_302 = tpu.vector_load %arg8[%parallel_loop3A_300, %parallel_loop3A_301] {strides = array<i32>} : memref<256x64xf32, #tpu.memory_space<vmem>>, vector<1x16xf32>,
        %parallel_loop3A_303 = vector.shape_cast %parallel_loop3A_302 : vector<1x16xf32> to vector<16xf32>
        %parallel_loop3A_304 = vector.extract_strided_slice %parallel_loop3A_147 {offsets = [15], sizes = [1], strides = [1]} : vector<16xf32> to vector<1xf32>
        %parallel_loop3A_305 = vector.extract %parallel_loop3A_304[0] : f32 from vector<1xf32>
        %parallel_loop3A_306 = vector.broadcast %parallel_loop3A_305 : f32 to vector<16xf32>
        %parallel_loop3A_307 = arith.addf %parallel_loop3A_303, %parallel_loop3A_306 : vector<16xf32>
        %parallel_loop3A_308 = arith.maximumf %parallel_loop3A_157, %parallel_loop3A_167 : vector<16xf32>
        %parallel_loop3A_309 = arith.maximumf %parallel_loop3A_177, %parallel_loop3A_187 : vector<16xf32>
        %parallel_loop3A_310 = arith.maximumf %parallel_loop3A_197, %parallel_loop3A_207 : vector<16xf32>
        %parallel_loop3A_311 = arith.maximumf %parallel_loop3A_217, %parallel_loop3A_227 : vector<16xf32>
        %parallel_loop3A_312 = arith.maximumf %parallel_loop3A_237, %parallel_loop3A_247 : vector<16xf32>
        %parallel_loop3A_313 = arith.maximumf %parallel_loop3A_257, %parallel_loop3A_267 : vector<16xf32>
        %parallel_loop3A_314 = arith.maximumf %parallel_loop3A_277, %parallel_loop3A_287 : vector<16xf32>
        %parallel_loop3A_315 = arith.maximumf %parallel_loop3A_297, %parallel_loop3A_307 : vector<16xf32>
        %parallel_loop3A_316 = arith.maximumf %parallel_loop3A_308, %parallel_loop3A_309 : vector<16xf32>
        %parallel_loop3A_317 = arith.maximumf %parallel_loop3A_310, %parallel_loop3A_311 : vector<16xf32>
        %parallel_loop3A_318 = arith.maximumf %parallel_loop3A_312, %parallel_loop3A_313 : vector<16xf32>
        %parallel_loop3A_319 = arith.maximumf %parallel_loop3A_314, %parallel_loop3A_315 : vector<16xf32>
        %parallel_loop3A_320 = arith.maximumf %parallel_loop3A_316, %parallel_loop3A_317 : vector<16xf32>
        %parallel_loop3A_321 = arith.maximumf %parallel_loop3A_318, %parallel_loop3A_319 : vector<16xf32>
        %parallel_loop3A_322 = arith.maximumf %parallel_loop3A_320, %parallel_loop3A_321 : vector<16xf32>
        %parallel_loop3A_323 = arith.subf %parallel_loop3A_157, %parallel_loop3A_322 : vector<16xf32>
        %parallel_loop3A_324 = math.exp %parallel_loop3A_323 : vector<16xf32>
        %parallel_loop3A_325 = arith.subf %parallel_loop3A_167, %parallel_loop3A_322 : vector<16xf32>
        %parallel_loop3A_326 = math.exp %parallel_loop3A_325 : vector<16xf32>
        %parallel_loop3A_327 = arith.subf %parallel_loop3A_177, %parallel_loop3A_322 : vector<16xf32>
        %parallel_loop3A_328 = math.exp %parallel_loop3A_327 : vector<16xf32>
        %parallel_loop3A_329 = arith.subf %parallel_loop3A_187, %parallel_loop3A_322 : vector<16xf32>
        %parallel_loop3A_330 = math.exp %parallel_loop3A_329 : vector<16xf32>
        %parallel_loop3A_331 = arith.subf %parallel_loop3A_197, %parallel_loop3A_322 : vector<16xf32>
        %parallel_loop3A_332 = math.exp %parallel_loop3A_331 : vector<16xf32>
        %parallel_loop3A_333 = arith.subf %parallel_loop3A_207, %parallel_loop3A_322 : vector<16xf32>
        %parallel_loop3A_334 = math.exp %parallel_loop3A_333 : vector<16xf32>
        %parallel_loop3A_335 = arith.subf %parallel_loop3A_217, %parallel_loop3A_322 : vector<16xf32>
        %parallel_loop3A_336 = math.exp %parallel_loop3A_335 : vector<16xf32>
        %parallel_loop3A_337 = arith.subf %parallel_loop3A_227, %parallel_loop3A_322 : vector<16xf32>
        %parallel_loop3A_338 = math.exp %parallel_loop3A_337 : vector<16xf32>
        %parallel_loop3A_339 = arith.subf %parallel_loop3A_237, %parallel_loop3A_322 : vector<16xf32>
        %parallel_loop3A_340 = math.exp %parallel_loop3A_339 : vector<16xf32>
        %parallel_loop3A_341 = arith.subf %parallel_loop3A_247, %parallel_loop3A_322 : vector<16xf32>
        %parallel_loop3A_342 = math.exp %parallel_loop3A_341 : vector<16xf32>
        %parallel_loop3A_343 = arith.subf %parallel_loop3A_257, %parallel_loop3A_322 : vector<16xf32>
        %parallel_loop3A_344 = math.exp %parallel_loop3A_343 : vector<16xf32>
        %parallel_loop3A_345 = arith.subf %parallel_loop3A_267, %parallel_loop3A_322 : vector<16xf32>
        %parallel_loop3A_346 = math.exp %parallel_loop3A_345 : vector<16xf32>
        %parallel_loop3A_347 = arith.subf %parallel_loop3A_277, %parallel_loop3A_322 : vector<16xf32>
        %parallel_loop3A_348 = math.exp %parallel_loop3A_347 : vector<16xf32>
        %parallel_loop3A_349 = arith.subf %parallel_loop3A_287, %parallel_loop3A_322 : vector<16xf32>
        %parallel_loop3A_350 = math.exp %parallel_loop3A_349 : vector<16xf32>
        %parallel_loop3A_351 = arith.subf %parallel_loop3A_297, %parallel_loop3A_322 : vector<16xf32>
        %parallel_loop3A_352 = math.exp %parallel_loop3A_351 : vector<16xf32>
        %parallel_loop3A_353 = arith.subf %parallel_loop3A_307, %parallel_loop3A_322 : vector<16xf32>
        %parallel_loop3A_354 = math.exp %parallel_loop3A_353 : vector<16xf32>
        %parallel_loop3A_355 = arith.addf %parallel_loop3A_324, %parallel_loop3A_326 : vector<16xf32>
        %parallel_loop3A_356 = arith.addf %parallel_loop3A_328, %parallel_loop3A_330 : vector<16xf32>
        %parallel_loop3A_357 = arith.addf %parallel_loop3A_332, %parallel_loop3A_334 : vector<16xf32>
        %parallel_loop3A_358 = arith.addf %parallel_loop3A_336, %parallel_loop3A_338 : vector<16xf32>
        %parallel_loop3A_359 = arith.addf %parallel_loop3A_340, %parallel_loop3A_342 : vector<16xf32>
        %parallel_loop3A_360 = arith.addf %parallel_loop3A_344, %parallel_loop3A_346 : vector<16xf32>
        %parallel_loop3A_361 = arith.addf %parallel_loop3A_348, %parallel_loop3A_350 : vector<16xf32>
        %parallel_loop3A_362 = arith.addf %parallel_loop3A_352, %parallel_loop3A_354 : vector<16xf32>
        %parallel_loop3A_363 = arith.addf %parallel_loop3A_355, %parallel_loop3A_356 : vector<16xf32>
        %parallel_loop3A_364 = arith.addf %parallel_loop3A_357, %parallel_loop3A_358 : vector<16xf32>
        %parallel_loop3A_365 = arith.addf %parallel_loop3A_359, %parallel_loop3A_360 : vector<16xf32>
        %parallel_loop3A_366 = arith.addf %parallel_loop3A_361, %parallel_loop3A_362 : vector<16xf32>
        %parallel_loop3A_367 = arith.addf %parallel_loop3A_363, %parallel_loop3A_364 : vector<16xf32>
        %parallel_loop3A_368 = arith.addf %parallel_loop3A_365, %parallel_loop3A_366 : vector<16xf32>
        %parallel_loop3A_369 = arith.addf %parallel_loop3A_367, %parallel_loop3A_368 : vector<16xf32>
        %parallel_loop3A_370 = arith.constant 128 : i32
        %parallel_loop3A_371 = arith.muli %parallel_loop3A_137, %parallel_loop3A_370 : i32
        %parallel_loop3A_372 = arith.constant 0 : i32
        %parallel_loop3A_373 = arith.addi %parallel_loop3A_371, %parallel_loop3A_372 : i32
        %parallel_loop3A_374 = arith.index_cast %parallel_loop3A_373 : i32 to index
        %parallel_loop3A_375 = tpu.vector_load %arg10[%parallel_loop3A_374] {strides = array<i32>} : memref<2048xf32, #tpu.memory_space<vmem>>, vector<16xf32>,
        %parallel_loop3A_376 = vector.shape_cast %parallel_loop3A_375 : vector<16xf32> to vector<16xf32>
        %parallel_loop3A_377 = vector.shape_cast %parallel_loop3A_322 : vector<16xf32> to vector<16xf32>
        tpu.vector_store %arg10[%parallel_loop3A_374], %parallel_loop3A_377 {strides = array<i32>} : memref<2048xf32, #tpu.memory_space<vmem>>, vector<16xf32>,
        %parallel_loop3A_378 = arith.constant 128 : i32
        %parallel_loop3A_379 = arith.muli %parallel_loop3A_137, %parallel_loop3A_378 : i32
        %parallel_loop3A_380 = arith.constant 64 : i32
        %parallel_loop3A_381 = arith.addi %parallel_loop3A_379, %parallel_loop3A_380 : i32
        %parallel_loop3A_382 = arith.constant 0 : i32
        %parallel_loop3A_383 = arith.addi %parallel_loop3A_381, %parallel_loop3A_382 : i32
        %parallel_loop3A_384 = arith.index_cast %parallel_loop3A_383 : i32 to index
        %parallel_loop3A_385 = tpu.vector_load %arg10[%parallel_loop3A_384] {strides = array<i32>} : memref<2048xf32, #tpu.memory_space<vmem>>, vector<16xf32>,
        %parallel_loop3A_386 = vector.shape_cast %parallel_loop3A_385 : vector<16xf32> to vector<16xf32>
        %parallel_loop3A_387 = vector.shape_cast %parallel_loop3A_369 : vector<16xf32> to vector<16xf32>
        tpu.vector_store %arg10[%parallel_loop3A_384], %parallel_loop3A_387 {strides = array<i32>} : memref<2048xf32, #tpu.memory_space<vmem>>, vector<16xf32>,
        %parallel_loop3A_388 = arith.constant 0 : i32
        %parallel_loop3A_389 = arith.addi %parallel_loop3A_139, %parallel_loop3A_388 : i32
        %parallel_loop3A_390 = arith.index_cast %parallel_loop3A_389 : i32 to index
        %parallel_loop3A_391 = arith.constant 16 : index
        %parallel_loop3A_392 = tpu.vector_load %arg8[%parallel_loop3A_390, %parallel_loop3A_391] {strides = array<i32>} : memref<256x64xf32, #tpu.memory_space<vmem>>, vector<1x16xf32>,
        %parallel_loop3A_393 = vector.shape_cast %parallel_loop3A_392 : vector<1x16xf32> to vector<16xf32>
        %parallel_loop3A_394 = vector.extract_strided_slice %parallel_loop3A_147 {offsets = [0], sizes = [1], strides = [1]} : vector<16xf32> to vector<1xf32>
        %parallel_loop3A_395 = vector.extract %parallel_loop3A_394[0] : f32 from vector<1xf32>
        %parallel_loop3A_396 = vector.broadcast %parallel_loop3A_395 : f32 to vector<16xf32>
        %parallel_loop3A_397 = arith.addf %parallel_loop3A_393, %parallel_loop3A_396 : vector<16xf32>
        %parallel_loop3A_398 = arith.constant 1 : i32
        %parallel_loop3A_399 = arith.addi %parallel_loop3A_139, %parallel_loop3A_398 : i32
        %parallel_loop3A_400 = arith.index_cast %parallel_loop3A_399 : i32 to index
        %parallel_loop3A_401 = arith.constant 16 : index
        %parallel_loop3A_402 = tpu.vector_load %arg8[%parallel_loop3A_400, %parallel_loop3A_401] {strides = array<i32>} : memref<256x64xf32, #tpu.memory_space<vmem>>, vector<1x16xf32>,
        %parallel_loop3A_403 = vector.shape_cast %parallel_loop3A_402 : vector<1x16xf32> to vector<16xf32>
        %parallel_loop3A_404 = vector.extract_strided_slice %parallel_loop3A_147 {offsets = [1], sizes = [1], strides = [1]} : vector<16xf32> to vector<1xf32>
        %parallel_loop3A_405 = vector.extract %parallel_loop3A_404[0] : f32 from vector<1xf32>
        %parallel_loop3A_406 = vector.broadcast %parallel_loop3A_405 : f32 to vector<16xf32>
        %parallel_loop3A_407 = arith.addf %parallel_loop3A_403, %parallel_loop3A_406 : vector<16xf32>
        %parallel_loop3A_408 = arith.constant 2 : i32
        %parallel_loop3A_409 = arith.addi %parallel_loop3A_139, %parallel_loop3A_408 : i32
        %parallel_loop3A_410 = arith.index_cast %parallel_loop3A_409 : i32 to index
        %parallel_loop3A_411 = arith.constant 16 : index
        %parallel_loop3A_412 = tpu.vector_load %arg8[%parallel_loop3A_410, %parallel_loop3A_411] {strides = array<i32>} : memref<256x64xf32, #tpu.memory_space<vmem>>, vector<1x16xf32>,
        %parallel_loop3A_413 = vector.shape_cast %parallel_loop3A_412 : vector<1x16xf32> to vector<16xf32>
        %parallel_loop3A_414 = vector.extract_strided_slice %parallel_loop3A_147 {offsets = [2], sizes = [1], strides = [1]} : vector<16xf32> to vector<1xf32>
        %parallel_loop3A_415 = vector.extract %parallel_loop3A_414[0] : f32 from vector<1xf32>
        %parallel_loop3A_416 = vector.broadcast %parallel_loop3A_415 : f32 to vector<16xf32>
        %parallel_loop3A_417 = arith.addf %parallel_loop3A_413, %parallel_loop3A_416 : vector<16xf32>
        %parallel_loop3A_418 = arith.constant 3 : i32
        %parallel_loop3A_419 = arith.addi %parallel_loop3A_139, %parallel_loop3A_418 : i32
        %parallel_loop3A_420 = arith.index_cast %parallel_loop3A_419 : i32 to index
        %parallel_loop3A_421 = arith.constant 16 : index
        %parallel_loop3A_422 = tpu.vector_load %arg8[%parallel_loop3A_420, %parallel_loop3A_421] {strides = array<i32>} : memref<256x64xf32, #tpu.memory_space<vmem>>, vector<1x16xf32>,
        %parallel_loop3A_423 = vector.shape_cast %parallel_loop3A_422 : vector<1x16xf32> to vector<16xf32>
        %parallel_loop3A_424 = vector.extract_strided_slice %parallel_loop3A_147 {offsets = [3], sizes = [1], strides = [1]} : vector<16xf32> to vector<1xf32>
        %parallel_loop3A_425 = vector.extract %parallel_loop3A_424[0] : f32 from vector<1xf32>
        %parallel_loop3A_426 = vector.broadcast %parallel_loop3A_425 : f32 to vector<16xf32>
        %parallel_loop3A_427 = arith.addf %parallel_loop3A_423, %parallel_loop3A_426 : vector<16xf32>
        %parallel_loop3A_428 = arith.constant 4 : i32
        %parallel_loop3A_429 = arith.addi %parallel_loop3A_139, %parallel_loop3A_428 : i32
        %parallel_loop3A_430 = arith.index_cast %parallel_loop3A_429 : i32 to index
        %parallel_loop3A_431 = arith.constant 16 : index
        %parallel_loop3A_432 = tpu.vector_load %arg8[%parallel_loop3A_430, %parallel_loop3A_431] {strides = array<i32>} : memref<256x64xf32, #tpu.memory_space<vmem>>, vector<1x16xf32>,
        %parallel_loop3A_433 = vector.shape_cast %parallel_loop3A_432 : vector<1x16xf32> to vector<16xf32>
        %parallel_loop3A_434 = vector.extract_strided_slice %parallel_loop3A_147 {offsets = [4], sizes = [1], strides = [1]} : vector<16xf32> to vector<1xf32>
        %parallel_loop3A_435 = vector.extract %parallel_loop3A_434[0] : f32 from vector<1xf32>
        %parallel_loop3A_436 = vector.broadcast %parallel_loop3A_435 : f32 to vector<16xf32>
        %parallel_loop3A_437 = arith.addf %parallel_loop3A_433, %parallel_loop3A_436 : vector<16xf32>
        %parallel_loop3A_438 = arith.constant 5 : i32
        %parallel_loop3A_439 = arith.addi %parallel_loop3A_139, %parallel_loop3A_438 : i32
        %parallel_loop3A_440 = arith.index_cast %parallel_loop3A_439 : i32 to index
        %parallel_loop3A_441 = arith.constant 16 : index
        %parallel_loop3A_442 = tpu.vector_load %arg8[%parallel_loop3A_440, %parallel_loop3A_441] {strides = array<i32>} : memref<256x64xf32, #tpu.memory_space<vmem>>, vector<1x16xf32>,
        %parallel_loop3A_443 = vector.shape_cast %parallel_loop3A_442 : vector<1x16xf32> to vector<16xf32>
        %parallel_loop3A_444 = vector.extract_strided_slice %parallel_loop3A_147 {offsets = [5], sizes = [1], strides = [1]} : vector<16xf32> to vector<1xf32>
        %parallel_loop3A_445 = vector.extract %parallel_loop3A_444[0] : f32 from vector<1xf32>
        %parallel_loop3A_446 = vector.broadcast %parallel_loop3A_445 : f32 to vector<16xf32>
        %parallel_loop3A_447 = arith.addf %parallel_loop3A_443, %parallel_loop3A_446 : vector<16xf32>
        %parallel_loop3A_448 = arith.constant 6 : i32
        %parallel_loop3A_449 = arith.addi %parallel_loop3A_139, %parallel_loop3A_448 : i32
        %parallel_loop3A_450 = arith.index_cast %parallel_loop3A_449 : i32 to index
        %parallel_loop3A_451 = arith.constant 16 : index
        %parallel_loop3A_452 = tpu.vector_load %arg8[%parallel_loop3A_450, %parallel_loop3A_451] {strides = array<i32>} : memref<256x64xf32, #tpu.memory_space<vmem>>, vector<1x16xf32>,
        %parallel_loop3A_453 = vector.shape_cast %parallel_loop3A_452 : vector<1x16xf32> to vector<16xf32>
        %parallel_loop3A_454 = vector.extract_strided_slice %parallel_loop3A_147 {offsets = [6], sizes = [1], strides = [1]} : vector<16xf32> to vector<1xf32>
        %parallel_loop3A_455 = vector.extract %parallel_loop3A_454[0] : f32 from vector<1xf32>
        %parallel_loop3A_456 = vector.broadcast %parallel_loop3A_455 : f32 to vector<16xf32>
        %parallel_loop3A_457 = arith.addf %parallel_loop3A_453, %parallel_loop3A_456 : vector<16xf32>
        %parallel_loop3A_458 = arith.constant 7 : i32
        %parallel_loop3A_459 = arith.addi %parallel_loop3A_139, %parallel_loop3A_458 : i32
        %parallel_loop3A_460 = arith.index_cast %parallel_loop3A_459 : i32 to index
        %parallel_loop3A_461 = arith.constant 16 : index
        %parallel_loop3A_462 = tpu.vector_load %arg8[%parallel_loop3A_460, %parallel_loop3A_461] {strides = array<i32>} : memref<256x64xf32, #tpu.memory_space<vmem>>, vector<1x16xf32>,
        %parallel_loop3A_463 = vector.shape_cast %parallel_loop3A_462 : vector<1x16xf32> to vector<16xf32>
        %parallel_loop3A_464 = vector.extract_strided_slice %parallel_loop3A_147 {offsets = [7], sizes = [1], strides = [1]} : vector<16xf32> to vector<1xf32>
        %parallel_loop3A_465 = vector.extract %parallel_loop3A_464[0] : f32 from vector<1xf32>
        %parallel_loop3A_466 = vector.broadcast %parallel_loop3A_465 : f32 to vector<16xf32>
        %parallel_loop3A_467 = arith.addf %parallel_loop3A_463, %parallel_loop3A_466 : vector<16xf32>
        %parallel_loop3A_468 = arith.constant 8 : i32
        %parallel_loop3A_469 = arith.addi %parallel_loop3A_139, %parallel_loop3A_468 : i32
        %parallel_loop3A_470 = arith.index_cast %parallel_loop3A_469 : i32 to index
        %parallel_loop3A_471 = arith.constant 16 : index
        %parallel_loop3A_472 = tpu.vector_load %arg8[%parallel_loop3A_470, %parallel_loop3A_471] {strides = array<i32>} : memref<256x64xf32, #tpu.memory_space<vmem>>, vector<1x16xf32>,
        %parallel_loop3A_473 = vector.shape_cast %parallel_loop3A_472 : vector<1x16xf32> to vector<16xf32>
        %parallel_loop3A_474 = vector.extract_strided_slice %parallel_loop3A_147 {offsets = [8], sizes = [1], strides = [1]} : vector<16xf32> to vector<1xf32>
        %parallel_loop3A_475 = vector.extract %parallel_loop3A_474[0] : f32 from vector<1xf32>
        %parallel_loop3A_476 = vector.broadcast %parallel_loop3A_475 : f32 to vector<16xf32>
        %parallel_loop3A_477 = arith.addf %parallel_loop3A_473, %parallel_loop3A_476 : vector<16xf32>
        %parallel_loop3A_478 = arith.constant 9 : i32
        %parallel_loop3A_479 = arith.addi %parallel_loop3A_139, %parallel_loop3A_478 : i32
        %parallel_loop3A_480 = arith.index_cast %parallel_loop3A_479 : i32 to index
        %parallel_loop3A_481 = arith.constant 16 : index
        %parallel_loop3A_482 = tpu.vector_load %arg8[%parallel_loop3A_480, %parallel_loop3A_481] {strides = array<i32>} : memref<256x64xf32, #tpu.memory_space<vmem>>, vector<1x16xf32>,
        %parallel_loop3A_483 = vector.shape_cast %parallel_loop3A_482 : vector<1x16xf32> to vector<16xf32>
        %parallel_loop3A_484 = vector.extract_strided_slice %parallel_loop3A_147 {offsets = [9], sizes = [1], strides = [1]} : vector<16xf32> to vector<1xf32>
        %parallel_loop3A_485 = vector.extract %parallel_loop3A_484[0] : f32 from vector<1xf32>
        %parallel_loop3A_486 = vector.broadcast %parallel_loop3A_485 : f32 to vector<16xf32>
        %parallel_loop3A_487 = arith.addf %parallel_loop3A_483, %parallel_loop3A_486 : vector<16xf32>
        %parallel_loop3A_488 = arith.constant 10 : i32
        %parallel_loop3A_489 = arith.addi %parallel_loop3A_139, %parallel_loop3A_488 : i32
        %parallel_loop3A_490 = arith.index_cast %parallel_loop3A_489 : i32 to index
        %parallel_loop3A_491 = arith.constant 16 : index
        %parallel_loop3A_492 = tpu.vector_load %arg8[%parallel_loop3A_490, %parallel_loop3A_491] {strides = array<i32>} : memref<256x64xf32, #tpu.memory_space<vmem>>, vector<1x16xf32>,
        %parallel_loop3A_493 = vector.shape_cast %parallel_loop3A_492 : vector<1x16xf32> to vector<16xf32>
        %parallel_loop3A_494 = vector.extract_strided_slice %parallel_loop3A_147 {offsets = [10], sizes = [1], strides = [1]} : vector<16xf32> to vector<1xf32>
        %parallel_loop3A_495 = vector.extract %parallel_loop3A_494[0] : f32 from vector<1xf32>
        %parallel_loop3A_496 = vector.broadcast %parallel_loop3A_495 : f32 to vector<16xf32>
        %parallel_loop3A_497 = arith.addf %parallel_loop3A_493, %parallel_loop3A_496 : vector<16xf32>
        %parallel_loop3A_498 = arith.constant 11 : i32
        %parallel_loop3A_499 = arith.addi %parallel_loop3A_139, %parallel_loop3A_498 : i32
        %parallel_loop3A_500 = arith.index_cast %parallel_loop3A_499 : i32 to index
        %parallel_loop3A_501 = arith.constant 16 : index
        %parallel_loop3A_502 = tpu.vector_load %arg8[%parallel_loop3A_500, %parallel_loop3A_501] {strides = array<i32>} : memref<256x64xf32, #tpu.memory_space<vmem>>, vector<1x16xf32>,
        %parallel_loop3A_503 = vector.shape_cast %parallel_loop3A_502 : vector<1x16xf32> to vector<16xf32>
        %parallel_loop3A_504 = vector.extract_strided_slice %parallel_loop3A_147 {offsets = [11], sizes = [1], strides = [1]} : vector<16xf32> to vector<1xf32>
        %parallel_loop3A_505 = vector.extract %parallel_loop3A_504[0] : f32 from vector<1xf32>
        %parallel_loop3A_506 = vector.broadcast %parallel_loop3A_505 : f32 to vector<16xf32>
        %parallel_loop3A_507 = arith.addf %parallel_loop3A_503, %parallel_loop3A_506 : vector<16xf32>
        %parallel_loop3A_508 = arith.constant 12 : i32
        %parallel_loop3A_509 = arith.addi %parallel_loop3A_139, %parallel_loop3A_508 : i32
        %parallel_loop3A_510 = arith.index_cast %parallel_loop3A_509 : i32 to index
        %parallel_loop3A_511 = arith.constant 16 : index
        %parallel_loop3A_512 = tpu.vector_load %arg8[%parallel_loop3A_510, %parallel_loop3A_511] {strides = array<i32>} : memref<256x64xf32, #tpu.memory_space<vmem>>, vector<1x16xf32>,
        %parallel_loop3A_513 = vector.shape_cast %parallel_loop3A_512 : vector<1x16xf32> to vector<16xf32>
        %parallel_loop3A_514 = vector.extract_strided_slice %parallel_loop3A_147 {offsets = [12], sizes = [1], strides = [1]} : vector<16xf32> to vector<1xf32>
        %parallel_loop3A_515 = vector.extract %parallel_loop3A_514[0] : f32 from vector<1xf32>
        %parallel_loop3A_516 = vector.broadcast %parallel_loop3A_515 : f32 to vector<16xf32>
        %parallel_loop3A_517 = arith.addf %parallel_loop3A_513, %parallel_loop3A_516 : vector<16xf32>
        %parallel_loop3A_518 = arith.constant 13 : i32
        %parallel_loop3A_519 = arith.addi %parallel_loop3A_139, %parallel_loop3A_518 : i32
        %parallel_loop3A_520 = arith.index_cast %parallel_loop3A_519 : i32 to index
        %parallel_loop3A_521 = arith.constant 16 : index
        %parallel_loop3A_522 = tpu.vector_load %arg8[%parallel_loop3A_520, %parallel_loop3A_521] {strides = array<i32>} : memref<256x64xf32, #tpu.memory_space<vmem>>, vector<1x16xf32>,
        %parallel_loop3A_523 = vector.shape_cast %parallel_loop3A_522 : vector<1x16xf32> to vector<16xf32>
        %parallel_loop3A_524 = vector.extract_strided_slice %parallel_loop3A_147 {offsets = [13], sizes = [1], strides = [1]} : vector<16xf32> to vector<1xf32>
        %parallel_loop3A_525 = vector.extract %parallel_loop3A_524[0] : f32 from vector<1xf32>
        %parallel_loop3A_526 = vector.broadcast %parallel_loop3A_525 : f32 to vector<16xf32>
        %parallel_loop3A_527 = arith.addf %parallel_loop3A_523, %parallel_loop3A_526 : vector<16xf32>
        %parallel_loop3A_528 = arith.constant 14 : i32
        %parallel_loop3A_529 = arith.addi %parallel_loop3A_139, %parallel_loop3A_528 : i32
        %parallel_loop3A_530 = arith.index_cast %parallel_loop3A_529 : i32 to index
        %parallel_loop3A_531 = arith.constant 16 : index
        %parallel_loop3A_532 = tpu.vector_load %arg8[%parallel_loop3A_530, %parallel_loop3A_531] {strides = array<i32>} : memref<256x64xf32, #tpu.memory_space<vmem>>, vector<1x16xf32>,
        %parallel_loop3A_533 = vector.shape_cast %parallel_loop3A_532 : vector<1x16xf32> to vector<16xf32>
        %parallel_loop3A_534 = vector.extract_strided_slice %parallel_loop3A_147 {offsets = [14], sizes = [1], strides = [1]} : vector<16xf32> to vector<1xf32>
        %parallel_loop3A_535 = vector.extract %parallel_loop3A_534[0] : f32 from vector<1xf32>
        %parallel_loop3A_536 = vector.broadcast %parallel_loop3A_535 : f32 to vector<16xf32>
        %parallel_loop3A_537 = arith.addf %parallel_loop3A_533, %parallel_loop3A_536 : vector<16xf32>
        %parallel_loop3A_538 = arith.constant 15 : i32
        %parallel_loop3A_539 = arith.addi %parallel_loop3A_139, %parallel_loop3A_538 : i32
        %parallel_loop3A_540 = arith.index_cast %parallel_loop3A_539 : i32 to index
        %parallel_loop3A_541 = arith.constant 16 : index
        %parallel_loop3A_542 = tpu.vector_load %arg8[%parallel_loop3A_540, %parallel_loop3A_541] {strides = array<i32>} : memref<256x64xf32, #tpu.memory_space<vmem>>, vector<1x16xf32>,
        %parallel_loop3A_543 = vector.shape_cast %parallel_loop3A_542 : vector<1x16xf32> to vector<16xf32>
        %parallel_loop3A_544 = vector.extract_strided_slice %parallel_loop3A_147 {offsets = [15], sizes = [1], strides = [1]} : vector<16xf32> to vector<1xf32>
        %parallel_loop3A_545 = vector.extract %parallel_loop3A_544[0] : f32 from vector<1xf32>
        %parallel_loop3A_546 = vector.broadcast %parallel_loop3A_545 : f32 to vector<16xf32>
        %parallel_loop3A_547 = arith.addf %parallel_loop3A_543, %parallel_loop3A_546 : vector<16xf32>
        %parallel_loop3A_548 = arith.maximumf %parallel_loop3A_397, %parallel_loop3A_407 : vector<16xf32>
        %parallel_loop3A_549 = arith.maximumf %parallel_loop3A_417, %parallel_loop3A_427 : vector<16xf32>
        %parallel_loop3A_550 = arith.maximumf %parallel_loop3A_437, %parallel_loop3A_447 : vector<16xf32>
        %parallel_loop3A_551 = arith.maximumf %parallel_loop3A_457, %parallel_loop3A_467 : vector<16xf32>
        %parallel_loop3A_552 = arith.maximumf %parallel_loop3A_477, %parallel_loop3A_487 : vector<16xf32>
        %parallel_loop3A_553 = arith.maximumf %parallel_loop3A_497, %parallel_loop3A_507 : vector<16xf32>
        %parallel_loop3A_554 = arith.maximumf %parallel_loop3A_517, %parallel_loop3A_527 : vector<16xf32>
        %parallel_loop3A_555 = arith.maximumf %parallel_loop3A_537, %parallel_loop3A_547 : vector<16xf32>
        %parallel_loop3A_556 = arith.maximumf %parallel_loop3A_548, %parallel_loop3A_549 : vector<16xf32>
        %parallel_loop3A_557 = arith.maximumf %parallel_loop3A_550, %parallel_loop3A_551 : vector<16xf32>
        %parallel_loop3A_558 = arith.maximumf %parallel_loop3A_552, %parallel_loop3A_553 : vector<16xf32>
        %parallel_loop3A_559 = arith.maximumf %parallel_loop3A_554, %parallel_loop3A_555 : vector<16xf32>
        %parallel_loop3A_560 = arith.maximumf %parallel_loop3A_556, %parallel_loop3A_557 : vector<16xf32>
        %parallel_loop3A_561 = arith.maximumf %parallel_loop3A_558, %parallel_loop3A_559 : vector<16xf32>
        %parallel_loop3A_562 = arith.maximumf %parallel_loop3A_560, %parallel_loop3A_561 : vector<16xf32>
        %parallel_loop3A_563 = arith.subf %parallel_loop3A_397, %parallel_loop3A_562 : vector<16xf32>
        %parallel_loop3A_564 = math.exp %parallel_loop3A_563 : vector<16xf32>
        %parallel_loop3A_565 = arith.subf %parallel_loop3A_407, %parallel_loop3A_562 : vector<16xf32>
        %parallel_loop3A_566 = math.exp %parallel_loop3A_565 : vector<16xf32>
        %parallel_loop3A_567 = arith.subf %parallel_loop3A_417, %parallel_loop3A_562 : vector<16xf32>
        %parallel_loop3A_568 = math.exp %parallel_loop3A_567 : vector<16xf32>
        %parallel_loop3A_569 = arith.subf %parallel_loop3A_427, %parallel_loop3A_562 : vector<16xf32>
        %parallel_loop3A_570 = math.exp %parallel_loop3A_569 : vector<16xf32>
        %parallel_loop3A_571 = arith.subf %parallel_loop3A_437, %parallel_loop3A_562 : vector<16xf32>
        %parallel_loop3A_572 = math.exp %parallel_loop3A_571 : vector<16xf32>
        %parallel_loop3A_573 = arith.subf %parallel_loop3A_447, %parallel_loop3A_562 : vector<16xf32>
        %parallel_loop3A_574 = math.exp %parallel_loop3A_573 : vector<16xf32>
        %parallel_loop3A_575 = arith.subf %parallel_loop3A_457, %parallel_loop3A_562 : vector<16xf32>
        %parallel_loop3A_576 = math.exp %parallel_loop3A_575 : vector<16xf32>
        %parallel_loop3A_577 = arith.subf %parallel_loop3A_467, %parallel_loop3A_562 : vector<16xf32>
        %parallel_loop3A_578 = math.exp %parallel_loop3A_577 : vector<16xf32>
        %parallel_loop3A_579 = arith.subf %parallel_loop3A_477, %parallel_loop3A_562 : vector<16xf32>
        %parallel_loop3A_580 = math.exp %parallel_loop3A_579 : vector<16xf32>
        %parallel_loop3A_581 = arith.subf %parallel_loop3A_487, %parallel_loop3A_562 : vector<16xf32>
        %parallel_loop3A_582 = math.exp %parallel_loop3A_581 : vector<16xf32>
        %parallel_loop3A_583 = arith.subf %parallel_loop3A_497, %parallel_loop3A_562 : vector<16xf32>
        %parallel_loop3A_584 = math.exp %parallel_loop3A_583 : vector<16xf32>
        %parallel_loop3A_585 = arith.subf %parallel_loop3A_507, %parallel_loop3A_562 : vector<16xf32>
        %parallel_loop3A_586 = math.exp %parallel_loop3A_585 : vector<16xf32>
        %parallel_loop3A_587 = arith.subf %parallel_loop3A_517, %parallel_loop3A_562 : vector<16xf32>
        %parallel_loop3A_588 = math.exp %parallel_loop3A_587 : vector<16xf32>
        %parallel_loop3A_589 = arith.subf %parallel_loop3A_527, %parallel_loop3A_562 : vector<16xf32>
        %parallel_loop3A_590 = math.exp %parallel_loop3A_589 : vector<16xf32>
        %parallel_loop3A_591 = arith.subf %parallel_loop3A_537, %parallel_loop3A_562 : vector<16xf32>
        %parallel_loop3A_592 = math.exp %parallel_loop3A_591 : vector<16xf32>
        %parallel_loop3A_593 = arith.subf %parallel_loop3A_547, %parallel_loop3A_562 : vector<16xf32>
        %parallel_loop3A_594 = math.exp %parallel_loop3A_593 : vector<16xf32>
        %parallel_loop3A_595 = arith.addf %parallel_loop3A_564, %parallel_loop3A_566 : vector<16xf32>
        %parallel_loop3A_596 = arith.addf %parallel_loop3A_568, %parallel_loop3A_570 : vector<16xf32>
        %parallel_loop3A_597 = arith.addf %parallel_loop3A_572, %parallel_loop3A_574 : vector<16xf32>
        %parallel_loop3A_598 = arith.addf %parallel_loop3A_576, %parallel_loop3A_578 : vector<16xf32>
        %parallel_loop3A_599 = arith.addf %parallel_loop3A_580, %parallel_loop3A_582 : vector<16xf32>
        %parallel_loop3A_600 = arith.addf %parallel_loop3A_584, %parallel_loop3A_586 : vector<16xf32>
        %parallel_loop3A_601 = arith.addf %parallel_loop3A_588, %parallel_loop3A_590 : vector<16xf32>
        %parallel_loop3A_602 = arith.addf %parallel_loop3A_592, %parallel_loop3A_594 : vector<16xf32>
        %parallel_loop3A_603 = arith.addf %parallel_loop3A_595, %parallel_loop3A_596 : vector<16xf32>
        %parallel_loop3A_604 = arith.addf %parallel_loop3A_597, %parallel_loop3A_598 : vector<16xf32>
        %parallel_loop3A_605 = arith.addf %parallel_loop3A_599, %parallel_loop3A_600 : vector<16xf32>
        %parallel_loop3A_606 = arith.addf %parallel_loop3A_601, %parallel_loop3A_602 : vector<16xf32>
        %parallel_loop3A_607 = arith.addf %parallel_loop3A_603, %parallel_loop3A_604 : vector<16xf32>
        %parallel_loop3A_608 = arith.addf %parallel_loop3A_605, %parallel_loop3A_606 : vector<16xf32>
        %parallel_loop3A_609 = arith.addf %parallel_loop3A_607, %parallel_loop3A_608 : vector<16xf32>
        %parallel_loop3A_610 = arith.constant 128 : i32
        %parallel_loop3A_611 = arith.muli %parallel_loop3A_137, %parallel_loop3A_610 : i32
        %parallel_loop3A_612 = arith.constant 16 : i32
        %parallel_loop3A_613 = arith.addi %parallel_loop3A_611, %parallel_loop3A_612 : i32
        %parallel_loop3A_614 = arith.index_cast %parallel_loop3A_613 : i32 to index
        %parallel_loop3A_615 = tpu.vector_load %arg10[%parallel_loop3A_614] {strides = array<i32>} : memref<2048xf32, #tpu.memory_space<vmem>>, vector<16xf32>,
        %parallel_loop3A_616 = vector.shape_cast %parallel_loop3A_615 : vector<16xf32> to vector<16xf32>
        %parallel_loop3A_617 = vector.shape_cast %parallel_loop3A_562 : vector<16xf32> to vector<16xf32>
        tpu.vector_store %arg10[%parallel_loop3A_614], %parallel_loop3A_617 {strides = array<i32>} : memref<2048xf32, #tpu.memory_space<vmem>>, vector<16xf32>,
        %parallel_loop3A_618 = arith.constant 128 : i32
        %parallel_loop3A_619 = arith.muli %parallel_loop3A_137, %parallel_loop3A_618 : i32
        %parallel_loop3A_620 = arith.constant 64 : i32
        %parallel_loop3A_621 = arith.addi %parallel_loop3A_619, %parallel_loop3A_620 : i32
        %parallel_loop3A_622 = arith.constant 16 : i32
        %parallel_loop3A_623 = arith.addi %parallel_loop3A_621, %parallel_loop3A_622 : i32
        %parallel_loop3A_624 = arith.index_cast %parallel_loop3A_623 : i32 to index
        %parallel_loop3A_625 = tpu.vector_load %arg10[%parallel_loop3A_624] {strides = array<i32>} : memref<2048xf32, #tpu.memory_space<vmem>>, vector<16xf32>,
        %parallel_loop3A_626 = vector.shape_cast %parallel_loop3A_625 : vector<16xf32> to vector<16xf32>
        %parallel_loop3A_627 = vector.shape_cast %parallel_loop3A_609 : vector<16xf32> to vector<16xf32>
        tpu.vector_store %arg10[%parallel_loop3A_624], %parallel_loop3A_627 {strides = array<i32>} : memref<2048xf32, #tpu.memory_space<vmem>>, vector<16xf32>,
        %parallel_loop3A_628 = arith.constant 0 : i32
        %parallel_loop3A_629 = arith.addi %parallel_loop3A_139, %parallel_loop3A_628 : i32
        %parallel_loop3A_630 = arith.index_cast %parallel_loop3A_629 : i32 to index
        %parallel_loop3A_631 = arith.constant 32 : index
        %parallel_loop3A_632 = tpu.vector_load %arg8[%parallel_loop3A_630, %parallel_loop3A_631] {strides = array<i32>} : memref<256x64xf32, #tpu.memory_space<vmem>>, vector<1x16xf32>,
        %parallel_loop3A_633 = vector.shape_cast %parallel_loop3A_632 : vector<1x16xf32> to vector<16xf32>
        %parallel_loop3A_634 = vector.extract_strided_slice %parallel_loop3A_147 {offsets = [0], sizes = [1], strides = [1]} : vector<16xf32> to vector<1xf32>
        %parallel_loop3A_635 = vector.extract %parallel_loop3A_634[0] : f32 from vector<1xf32>
        %parallel_loop3A_636 = vector.broadcast %parallel_loop3A_635 : f32 to vector<16xf32>
        %parallel_loop3A_637 = arith.addf %parallel_loop3A_633, %parallel_loop3A_636 : vector<16xf32>
        %parallel_loop3A_638 = arith.constant 1 : i32
        %parallel_loop3A_639 = arith.addi %parallel_loop3A_139, %parallel_loop3A_638 : i32
        %parallel_loop3A_640 = arith.index_cast %parallel_loop3A_639 : i32 to index
        %parallel_loop3A_641 = arith.constant 32 : index
        %parallel_loop3A_642 = tpu.vector_load %arg8[%parallel_loop3A_640, %parallel_loop3A_641] {strides = array<i32>} : memref<256x64xf32, #tpu.memory_space<vmem>>, vector<1x16xf32>,
        %parallel_loop3A_643 = vector.shape_cast %parallel_loop3A_642 : vector<1x16xf32> to vector<16xf32>
        %parallel_loop3A_644 = vector.extract_strided_slice %parallel_loop3A_147 {offsets = [1], sizes = [1], strides = [1]} : vector<16xf32> to vector<1xf32>
        %parallel_loop3A_645 = vector.extract %parallel_loop3A_644[0] : f32 from vector<1xf32>
        %parallel_loop3A_646 = vector.broadcast %parallel_loop3A_645 : f32 to vector<16xf32>
        %parallel_loop3A_647 = arith.addf %parallel_loop3A_643, %parallel_loop3A_646 : vector<16xf32>
        %parallel_loop3A_648 = arith.constant 2 : i32
        %parallel_loop3A_649 = arith.addi %parallel_loop3A_139, %parallel_loop3A_648 : i32
        %parallel_loop3A_650 = arith.index_cast %parallel_loop3A_649 : i32 to index
        %parallel_loop3A_651 = arith.constant 32 : index
        %parallel_loop3A_652 = tpu.vector_load %arg8[%parallel_loop3A_650, %parallel_loop3A_651] {strides = array<i32>} : memref<256x64xf32, #tpu.memory_space<vmem>>, vector<1x16xf32>,
        %parallel_loop3A_653 = vector.shape_cast %parallel_loop3A_652 : vector<1x16xf32> to vector<16xf32>
        %parallel_loop3A_654 = vector.extract_strided_slice %parallel_loop3A_147 {offsets = [2], sizes = [1], strides = [1]} : vector<16xf32> to vector<1xf32>
        %parallel_loop3A_655 = vector.extract %parallel_loop3A_654[0] : f32 from vector<1xf32>
        %parallel_loop3A_656 = vector.broadcast %parallel_loop3A_655 : f32 to vector<16xf32>
        %parallel_loop3A_657 = arith.addf %parallel_loop3A_653, %parallel_loop3A_656 : vector<16xf32>
        %parallel_loop3A_658 = arith.constant 3 : i32
        %parallel_loop3A_659 = arith.addi %parallel_loop3A_139, %parallel_loop3A_658 : i32
        %parallel_loop3A_660 = arith.index_cast %parallel_loop3A_659 : i32 to index
        %parallel_loop3A_661 = arith.constant 32 : index
        %parallel_loop3A_662 = tpu.vector_load %arg8[%parallel_loop3A_660, %parallel_loop3A_661] {strides = array<i32>} : memref<256x64xf32, #tpu.memory_space<vmem>>, vector<1x16xf32>,
        %parallel_loop3A_663 = vector.shape_cast %parallel_loop3A_662 : vector<1x16xf32> to vector<16xf32>
        %parallel_loop3A_664 = vector.extract_strided_slice %parallel_loop3A_147 {offsets = [3], sizes = [1], strides = [1]} : vector<16xf32> to vector<1xf32>
        %parallel_loop3A_665 = vector.extract %parallel_loop3A_664[0] : f32 from vector<1xf32>
        %parallel_loop3A_666 = vector.broadcast %parallel_loop3A_665 : f32 to vector<16xf32>
        %parallel_loop3A_667 = arith.addf %parallel_loop3A_663, %parallel_loop3A_666 : vector<16xf32>
        %parallel_loop3A_668 = arith.constant 4 : i32
        %parallel_loop3A_669 = arith.addi %parallel_loop3A_139, %parallel_loop3A_668 : i32
        %parallel_loop3A_670 = arith.index_cast %parallel_loop3A_669 : i32 to index
        %parallel_loop3A_671 = arith.constant 32 : index
        %parallel_loop3A_672 = tpu.vector_load %arg8[%parallel_loop3A_670, %parallel_loop3A_671] {strides = array<i32>} : memref<256x64xf32, #tpu.memory_space<vmem>>, vector<1x16xf32>,
        %parallel_loop3A_673 = vector.shape_cast %parallel_loop3A_672 : vector<1x16xf32> to vector<16xf32>
        %parallel_loop3A_674 = vector.extract_strided_slice %parallel_loop3A_147 {offsets = [4], sizes = [1], strides = [1]} : vector<16xf32> to vector<1xf32>
        %parallel_loop3A_675 = vector.extract %parallel_loop3A_674[0] : f32 from vector<1xf32>
        %parallel_loop3A_676 = vector.broadcast %parallel_loop3A_675 : f32 to vector<16xf32>
        %parallel_loop3A_677 = arith.addf %parallel_loop3A_673, %parallel_loop3A_676 : vector<16xf32>
        %parallel_loop3A_678 = arith.constant 5 : i32
        %parallel_loop3A_679 = arith.addi %parallel_loop3A_139, %parallel_loop3A_678 : i32
        %parallel_loop3A_680 = arith.index_cast %parallel_loop3A_679 : i32 to index
        %parallel_loop3A_681 = arith.constant 32 : index
        %parallel_loop3A_682 = tpu.vector_load %arg8[%parallel_loop3A_680, %parallel_loop3A_681] {strides = array<i32>} : memref<256x64xf32, #tpu.memory_space<vmem>>, vector<1x16xf32>,
        %parallel_loop3A_683 = vector.shape_cast %parallel_loop3A_682 : vector<1x16xf32> to vector<16xf32>
        %parallel_loop3A_684 = vector.extract_strided_slice %parallel_loop3A_147 {offsets = [5], sizes = [1], strides = [1]} : vector<16xf32> to vector<1xf32>
        %parallel_loop3A_685 = vector.extract %parallel_loop3A_684[0] : f32 from vector<1xf32>
        %parallel_loop3A_686 = vector.broadcast %parallel_loop3A_685 : f32 to vector<16xf32>
        %parallel_loop3A_687 = arith.addf %parallel_loop3A_683, %parallel_loop3A_686 : vector<16xf32>
        %parallel_loop3A_688 = arith.constant 6 : i32
        %parallel_loop3A_689 = arith.addi %parallel_loop3A_139, %parallel_loop3A_688 : i32
        %parallel_loop3A_690 = arith.index_cast %parallel_loop3A_689 : i32 to index
        %parallel_loop3A_691 = arith.constant 32 : index
        %parallel_loop3A_692 = tpu.vector_load %arg8[%parallel_loop3A_690, %parallel_loop3A_691] {strides = array<i32>} : memref<256x64xf32, #tpu.memory_space<vmem>>, vector<1x16xf32>,
        %parallel_loop3A_693 = vector.shape_cast %parallel_loop3A_692 : vector<1x16xf32> to vector<16xf32>
        %parallel_loop3A_694 = vector.extract_strided_slice %parallel_loop3A_147 {offsets = [6], sizes = [1], strides = [1]} : vector<16xf32> to vector<1xf32>
        %parallel_loop3A_695 = vector.extract %parallel_loop3A_694[0] : f32 from vector<1xf32>
        %parallel_loop3A_696 = vector.broadcast %parallel_loop3A_695 : f32 to vector<16xf32>
        %parallel_loop3A_697 = arith.addf %parallel_loop3A_693, %parallel_loop3A_696 : vector<16xf32>
        %parallel_loop3A_698 = arith.constant 7 : i32
        %parallel_loop3A_699 = arith.addi %parallel_loop3A_139, %parallel_loop3A_698 : i32
        %parallel_loop3A_700 = arith.index_cast %parallel_loop3A_699 : i32 to index
        %parallel_loop3A_701 = arith.constant 32 : index
        %parallel_loop3A_702 = tpu.vector_load %arg8[%parallel_loop3A_700, %parallel_loop3A_701] {strides = array<i32>} : memref<256x64xf32, #tpu.memory_space<vmem>>, vector<1x16xf32>,
        %parallel_loop3A_703 = vector.shape_cast %parallel_loop3A_702 : vector<1x16xf32> to vector<16xf32>
        %parallel_loop3A_704 = vector.extract_strided_slice %parallel_loop3A_147 {offsets = [7], sizes = [1], strides = [1]} : vector<16xf32> to vector<1xf32>
        %parallel_loop3A_705 = vector.extract %parallel_loop3A_704[0] : f32 from vector<1xf32>
        %parallel_loop3A_706 = vector.broadcast %parallel_loop3A_705 : f32 to vector<16xf32>
        %parallel_loop3A_707 = arith.addf %parallel_loop3A_703, %parallel_loop3A_706 : vector<16xf32>
        %parallel_loop3A_708 = arith.constant 8 : i32
        %parallel_loop3A_709 = arith.addi %parallel_loop3A_139, %parallel_loop3A_708 : i32
        %parallel_loop3A_710 = arith.index_cast %parallel_loop3A_709 : i32 to index
        %parallel_loop3A_711 = arith.constant 32 : index
        %parallel_loop3A_712 = tpu.vector_load %arg8[%parallel_loop3A_710, %parallel_loop3A_711] {strides = array<i32>} : memref<256x64xf32, #tpu.memory_space<vmem>>, vector<1x16xf32>,
        %parallel_loop3A_713 = vector.shape_cast %parallel_loop3A_712 : vector<1x16xf32> to vector<16xf32>
        %parallel_loop3A_714 = vector.extract_strided_slice %parallel_loop3A_147 {offsets = [8], sizes = [1], strides = [1]} : vector<16xf32> to vector<1xf32>
        %parallel_loop3A_715 = vector.extract %parallel_loop3A_714[0] : f32 from vector<1xf32>
        %parallel_loop3A_716 = vector.broadcast %parallel_loop3A_715 : f32 to vector<16xf32>
        %parallel_loop3A_717 = arith.addf %parallel_loop3A_713, %parallel_loop3A_716 : vector<16xf32>
        %parallel_loop3A_718 = arith.constant 9 : i32
        %parallel_loop3A_719 = arith.addi %parallel_loop3A_139, %parallel_loop3A_718 : i32
        %parallel_loop3A_720 = arith.index_cast %parallel_loop3A_719 : i32 to index
        %parallel_loop3A_721 = arith.constant 32 : index
        %parallel_loop3A_722 = tpu.vector_load %arg8[%parallel_loop3A_720, %parallel_loop3A_721] {strides = array<i32>} : memref<256x64xf32, #tpu.memory_space<vmem>>, vector<1x16xf32>,
        %parallel_loop3A_723 = vector.shape_cast %parallel_loop3A_722 : vector<1x16xf32> to vector<16xf32>
        %parallel_loop3A_724 = vector.extract_strided_slice %parallel_loop3A_147 {offsets = [9], sizes = [1], strides = [1]} : vector<16xf32> to vector<1xf32>
        %parallel_loop3A_725 = vector.extract %parallel_loop3A_724[0] : f32 from vector<1xf32>
        %parallel_loop3A_726 = vector.broadcast %parallel_loop3A_725 : f32 to vector<16xf32>
        %parallel_loop3A_727 = arith.addf %parallel_loop3A_723, %parallel_loop3A_726 : vector<16xf32>
        %parallel_loop3A_728 = arith.constant 10 : i32
        %parallel_loop3A_729 = arith.addi %parallel_loop3A_139, %parallel_loop3A_728 : i32
        %parallel_loop3A_730 = arith.index_cast %parallel_loop3A_729 : i32 to index
        %parallel_loop3A_731 = arith.constant 32 : index
        %parallel_loop3A_732 = tpu.vector_load %arg8[%parallel_loop3A_730, %parallel_loop3A_731] {strides = array<i32>} : memref<256x64xf32, #tpu.memory_space<vmem>>, vector<1x16xf32>,
        %parallel_loop3A_733 = vector.shape_cast %parallel_loop3A_732 : vector<1x16xf32> to vector<16xf32>
        %parallel_loop3A_734 = vector.extract_strided_slice %parallel_loop3A_147 {offsets = [10], sizes = [1], strides = [1]} : vector<16xf32> to vector<1xf32>
        %parallel_loop3A_735 = vector.extract %parallel_loop3A_734[0] : f32 from vector<1xf32>
        %parallel_loop3A_736 = vector.broadcast %parallel_loop3A_735 : f32 to vector<16xf32>
        %parallel_loop3A_737 = arith.addf %parallel_loop3A_733, %parallel_loop3A_736 : vector<16xf32>
        %parallel_loop3A_738 = arith.constant 11 : i32
        %parallel_loop3A_739 = arith.addi %parallel_loop3A_139, %parallel_loop3A_738 : i32
        %parallel_loop3A_740 = arith.index_cast %parallel_loop3A_739 : i32 to index
        %parallel_loop3A_741 = arith.constant 32 : index
        %parallel_loop3A_742 = tpu.vector_load %arg8[%parallel_loop3A_740, %parallel_loop3A_741] {strides = array<i32>} : memref<256x64xf32, #tpu.memory_space<vmem>>, vector<1x16xf32>,
        %parallel_loop3A_743 = vector.shape_cast %parallel_loop3A_742 : vector<1x16xf32> to vector<16xf32>
        %parallel_loop3A_744 = vector.extract_strided_slice %parallel_loop3A_147 {offsets = [11], sizes = [1], strides = [1]} : vector<16xf32> to vector<1xf32>
        %parallel_loop3A_745 = vector.extract %parallel_loop3A_744[0] : f32 from vector<1xf32>
        %parallel_loop3A_746 = vector.broadcast %parallel_loop3A_745 : f32 to vector<16xf32>
        %parallel_loop3A_747 = arith.addf %parallel_loop3A_743, %parallel_loop3A_746 : vector<16xf32>
        %parallel_loop3A_748 = arith.constant 12 : i32
        %parallel_loop3A_749 = arith.addi %parallel_loop3A_139, %parallel_loop3A_748 : i32
        %parallel_loop3A_750 = arith.index_cast %parallel_loop3A_749 : i32 to index
        %parallel_loop3A_751 = arith.constant 32 : index
        %parallel_loop3A_752 = tpu.vector_load %arg8[%parallel_loop3A_750, %parallel_loop3A_751] {strides = array<i32>} : memref<256x64xf32, #tpu.memory_space<vmem>>, vector<1x16xf32>,
        %parallel_loop3A_753 = vector.shape_cast %parallel_loop3A_752 : vector<1x16xf32> to vector<16xf32>
        %parallel_loop3A_754 = vector.extract_strided_slice %parallel_loop3A_147 {offsets = [12], sizes = [1], strides = [1]} : vector<16xf32> to vector<1xf32>
        %parallel_loop3A_755 = vector.extract %parallel_loop3A_754[0] : f32 from vector<1xf32>
        %parallel_loop3A_756 = vector.broadcast %parallel_loop3A_755 : f32 to vector<16xf32>
        %parallel_loop3A_757 = arith.addf %parallel_loop3A_753, %parallel_loop3A_756 : vector<16xf32>
        %parallel_loop3A_758 = arith.constant 13 : i32
        %parallel_loop3A_759 = arith.addi %parallel_loop3A_139, %parallel_loop3A_758 : i32
        %parallel_loop3A_760 = arith.index_cast %parallel_loop3A_759 : i32 to index
        %parallel_loop3A_761 = arith.constant 32 : index
        %parallel_loop3A_762 = tpu.vector_load %arg8[%parallel_loop3A_760, %parallel_loop3A_761] {strides = array<i32>} : memref<256x64xf32, #tpu.memory_space<vmem>>, vector<1x16xf32>,
        %parallel_loop3A_763 = vector.shape_cast %parallel_loop3A_762 : vector<1x16xf32> to vector<16xf32>
        %parallel_loop3A_764 = vector.extract_strided_slice %parallel_loop3A_147 {offsets = [13], sizes = [1], strides = [1]} : vector<16xf32> to vector<1xf32>
        %parallel_loop3A_765 = vector.extract %parallel_loop3A_764[0] : f32 from vector<1xf32>
        %parallel_loop3A_766 = vector.broadcast %parallel_loop3A_765 : f32 to vector<16xf32>
        %parallel_loop3A_767 = arith.addf %parallel_loop3A_763, %parallel_loop3A_766 : vector<16xf32>
        %parallel_loop3A_768 = arith.constant 14 : i32
        %parallel_loop3A_769 = arith.addi %parallel_loop3A_139, %parallel_loop3A_768 : i32
        %parallel_loop3A_770 = arith.index_cast %parallel_loop3A_769 : i32 to index
        %parallel_loop3A_771 = arith.constant 32 : index
        %parallel_loop3A_772 = tpu.vector_load %arg8[%parallel_loop3A_770, %parallel_loop3A_771] {strides = array<i32>} : memref<256x64xf32, #tpu.memory_space<vmem>>, vector<1x16xf32>,
        %parallel_loop3A_773 = vector.shape_cast %parallel_loop3A_772 : vector<1x16xf32> to vector<16xf32>
        %parallel_loop3A_774 = vector.extract_strided_slice %parallel_loop3A_147 {offsets = [14], sizes = [1], strides = [1]} : vector<16xf32> to vector<1xf32>
        %parallel_loop3A_775 = vector.extract %parallel_loop3A_774[0] : f32 from vector<1xf32>
        %parallel_loop3A_776 = vector.broadcast %parallel_loop3A_775 : f32 to vector<16xf32>
        %parallel_loop3A_777 = arith.addf %parallel_loop3A_773, %parallel_loop3A_776 : vector<16xf32>
        %parallel_loop3A_778 = arith.constant 15 : i32
        %parallel_loop3A_779 = arith.addi %parallel_loop3A_139, %parallel_loop3A_778 : i32
        %parallel_loop3A_780 = arith.index_cast %parallel_loop3A_779 : i32 to index
        %parallel_loop3A_781 = arith.constant 32 : index
        %parallel_loop3A_782 = tpu.vector_load %arg8[%parallel_loop3A_780, %parallel_loop3A_781] {strides = array<i32>} : memref<256x64xf32, #tpu.memory_space<vmem>>, vector<1x16xf32>,
        %parallel_loop3A_783 = vector.shape_cast %parallel_loop3A_782 : vector<1x16xf32> to vector<16xf32>
        %parallel_loop3A_784 = vector.extract_strided_slice %parallel_loop3A_147 {offsets = [15], sizes = [1], strides = [1]} : vector<16xf32> to vector<1xf32>
        %parallel_loop3A_785 = vector.extract %parallel_loop3A_784[0] : f32 from vector<1xf32>
        %parallel_loop3A_786 = vector.broadcast %parallel_loop3A_785 : f32 to vector<16xf32>
        %parallel_loop3A_787 = arith.addf %parallel_loop3A_783, %parallel_loop3A_786 : vector<16xf32>
        %parallel_loop3A_788 = arith.maximumf %parallel_loop3A_637, %parallel_loop3A_647 : vector<16xf32>
        %parallel_loop3A_789 = arith.maximumf %parallel_loop3A_657, %parallel_loop3A_667 : vector<16xf32>
        %parallel_loop3A_790 = arith.maximumf %parallel_loop3A_677, %parallel_loop3A_687 : vector<16xf32>
        %parallel_loop3A_791 = arith.maximumf %parallel_loop3A_697, %parallel_loop3A_707 : vector<16xf32>
        %parallel_loop3A_792 = arith.maximumf %parallel_loop3A_717, %parallel_loop3A_727 : vector<16xf32>
        %parallel_loop3A_793 = arith.maximumf %parallel_loop3A_737, %parallel_loop3A_747 : vector<16xf32>
        %parallel_loop3A_794 = arith.maximumf %parallel_loop3A_757, %parallel_loop3A_767 : vector<16xf32>
        %parallel_loop3A_795 = arith.maximumf %parallel_loop3A_777, %parallel_loop3A_787 : vector<16xf32>
        %parallel_loop3A_796 = arith.maximumf %parallel_loop3A_788, %parallel_loop3A_789 : vector<16xf32>
        %parallel_loop3A_797 = arith.maximumf %parallel_loop3A_790, %parallel_loop3A_791 : vector<16xf32>
        %parallel_loop3A_798 = arith.maximumf %parallel_loop3A_792, %parallel_loop3A_793 : vector<16xf32>
        %parallel_loop3A_799 = arith.maximumf %parallel_loop3A_794, %parallel_loop3A_795 : vector<16xf32>
        %parallel_loop3A_800 = arith.maximumf %parallel_loop3A_796, %parallel_loop3A_797 : vector<16xf32>
        %parallel_loop3A_801 = arith.maximumf %parallel_loop3A_798, %parallel_loop3A_799 : vector<16xf32>
        %parallel_loop3A_802 = arith.maximumf %parallel_loop3A_800, %parallel_loop3A_801 : vector<16xf32>
        %parallel_loop3A_803 = arith.subf %parallel_loop3A_637, %parallel_loop3A_802 : vector<16xf32>
        %parallel_loop3A_804 = math.exp %parallel_loop3A_803 : vector<16xf32>
        %parallel_loop3A_805 = arith.subf %parallel_loop3A_647, %parallel_loop3A_802 : vector<16xf32>
        %parallel_loop3A_806 = math.exp %parallel_loop3A_805 : vector<16xf32>
        %parallel_loop3A_807 = arith.subf %parallel_loop3A_657, %parallel_loop3A_802 : vector<16xf32>
        %parallel_loop3A_808 = math.exp %parallel_loop3A_807 : vector<16xf32>
        %parallel_loop3A_809 = arith.subf %parallel_loop3A_667, %parallel_loop3A_802 : vector<16xf32>
        %parallel_loop3A_810 = math.exp %parallel_loop3A_809 : vector<16xf32>
        %parallel_loop3A_811 = arith.subf %parallel_loop3A_677, %parallel_loop3A_802 : vector<16xf32>
        %parallel_loop3A_812 = math.exp %parallel_loop3A_811 : vector<16xf32>
        %parallel_loop3A_813 = arith.subf %parallel_loop3A_687, %parallel_loop3A_802 : vector<16xf32>
        %parallel_loop3A_814 = math.exp %parallel_loop3A_813 : vector<16xf32>
        %parallel_loop3A_815 = arith.subf %parallel_loop3A_697, %parallel_loop3A_802 : vector<16xf32>
        %parallel_loop3A_816 = math.exp %parallel_loop3A_815 : vector<16xf32>
        %parallel_loop3A_817 = arith.subf %parallel_loop3A_707, %parallel_loop3A_802 : vector<16xf32>
        %parallel_loop3A_818 = math.exp %parallel_loop3A_817 : vector<16xf32>
        %parallel_loop3A_819 = arith.subf %parallel_loop3A_717, %parallel_loop3A_802 : vector<16xf32>
        %parallel_loop3A_820 = math.exp %parallel_loop3A_819 : vector<16xf32>
        %parallel_loop3A_821 = arith.subf %parallel_loop3A_727, %parallel_loop3A_802 : vector<16xf32>
        %parallel_loop3A_822 = math.exp %parallel_loop3A_821 : vector<16xf32>
        %parallel_loop3A_823 = arith.subf %parallel_loop3A_737, %parallel_loop3A_802 : vector<16xf32>
        %parallel_loop3A_824 = math.exp %parallel_loop3A_823 : vector<16xf32>
        %parallel_loop3A_825 = arith.subf %parallel_loop3A_747, %parallel_loop3A_802 : vector<16xf32>
        %parallel_loop3A_826 = math.exp %parallel_loop3A_825 : vector<16xf32>
        %parallel_loop3A_827 = arith.subf %parallel_loop3A_757, %parallel_loop3A_802 : vector<16xf32>
        %parallel_loop3A_828 = math.exp %parallel_loop3A_827 : vector<16xf32>
        %parallel_loop3A_829 = arith.subf %parallel_loop3A_767, %parallel_loop3A_802 : vector<16xf32>
        %parallel_loop3A_830 = math.exp %parallel_loop3A_829 : vector<16xf32>
        %parallel_loop3A_831 = arith.subf %parallel_loop3A_777, %parallel_loop3A_802 : vector<16xf32>
        %parallel_loop3A_832 = math.exp %parallel_loop3A_831 : vector<16xf32>
        %parallel_loop3A_833 = arith.subf %parallel_loop3A_787, %parallel_loop3A_802 : vector<16xf32>
        %parallel_loop3A_834 = math.exp %parallel_loop3A_833 : vector<16xf32>
        %parallel_loop3A_835 = arith.addf %parallel_loop3A_804, %parallel_loop3A_806 : vector<16xf32>
        %parallel_loop3A_836 = arith.addf %parallel_loop3A_808, %parallel_loop3A_810 : vector<16xf32>
        %parallel_loop3A_837 = arith.addf %parallel_loop3A_812, %parallel_loop3A_814 : vector<16xf32>
        %parallel_loop3A_838 = arith.addf %parallel_loop3A_816, %parallel_loop3A_818 : vector<16xf32>
        %parallel_loop3A_839 = arith.addf %parallel_loop3A_820, %parallel_loop3A_822 : vector<16xf32>
        %parallel_loop3A_840 = arith.addf %parallel_loop3A_824, %parallel_loop3A_826 : vector<16xf32>
        %parallel_loop3A_841 = arith.addf %parallel_loop3A_828, %parallel_loop3A_830 : vector<16xf32>
        %parallel_loop3A_842 = arith.addf %parallel_loop3A_832, %parallel_loop3A_834 : vector<16xf32>
        %parallel_loop3A_843 = arith.addf %parallel_loop3A_835, %parallel_loop3A_836 : vector<16xf32>
        %parallel_loop3A_844 = arith.addf %parallel_loop3A_837, %parallel_loop3A_838 : vector<16xf32>
        %parallel_loop3A_845 = arith.addf %parallel_loop3A_839, %parallel_loop3A_840 : vector<16xf32>
        %parallel_loop3A_846 = arith.addf %parallel_loop3A_841, %parallel_loop3A_842 : vector<16xf32>
        %parallel_loop3A_847 = arith.addf %parallel_loop3A_843, %parallel_loop3A_844 : vector<16xf32>
        %parallel_loop3A_848 = arith.addf %parallel_loop3A_845, %parallel_loop3A_846 : vector<16xf32>
        %parallel_loop3A_849 = arith.addf %parallel_loop3A_847, %parallel_loop3A_848 : vector<16xf32>
        %parallel_loop3A_850 = arith.constant 128 : i32
        %parallel_loop3A_851 = arith.muli %parallel_loop3A_137, %parallel_loop3A_850 : i32
        %parallel_loop3A_852 = arith.constant 32 : i32
        %parallel_loop3A_853 = arith.addi %parallel_loop3A_851, %parallel_loop3A_852 : i32
        %parallel_loop3A_854 = arith.index_cast %parallel_loop3A_853 : i32 to index
        %parallel_loop3A_855 = tpu.vector_load %arg10[%parallel_loop3A_854] {strides = array<i32>} : memref<2048xf32, #tpu.memory_space<vmem>>, vector<16xf32>,
        %parallel_loop3A_856 = vector.shape_cast %parallel_loop3A_855 : vector<16xf32> to vector<16xf32>
        %parallel_loop3A_857 = vector.shape_cast %parallel_loop3A_802 : vector<16xf32> to vector<16xf32>
        tpu.vector_store %arg10[%parallel_loop3A_854], %parallel_loop3A_857 {strides = array<i32>} : memref<2048xf32, #tpu.memory_space<vmem>>, vector<16xf32>,
        %parallel_loop3A_858 = arith.constant 128 : i32
        %parallel_loop3A_859 = arith.muli %parallel_loop3A_137, %parallel_loop3A_858 : i32
        %parallel_loop3A_860 = arith.constant 64 : i32
        %parallel_loop3A_861 = arith.addi %parallel_loop3A_859, %parallel_loop3A_860 : i32
        %parallel_loop3A_862 = arith.constant 32 : i32
        %parallel_loop3A_863 = arith.addi %parallel_loop3A_861, %parallel_loop3A_862 : i32
        %parallel_loop3A_864 = arith.index_cast %parallel_loop3A_863 : i32 to index
        %parallel_loop3A_865 = tpu.vector_load %arg10[%parallel_loop3A_864] {strides = array<i32>} : memref<2048xf32, #tpu.memory_space<vmem>>, vector<16xf32>,
        %parallel_loop3A_866 = vector.shape_cast %parallel_loop3A_865 : vector<16xf32> to vector<16xf32>
        %parallel_loop3A_867 = vector.shape_cast %parallel_loop3A_849 : vector<16xf32> to vector<16xf32>
        tpu.vector_store %arg10[%parallel_loop3A_864], %parallel_loop3A_867 {strides = array<i32>} : memref<2048xf32, #tpu.memory_space<vmem>>, vector<16xf32>,
        %parallel_loop3A_868 = arith.constant 0 : i32
        %parallel_loop3A_869 = arith.addi %parallel_loop3A_139, %parallel_loop3A_868 : i32
        %parallel_loop3A_870 = arith.index_cast %parallel_loop3A_869 : i32 to index
        %parallel_loop3A_871 = arith.constant 48 : index
        %parallel_loop3A_872 = tpu.vector_load %arg8[%parallel_loop3A_870, %parallel_loop3A_871] {strides = array<i32>} : memref<256x64xf32, #tpu.memory_space<vmem>>, vector<1x16xf32>,
        %parallel_loop3A_873 = vector.shape_cast %parallel_loop3A_872 : vector<1x16xf32> to vector<16xf32>
        %parallel_loop3A_874 = vector.extract_strided_slice %parallel_loop3A_147 {offsets = [0], sizes = [1], strides = [1]} : vector<16xf32> to vector<1xf32>
        %parallel_loop3A_875 = vector.extract %parallel_loop3A_874[0] : f32 from vector<1xf32>
        %parallel_loop3A_876 = vector.broadcast %parallel_loop3A_875 : f32 to vector<16xf32>
        %parallel_loop3A_877 = arith.addf %parallel_loop3A_873, %parallel_loop3A_876 : vector<16xf32>
        %parallel_loop3A_878 = arith.constant 1 : i32
        %parallel_loop3A_879 = arith.addi %parallel_loop3A_139, %parallel_loop3A_878 : i32
        %parallel_loop3A_880 = arith.index_cast %parallel_loop3A_879 : i32 to index
        %parallel_loop3A_881 = arith.constant 48 : index
        %parallel_loop3A_882 = tpu.vector_load %arg8[%parallel_loop3A_880, %parallel_loop3A_881] {strides = array<i32>} : memref<256x64xf32, #tpu.memory_space<vmem>>, vector<1x16xf32>,
        %parallel_loop3A_883 = vector.shape_cast %parallel_loop3A_882 : vector<1x16xf32> to vector<16xf32>
        %parallel_loop3A_884 = vector.extract_strided_slice %parallel_loop3A_147 {offsets = [1], sizes = [1], strides = [1]} : vector<16xf32> to vector<1xf32>
        %parallel_loop3A_885 = vector.extract %parallel_loop3A_884[0] : f32 from vector<1xf32>
        %parallel_loop3A_886 = vector.broadcast %parallel_loop3A_885 : f32 to vector<16xf32>
        %parallel_loop3A_887 = arith.addf %parallel_loop3A_883, %parallel_loop3A_886 : vector<16xf32>
        %parallel_loop3A_888 = arith.constant 2 : i32
        %parallel_loop3A_889 = arith.addi %parallel_loop3A_139, %parallel_loop3A_888 : i32
        %parallel_loop3A_890 = arith.index_cast %parallel_loop3A_889 : i32 to index
        %parallel_loop3A_891 = arith.constant 48 : index
        %parallel_loop3A_892 = tpu.vector_load %arg8[%parallel_loop3A_890, %parallel_loop3A_891] {strides = array<i32>} : memref<256x64xf32, #tpu.memory_space<vmem>>, vector<1x16xf32>,
        %parallel_loop3A_893 = vector.shape_cast %parallel_loop3A_892 : vector<1x16xf32> to vector<16xf32>
        %parallel_loop3A_894 = vector.extract_strided_slice %parallel_loop3A_147 {offsets = [2], sizes = [1], strides = [1]} : vector<16xf32> to vector<1xf32>
        %parallel_loop3A_895 = vector.extract %parallel_loop3A_894[0] : f32 from vector<1xf32>
        %parallel_loop3A_896 = vector.broadcast %parallel_loop3A_895 : f32 to vector<16xf32>
        %parallel_loop3A_897 = arith.addf %parallel_loop3A_893, %parallel_loop3A_896 : vector<16xf32>
        %parallel_loop3A_898 = arith.constant 3 : i32
        %parallel_loop3A_899 = arith.addi %parallel_loop3A_139, %parallel_loop3A_898 : i32
        %parallel_loop3A_900 = arith.index_cast %parallel_loop3A_899 : i32 to index
        %parallel_loop3A_901 = arith.constant 48 : index
        %parallel_loop3A_902 = tpu.vector_load %arg8[%parallel_loop3A_900, %parallel_loop3A_901] {strides = array<i32>} : memref<256x64xf32, #tpu.memory_space<vmem>>, vector<1x16xf32>,
        %parallel_loop3A_903 = vector.shape_cast %parallel_loop3A_902 : vector<1x16xf32> to vector<16xf32>
        %parallel_loop3A_904 = vector.extract_strided_slice %parallel_loop3A_147 {offsets = [3], sizes = [1], strides = [1]} : vector<16xf32> to vector<1xf32>
        %parallel_loop3A_905 = vector.extract %parallel_loop3A_904[0] : f32 from vector<1xf32>
        %parallel_loop3A_906 = vector.broadcast %parallel_loop3A_905 : f32 to vector<16xf32>
        %parallel_loop3A_907 = arith.addf %parallel_loop3A_903, %parallel_loop3A_906 : vector<16xf32>
        %parallel_loop3A_908 = arith.constant 4 : i32
        %parallel_loop3A_909 = arith.addi %parallel_loop3A_139, %parallel_loop3A_908 : i32
        %parallel_loop3A_910 = arith.index_cast %parallel_loop3A_909 : i32 to index
        %parallel_loop3A_911 = arith.constant 48 : index
        %parallel_loop3A_912 = tpu.vector_load %arg8[%parallel_loop3A_910, %parallel_loop3A_911] {strides = array<i32>} : memref<256x64xf32, #tpu.memory_space<vmem>>, vector<1x16xf32>,
        %parallel_loop3A_913 = vector.shape_cast %parallel_loop3A_912 : vector<1x16xf32> to vector<16xf32>
        %parallel_loop3A_914 = vector.extract_strided_slice %parallel_loop3A_147 {offsets = [4], sizes = [1], strides = [1]} : vector<16xf32> to vector<1xf32>
        %parallel_loop3A_915 = vector.extract %parallel_loop3A_914[0] : f32 from vector<1xf32>
        %parallel_loop3A_916 = vector.broadcast %parallel_loop3A_915 : f32 to vector<16xf32>
        %parallel_loop3A_917 = arith.addf %parallel_loop3A_913, %parallel_loop3A_916 : vector<16xf32>
        %parallel_loop3A_918 = arith.constant 5 : i32
        %parallel_loop3A_919 = arith.addi %parallel_loop3A_139, %parallel_loop3A_918 : i32
        %parallel_loop3A_920 = arith.index_cast %parallel_loop3A_919 : i32 to index
        %parallel_loop3A_921 = arith.constant 48 : index
        %parallel_loop3A_922 = tpu.vector_load %arg8[%parallel_loop3A_920, %parallel_loop3A_921] {strides = array<i32>} : memref<256x64xf32, #tpu.memory_space<vmem>>, vector<1x16xf32>,
        %parallel_loop3A_923 = vector.shape_cast %parallel_loop3A_922 : vector<1x16xf32> to vector<16xf32>
        %parallel_loop3A_924 = vector.extract_strided_slice %parallel_loop3A_147 {offsets = [5], sizes = [1], strides = [1]} : vector<16xf32> to vector<1xf32>
        %parallel_loop3A_925 = vector.extract %parallel_loop3A_924[0] : f32 from vector<1xf32>
        %parallel_loop3A_926 = vector.broadcast %parallel_loop3A_925 : f32 to vector<16xf32>
        %parallel_loop3A_927 = arith.addf %parallel_loop3A_923, %parallel_loop3A_926 : vector<16xf32>
        %parallel_loop3A_928 = arith.constant 6 : i32
        %parallel_loop3A_929 = arith.addi %parallel_loop3A_139, %parallel_loop3A_928 : i32
        %parallel_loop3A_930 = arith.index_cast %parallel_loop3A_929 : i32 to index
        %parallel_loop3A_931 = arith.constant 48 : index
        %parallel_loop3A_932 = tpu.vector_load %arg8[%parallel_loop3A_930, %parallel_loop3A_931] {strides = array<i32>} : memref<256x64xf32, #tpu.memory_space<vmem>>, vector<1x16xf32>,
        %parallel_loop3A_933 = vector.shape_cast %parallel_loop3A_932 : vector<1x16xf32> to vector<16xf32>
        %parallel_loop3A_934 = vector.extract_strided_slice %parallel_loop3A_147 {offsets = [6], sizes = [1], strides = [1]} : vector<16xf32> to vector<1xf32>
        %parallel_loop3A_935 = vector.extract %parallel_loop3A_934[0] : f32 from vector<1xf32>
        %parallel_loop3A_936 = vector.broadcast %parallel_loop3A_935 : f32 to vector<16xf32>
        %parallel_loop3A_937 = arith.addf %parallel_loop3A_933, %parallel_loop3A_936 : vector<16xf32>
        %parallel_loop3A_938 = arith.constant 7 : i32
        %parallel_loop3A_939 = arith.addi %parallel_loop3A_139, %parallel_loop3A_938 : i32
        %parallel_loop3A_940 = arith.index_cast %parallel_loop3A_939 : i32 to index
        %parallel_loop3A_941 = arith.constant 48 : index
        %parallel_loop3A_942 = tpu.vector_load %arg8[%parallel_loop3A_940, %parallel_loop3A_941] {strides = array<i32>} : memref<256x64xf32, #tpu.memory_space<vmem>>, vector<1x16xf32>,
        %parallel_loop3A_943 = vector.shape_cast %parallel_loop3A_942 : vector<1x16xf32> to vector<16xf32>
        %parallel_loop3A_944 = vector.extract_strided_slice %parallel_loop3A_147 {offsets = [7], sizes = [1], strides = [1]} : vector<16xf32> to vector<1xf32>
        %parallel_loop3A_945 = vector.extract %parallel_loop3A_944[0] : f32 from vector<1xf32>
        %parallel_loop3A_946 = vector.broadcast %parallel_loop3A_945 : f32 to vector<16xf32>
        %parallel_loop3A_947 = arith.addf %parallel_loop3A_943, %parallel_loop3A_946 : vector<16xf32>
        %parallel_loop3A_948 = arith.constant 8 : i32
        %parallel_loop3A_949 = arith.addi %parallel_loop3A_139, %parallel_loop3A_948 : i32
        %parallel_loop3A_950 = arith.index_cast %parallel_loop3A_949 : i32 to index
        %parallel_loop3A_951 = arith.constant 48 : index
        %parallel_loop3A_952 = tpu.vector_load %arg8[%parallel_loop3A_950, %parallel_loop3A_951] {strides = array<i32>} : memref<256x64xf32, #tpu.memory_space<vmem>>, vector<1x16xf32>,
        %parallel_loop3A_953 = vector.shape_cast %parallel_loop3A_952 : vector<1x16xf32> to vector<16xf32>
        %parallel_loop3A_954 = vector.extract_strided_slice %parallel_loop3A_147 {offsets = [8], sizes = [1], strides = [1]} : vector<16xf32> to vector<1xf32>
        %parallel_loop3A_955 = vector.extract %parallel_loop3A_954[0] : f32 from vector<1xf32>
        %parallel_loop3A_956 = vector.broadcast %parallel_loop3A_955 : f32 to vector<16xf32>
        %parallel_loop3A_957 = arith.addf %parallel_loop3A_953, %parallel_loop3A_956 : vector<16xf32>
        %parallel_loop3A_958 = arith.constant 9 : i32
        %parallel_loop3A_959 = arith.addi %parallel_loop3A_139, %parallel_loop3A_958 : i32
        %parallel_loop3A_960 = arith.index_cast %parallel_loop3A_959 : i32 to index
        %parallel_loop3A_961 = arith.constant 48 : index
        %parallel_loop3A_962 = tpu.vector_load %arg8[%parallel_loop3A_960, %parallel_loop3A_961] {strides = array<i32>} : memref<256x64xf32, #tpu.memory_space<vmem>>, vector<1x16xf32>,
        %parallel_loop3A_963 = vector.shape_cast %parallel_loop3A_962 : vector<1x16xf32> to vector<16xf32>
        %parallel_loop3A_964 = vector.extract_strided_slice %parallel_loop3A_147 {offsets = [9], sizes = [1], strides = [1]} : vector<16xf32> to vector<1xf32>
        %parallel_loop3A_965 = vector.extract %parallel_loop3A_964[0] : f32 from vector<1xf32>
        %parallel_loop3A_966 = vector.broadcast %parallel_loop3A_965 : f32 to vector<16xf32>
        %parallel_loop3A_967 = arith.addf %parallel_loop3A_963, %parallel_loop3A_966 : vector<16xf32>
        %parallel_loop3A_968 = arith.constant 10 : i32
        %parallel_loop3A_969 = arith.addi %parallel_loop3A_139, %parallel_loop3A_968 : i32
        %parallel_loop3A_970 = arith.index_cast %parallel_loop3A_969 : i32 to index
        %parallel_loop3A_971 = arith.constant 48 : index
        %parallel_loop3A_972 = tpu.vector_load %arg8[%parallel_loop3A_970, %parallel_loop3A_971] {strides = array<i32>} : memref<256x64xf32, #tpu.memory_space<vmem>>, vector<1x16xf32>,
        %parallel_loop3A_973 = vector.shape_cast %parallel_loop3A_972 : vector<1x16xf32> to vector<16xf32>
        %parallel_loop3A_974 = vector.extract_strided_slice %parallel_loop3A_147 {offsets = [10], sizes = [1], strides = [1]} : vector<16xf32> to vector<1xf32>
        %parallel_loop3A_975 = vector.extract %parallel_loop3A_974[0] : f32 from vector<1xf32>
        %parallel_loop3A_976 = vector.broadcast %parallel_loop3A_975 : f32 to vector<16xf32>
        %parallel_loop3A_977 = arith.addf %parallel_loop3A_973, %parallel_loop3A_976 : vector<16xf32>
        %parallel_loop3A_978 = arith.constant 11 : i32
        %parallel_loop3A_979 = arith.addi %parallel_loop3A_139, %parallel_loop3A_978 : i32
        %parallel_loop3A_980 = arith.index_cast %parallel_loop3A_979 : i32 to index
        %parallel_loop3A_981 = arith.constant 48 : index
        %parallel_loop3A_982 = tpu.vector_load %arg8[%parallel_loop3A_980, %parallel_loop3A_981] {strides = array<i32>} : memref<256x64xf32, #tpu.memory_space<vmem>>, vector<1x16xf32>,
        %parallel_loop3A_983 = vector.shape_cast %parallel_loop3A_982 : vector<1x16xf32> to vector<16xf32>
        %parallel_loop3A_984 = vector.extract_strided_slice %parallel_loop3A_147 {offsets = [11], sizes = [1], strides = [1]} : vector<16xf32> to vector<1xf32>
        %parallel_loop3A_985 = vector.extract %parallel_loop3A_984[0] : f32 from vector<1xf32>
        %parallel_loop3A_986 = vector.broadcast %parallel_loop3A_985 : f32 to vector<16xf32>
        %parallel_loop3A_987 = arith.addf %parallel_loop3A_983, %parallel_loop3A_986 : vector<16xf32>
        %parallel_loop3A_988 = arith.constant 12 : i32
        %parallel_loop3A_989 = arith.addi %parallel_loop3A_139, %parallel_loop3A_988 : i32
        %parallel_loop3A_990 = arith.index_cast %parallel_loop3A_989 : i32 to index
        %parallel_loop3A_991 = arith.constant 48 : index
        %parallel_loop3A_992 = tpu.vector_load %arg8[%parallel_loop3A_990, %parallel_loop3A_991] {strides = array<i32>} : memref<256x64xf32, #tpu.memory_space<vmem>>, vector<1x16xf32>,
        %parallel_loop3A_993 = vector.shape_cast %parallel_loop3A_992 : vector<1x16xf32> to vector<16xf32>
        %parallel_loop3A_994 = vector.extract_strided_slice %parallel_loop3A_147 {offsets = [12], sizes = [1], strides = [1]} : vector<16xf32> to vector<1xf32>
        %parallel_loop3A_995 = vector.extract %parallel_loop3A_994[0] : f32 from vector<1xf32>
        %parallel_loop3A_996 = vector.broadcast %parallel_loop3A_995 : f32 to vector<16xf32>
        %parallel_loop3A_997 = arith.addf %parallel_loop3A_993, %parallel_loop3A_996 : vector<16xf32>
        %parallel_loop3A_998 = arith.constant 13 : i32
        %parallel_loop3A_999 = arith.addi %parallel_loop3A_139, %parallel_loop3A_998 : i32
        %parallel_loop3A_1000 = arith.index_cast %parallel_loop3A_999 : i32 to index
        %parallel_loop3A_1001 = arith.constant 48 : index
        %parallel_loop3A_1002 = tpu.vector_load %arg8[%parallel_loop3A_1000, %parallel_loop3A_1001] {strides = array<i32>} : memref<256x64xf32, #tpu.memory_space<vmem>>, vector<1x16xf32>,
        %parallel_loop3A_1003 = vector.shape_cast %parallel_loop3A_1002 : vector<1x16xf32> to vector<16xf32>
        %parallel_loop3A_1004 = vector.extract_strided_slice %parallel_loop3A_147 {offsets = [13], sizes = [1], strides = [1]} : vector<16xf32> to vector<1xf32>
        %parallel_loop3A_1005 = vector.extract %parallel_loop3A_1004[0] : f32 from vector<1xf32>
        %parallel_loop3A_1006 = vector.broadcast %parallel_loop3A_1005 : f32 to vector<16xf32>
        %parallel_loop3A_1007 = arith.addf %parallel_loop3A_1003, %parallel_loop3A_1006 : vector<16xf32>
        %parallel_loop3A_1008 = arith.constant 14 : i32
        %parallel_loop3A_1009 = arith.addi %parallel_loop3A_139, %parallel_loop3A_1008 : i32
        %parallel_loop3A_1010 = arith.index_cast %parallel_loop3A_1009 : i32 to index
        %parallel_loop3A_1011 = arith.constant 48 : index
        %parallel_loop3A_1012 = tpu.vector_load %arg8[%parallel_loop3A_1010, %parallel_loop3A_1011] {strides = array<i32>} : memref<256x64xf32, #tpu.memory_space<vmem>>, vector<1x16xf32>,
        %parallel_loop3A_1013 = vector.shape_cast %parallel_loop3A_1012 : vector<1x16xf32> to vector<16xf32>
        %parallel_loop3A_1014 = vector.extract_strided_slice %parallel_loop3A_147 {offsets = [14], sizes = [1], strides = [1]} : vector<16xf32> to vector<1xf32>
        %parallel_loop3A_1015 = vector.extract %parallel_loop3A_1014[0] : f32 from vector<1xf32>
        %parallel_loop3A_1016 = vector.broadcast %parallel_loop3A_1015 : f32 to vector<16xf32>
        %parallel_loop3A_1017 = arith.addf %parallel_loop3A_1013, %parallel_loop3A_1016 : vector<16xf32>
        %parallel_loop3A_1018 = arith.constant 15 : i32
        %parallel_loop3A_1019 = arith.addi %parallel_loop3A_139, %parallel_loop3A_1018 : i32
        %parallel_loop3A_1020 = arith.index_cast %parallel_loop3A_1019 : i32 to index
        %parallel_loop3A_1021 = arith.constant 48 : index
        %parallel_loop3A_1022 = tpu.vector_load %arg8[%parallel_loop3A_1020, %parallel_loop3A_1021] {strides = array<i32>} : memref<256x64xf32, #tpu.memory_space<vmem>>, vector<1x16xf32>,
        %parallel_loop3A_1023 = vector.shape_cast %parallel_loop3A_1022 : vector<1x16xf32> to vector<16xf32>
        %parallel_loop3A_1024 = vector.extract_strided_slice %parallel_loop3A_147 {offsets = [15], sizes = [1], strides = [1]} : vector<16xf32> to vector<1xf32>
        %parallel_loop3A_1025 = vector.extract %parallel_loop3A_1024[0] : f32 from vector<1xf32>
        %parallel_loop3A_1026 = vector.broadcast %parallel_loop3A_1025 : f32 to vector<16xf32>
        %parallel_loop3A_1027 = arith.addf %parallel_loop3A_1023, %parallel_loop3A_1026 : vector<16xf32>
        %parallel_loop3A_1028 = arith.maximumf %parallel_loop3A_877, %parallel_loop3A_887 : vector<16xf32>
        %parallel_loop3A_1029 = arith.maximumf %parallel_loop3A_897, %parallel_loop3A_907 : vector<16xf32>
        %parallel_loop3A_1030 = arith.maximumf %parallel_loop3A_917, %parallel_loop3A_927 : vector<16xf32>
        %parallel_loop3A_1031 = arith.maximumf %parallel_loop3A_937, %parallel_loop3A_947 : vector<16xf32>
        %parallel_loop3A_1032 = arith.maximumf %parallel_loop3A_957, %parallel_loop3A_967 : vector<16xf32>
        %parallel_loop3A_1033 = arith.maximumf %parallel_loop3A_977, %parallel_loop3A_987 : vector<16xf32>
        %parallel_loop3A_1034 = arith.maximumf %parallel_loop3A_997, %parallel_loop3A_1007 : vector<16xf32>
        %parallel_loop3A_1035 = arith.maximumf %parallel_loop3A_1017, %parallel_loop3A_1027 : vector<16xf32>
        %parallel_loop3A_1036 = arith.maximumf %parallel_loop3A_1028, %parallel_loop3A_1029 : vector<16xf32>
        %parallel_loop3A_1037 = arith.maximumf %parallel_loop3A_1030, %parallel_loop3A_1031 : vector<16xf32>
        %parallel_loop3A_1038 = arith.maximumf %parallel_loop3A_1032, %parallel_loop3A_1033 : vector<16xf32>
        %parallel_loop3A_1039 = arith.maximumf %parallel_loop3A_1034, %parallel_loop3A_1035 : vector<16xf32>
        %parallel_loop3A_1040 = arith.maximumf %parallel_loop3A_1036, %parallel_loop3A_1037 : vector<16xf32>
        %parallel_loop3A_1041 = arith.maximumf %parallel_loop3A_1038, %parallel_loop3A_1039 : vector<16xf32>
        %parallel_loop3A_1042 = arith.maximumf %parallel_loop3A_1040, %parallel_loop3A_1041 : vector<16xf32>
        %parallel_loop3A_1043 = arith.subf %parallel_loop3A_877, %parallel_loop3A_1042 : vector<16xf32>
        %parallel_loop3A_1044 = math.exp %parallel_loop3A_1043 : vector<16xf32>
        %parallel_loop3A_1045 = arith.subf %parallel_loop3A_887, %parallel_loop3A_1042 : vector<16xf32>
        %parallel_loop3A_1046 = math.exp %parallel_loop3A_1045 : vector<16xf32>
        %parallel_loop3A_1047 = arith.subf %parallel_loop3A_897, %parallel_loop3A_1042 : vector<16xf32>
        %parallel_loop3A_1048 = math.exp %parallel_loop3A_1047 : vector<16xf32>
        %parallel_loop3A_1049 = arith.subf %parallel_loop3A_907, %parallel_loop3A_1042 : vector<16xf32>
        %parallel_loop3A_1050 = math.exp %parallel_loop3A_1049 : vector<16xf32>
        %parallel_loop3A_1051 = arith.subf %parallel_loop3A_917, %parallel_loop3A_1042 : vector<16xf32>
        %parallel_loop3A_1052 = math.exp %parallel_loop3A_1051 : vector<16xf32>
        %parallel_loop3A_1053 = arith.subf %parallel_loop3A_927, %parallel_loop3A_1042 : vector<16xf32>
        %parallel_loop3A_1054 = math.exp %parallel_loop3A_1053 : vector<16xf32>
        %parallel_loop3A_1055 = arith.subf %parallel_loop3A_937, %parallel_loop3A_1042 : vector<16xf32>
        %parallel_loop3A_1056 = math.exp %parallel_loop3A_1055 : vector<16xf32>
        %parallel_loop3A_1057 = arith.subf %parallel_loop3A_947, %parallel_loop3A_1042 : vector<16xf32>
        %parallel_loop3A_1058 = math.exp %parallel_loop3A_1057 : vector<16xf32>
        %parallel_loop3A_1059 = arith.subf %parallel_loop3A_957, %parallel_loop3A_1042 : vector<16xf32>
        %parallel_loop3A_1060 = math.exp %parallel_loop3A_1059 : vector<16xf32>
        %parallel_loop3A_1061 = arith.subf %parallel_loop3A_967, %parallel_loop3A_1042 : vector<16xf32>
        %parallel_loop3A_1062 = math.exp %parallel_loop3A_1061 : vector<16xf32>
        %parallel_loop3A_1063 = arith.subf %parallel_loop3A_977, %parallel_loop3A_1042 : vector<16xf32>
        %parallel_loop3A_1064 = math.exp %parallel_loop3A_1063 : vector<16xf32>
        %parallel_loop3A_1065 = arith.subf %parallel_loop3A_987, %parallel_loop3A_1042 : vector<16xf32>
        %parallel_loop3A_1066 = math.exp %parallel_loop3A_1065 : vector<16xf32>
        %parallel_loop3A_1067 = arith.subf %parallel_loop3A_997, %parallel_loop3A_1042 : vector<16xf32>
        %parallel_loop3A_1068 = math.exp %parallel_loop3A_1067 : vector<16xf32>
        %parallel_loop3A_1069 = arith.subf %parallel_loop3A_1007, %parallel_loop3A_1042 : vector<16xf32>
        %parallel_loop3A_1070 = math.exp %parallel_loop3A_1069 : vector<16xf32>
        %parallel_loop3A_1071 = arith.subf %parallel_loop3A_1017, %parallel_loop3A_1042 : vector<16xf32>
        %parallel_loop3A_1072 = math.exp %parallel_loop3A_1071 : vector<16xf32>
        %parallel_loop3A_1073 = arith.subf %parallel_loop3A_1027, %parallel_loop3A_1042 : vector<16xf32>
        %parallel_loop3A_1074 = math.exp %parallel_loop3A_1073 : vector<16xf32>
        %parallel_loop3A_1075 = arith.addf %parallel_loop3A_1044, %parallel_loop3A_1046 : vector<16xf32>
        %parallel_loop3A_1076 = arith.addf %parallel_loop3A_1048, %parallel_loop3A_1050 : vector<16xf32>
        %parallel_loop3A_1077 = arith.addf %parallel_loop3A_1052, %parallel_loop3A_1054 : vector<16xf32>
        %parallel_loop3A_1078 = arith.addf %parallel_loop3A_1056, %parallel_loop3A_1058 : vector<16xf32>
        %parallel_loop3A_1079 = arith.addf %parallel_loop3A_1060, %parallel_loop3A_1062 : vector<16xf32>
        %parallel_loop3A_1080 = arith.addf %parallel_loop3A_1064, %parallel_loop3A_1066 : vector<16xf32>
        %parallel_loop3A_1081 = arith.addf %parallel_loop3A_1068, %parallel_loop3A_1070 : vector<16xf32>
        %parallel_loop3A_1082 = arith.addf %parallel_loop3A_1072, %parallel_loop3A_1074 : vector<16xf32>
        %parallel_loop3A_1083 = arith.addf %parallel_loop3A_1075, %parallel_loop3A_1076 : vector<16xf32>
        %parallel_loop3A_1084 = arith.addf %parallel_loop3A_1077, %parallel_loop3A_1078 : vector<16xf32>
        %parallel_loop3A_1085 = arith.addf %parallel_loop3A_1079, %parallel_loop3A_1080 : vector<16xf32>
        %parallel_loop3A_1086 = arith.addf %parallel_loop3A_1081, %parallel_loop3A_1082 : vector<16xf32>
        %parallel_loop3A_1087 = arith.addf %parallel_loop3A_1083, %parallel_loop3A_1084 : vector<16xf32>
        %parallel_loop3A_1088 = arith.addf %parallel_loop3A_1085, %parallel_loop3A_1086 : vector<16xf32>
        %parallel_loop3A_1089 = arith.addf %parallel_loop3A_1087, %parallel_loop3A_1088 : vector<16xf32>
        %parallel_loop3A_1090 = arith.constant 128 : i32
        %parallel_loop3A_1091 = arith.muli %parallel_loop3A_137, %parallel_loop3A_1090 : i32
        %parallel_loop3A_1092 = arith.constant 48 : i32
        %parallel_loop3A_1093 = arith.addi %parallel_loop3A_1091, %parallel_loop3A_1092 : i32
        %parallel_loop3A_1094 = arith.index_cast %parallel_loop3A_1093 : i32 to index
        %parallel_loop3A_1095 = tpu.vector_load %arg10[%parallel_loop3A_1094] {strides = array<i32>} : memref<2048xf32, #tpu.memory_space<vmem>>, vector<16xf32>,
        %parallel_loop3A_1096 = vector.shape_cast %parallel_loop3A_1095 : vector<16xf32> to vector<16xf32>
        %parallel_loop3A_1097 = vector.shape_cast %parallel_loop3A_1042 : vector<16xf32> to vector<16xf32>
        tpu.vector_store %arg10[%parallel_loop3A_1094], %parallel_loop3A_1097 {strides = array<i32>} : memref<2048xf32, #tpu.memory_space<vmem>>, vector<16xf32>,
        %parallel_loop3A_1098 = arith.constant 128 : i32
        %parallel_loop3A_1099 = arith.muli %parallel_loop3A_137, %parallel_loop3A_1098 : i32
        %parallel_loop3A_1100 = arith.constant 64 : i32
        %parallel_loop3A_1101 = arith.addi %parallel_loop3A_1099, %parallel_loop3A_1100 : i32
        %parallel_loop3A_1102 = arith.constant 48 : i32
        %parallel_loop3A_1103 = arith.addi %parallel_loop3A_1101, %parallel_loop3A_1102 : i32
        %parallel_loop3A_1104 = arith.index_cast %parallel_loop3A_1103 : i32 to index
        %parallel_loop3A_1105 = tpu.vector_load %arg10[%parallel_loop3A_1104] {strides = array<i32>} : memref<2048xf32, #tpu.memory_space<vmem>>, vector<16xf32>,
        %parallel_loop3A_1106 = vector.shape_cast %parallel_loop3A_1105 : vector<16xf32> to vector<16xf32>
        %parallel_loop3A_1107 = vector.shape_cast %parallel_loop3A_1089 : vector<16xf32> to vector<16xf32>
        tpu.vector_store %arg10[%parallel_loop3A_1104], %parallel_loop3A_1107 {strides = array<i32>} : memref<2048xf32, #tpu.memory_space<vmem>>, vector<16xf32>,
      } {sc.loop_unroll_factor = 1 : i64, sc.parallel_access}
      %mul3A_89 = arith.constant 16 : i32
      %mul3A_90 = arith.muli %mul3A_44, %mul3A_89 : i32
      %add3A_91 = arith.addi %mul3A_6, %mul3A_90 : i32
      %mul3A_92 = arith.constant 128 : i32
      %mul3A_93 = arith.muli %add3A_91, %mul3A_92 : i32
      %dma_start3A_94 = tpu.memref_slice %arg5[%mul3A_93] : memref<2097152xf32, #tpu.memory_space<hbm>> -> memref<2048xf32, #tpu.memory_space<hbm>>
      %dma_start3A_95 = tpu.memref_slice %arg5[%mul3A_93] : memref<2097152xf32, #tpu.memory_space<hbm>> -> memref<2048xf32, #tpu.memory_space<hbm>>
      tpu.enqueue_dma source(%arg10 : memref<2048xf32, #tpu.memory_space<vmem>>) target(%dma_start3A_95 : memref<2048xf32, #tpu.memory_space<hbm>>) target_semaphore(%arg14 : memref<!tpu.dma_semaphore, #tpu.memory_space<semaphore_mem>>)
      %add3A_96 = arith.constant 1 : i32
      %add3A_97 = arith.addi %scan3A_42, %add3A_96 : i32
      %lt3A = arith.constant 16 : i32
      %lt3A_98 = arith.cmpi slt, %add3A_97, %lt3A : i32
      %convert_element_type3A_99 = arith.extui %lt3A_98 : i1 to i32
      %cond3A_100 = arith.constant 0 : i32
      %cond3A_101 = arith.cmpi ne, %convert_element_type3A_99, %cond3A_100 : i32
      scf.if %cond3A_101 {
        %add3A_137 = arith.constant 2 : i32
        %add3A_138 = arith.addi %mul3A_44, %add3A_137 : i32
        %mul3A_139 = arith.constant 256 : i32
        %mul3A_140 = arith.muli %add3A_138, %mul3A_139 : i32
        %add3A_141 = arith.constant 0 : i32
        %add3A_142 = arith.addi %mul3A_140, %add3A_141 : i32
        %dma_start3A_143 = arith.constant 0 : i32
        %dma_start3A_144 = arith.constant 0 : i32
        %dma_start3A_145 = tpu.memref_slice %arg8[%dma_start3A_143, %dma_start3A_144] : memref<256x64xf32, #tpu.memory_space<vmem>> -> memref<128x64xf32, #tpu.memory_space<vmem>>
        %dma_start3A_146 = tpu.memref_slice %arg6[%add3A_142] : memref<8192xi32, #tpu.memory_space<vmem>> -> memref<128xi32, #tpu.memory_space<vmem>>
        %dma_start3A_147 = arith.constant 0 : i32
        %dma_start3A_148 = arith.constant 0 : i32
        %dma_start3A_149 = tpu.memref_slice %arg2[%dma_start3A_147, %dma_start3A_148] : memref<16384x64xf32, #tpu.memory_space<hbm>> -> memref<16384x64xf32, #tpu.memory_space<hbm>>
        tpu.enqueue_indirect_dma source(%dma_start3A_149 : memref<16384x64xf32, #tpu.memory_space<hbm>>) target(%dma_start3A_145 : memref<128x64xf32, #tpu.memory_space<vmem>>) offsets(%dma_start3A_146 : memref<128xi32, #tpu.memory_space<vmem>>) semaphore(%arg12 : memref<!tpu.dma_semaphore, #tpu.memory_space<semaphore_mem>>)
        %mul3A_150 = arith.constant 256 : i32
        %mul3A_151 = arith.muli %add3A_138, %mul3A_150 : i32
        %add3A_152 = arith.constant 128 : i32
        %add3A_153 = arith.addi %mul3A_151, %add3A_152 : i32
        %dma_start3A_154 = arith.constant 128 : i32
        %dma_start3A_155 = arith.constant 0 : i32
        %dma_start3A_156 = tpu.memref_slice %arg8[%dma_start3A_154, %dma_start3A_155] : memref<256x64xf32, #tpu.memory_space<vmem>> -> memref<128x64xf32, #tpu.memory_space<vmem>>
        %dma_start3A_157 = tpu.memref_slice %arg6[%add3A_153] : memref<8192xi32, #tpu.memory_space<vmem>> -> memref<128xi32, #tpu.memory_space<vmem>>
        %dma_start3A_158 = arith.constant 0 : i32
        %dma_start3A_159 = arith.constant 0 : i32
        %dma_start3A_160 = tpu.memref_slice %arg2[%dma_start3A_158, %dma_start3A_159] : memref<16384x64xf32, #tpu.memory_space<hbm>> -> memref<16384x64xf32, #tpu.memory_space<hbm>>
        tpu.enqueue_indirect_dma source(%dma_start3A_160 : memref<16384x64xf32, #tpu.memory_space<hbm>>) target(%dma_start3A_156 : memref<128x64xf32, #tpu.memory_space<vmem>>) offsets(%dma_start3A_157 : memref<128xi32, #tpu.memory_space<vmem>>) semaphore(%arg12 : memref<!tpu.dma_semaphore, #tpu.memory_space<semaphore_mem>>)
      } else {
      }
      %dma_wait3A_102 = arith.constant 0 : i32
      %dma_wait3A_103 = arith.constant 0 : i32
      %dma_wait3A_104 = tpu.memref_slice %arg9[%dma_wait3A_102, %dma_wait3A_103] : memref<256x64xf32, #tpu.memory_space<vmem>> -> memref<128x64xf32, #tpu.memory_space<vmem>>
      %dma_wait3A_105 = arith.constant 0 : i32
      %dma_wait3A_106 = tpu.memref_slice %arg6[%dma_wait3A_105] : memref<8192xi32, #tpu.memory_space<vmem>> -> memref<128xi32, #tpu.memory_space<vmem>>
      %dma_wait3A_107 = arith.constant 0 : i32
      %dma_wait3A_108 = arith.constant 0 : i32
      %dma_wait3A_109 = tpu.memref_slice %arg2[%dma_wait3A_107, %dma_wait3A_108] : memref<16384x64xf32, #tpu.memory_space<hbm>> -> memref<16384x64xf32, #tpu.memory_space<hbm>>
      tpu.wait_indirect_dma semaphore(%arg13 : memref<!tpu.dma_semaphore, #tpu.memory_space<semaphore_mem>>) src(%dma_wait3A_109 : memref<16384x64xf32, #tpu.memory_space<hbm>>) dst(%dma_wait3A_104 : memref<128x64xf32, #tpu.memory_space<vmem>>)
      %dma_wait3A_110 = arith.constant 128 : i32
      %dma_wait3A_111 = arith.constant 0 : i32
      %dma_wait3A_112 = tpu.memref_slice %arg9[%dma_wait3A_110, %dma_wait3A_111] : memref<256x64xf32, #tpu.memory_space<vmem>> -> memref<128x64xf32, #tpu.memory_space<vmem>>
      %dma_wait3A_113 = arith.constant 128 : i32
      %dma_wait3A_114 = tpu.memref_slice %arg6[%dma_wait3A_113] : memref<8192xi32, #tpu.memory_space<vmem>> -> memref<128xi32, #tpu.memory_space<vmem>>
      %dma_wait3A_115 = arith.constant 0 : i32
      %dma_wait3A_116 = arith.constant 0 : i32
      %dma_wait3A_117 = tpu.memref_slice %arg2[%dma_wait3A_115, %dma_wait3A_116] : memref<16384x64xf32, #tpu.memory_space<hbm>> -> memref<16384x64xf32, #tpu.memory_space<hbm>>
      tpu.wait_indirect_dma semaphore(%arg13 : memref<!tpu.dma_semaphore, #tpu.memory_space<semaphore_mem>>) src(%dma_wait3A_117 : memref<16384x64xf32, #tpu.memory_space<hbm>>) dst(%dma_wait3A_112 : memref<128x64xf32, #tpu.memory_space<vmem>>)
      %gt3A_118 = arith.constant 0 : i32
      %gt3A_119 = arith.cmpi sgt, %scan3A_42, %gt3A_118 : i32
      %convert_element_type3A_120 = arith.extui %gt3A_119 : i1 to i32
      %cond3A_121 = arith.constant 0 : i32
      %cond3A_122 = arith.cmpi ne, %convert_element_type3A_120, %cond3A_121 : i32
      scf.if %cond3A_122 {
        %dma_wait3A_137 = arith.constant 0 : i32
        %dma_wait3A_138 = tpu.memref_slice %arg5[%dma_wait3A_137] : memref<2097152xf32, #tpu.memory_space<hbm>> -> memref<2048xf32, #tpu.memory_space<hbm>>
        %dma_wait3A_139 = arith.constant 0 : i32
        %dma_wait3A_140 = tpu.memref_slice %arg5[%dma_wait3A_139] : memref<2097152xf32, #tpu.memory_space<hbm>> -> memref<2048xf32, #tpu.memory_space<hbm>>
        tpu.wait_dma2 semaphore(%arg15 : memref<!tpu.dma_semaphore, #tpu.memory_space<semaphore_mem>>) src(%arg11 : memref<2048xf32, #tpu.memory_space<vmem>>) dst(%dma_wait3A_140 : memref<2048xf32, #tpu.memory_space<hbm>>)
      } else {
      }
      %add3A_123 = arith.constant 1 : i32
      %add3A_124 = arith.addi %mul3A_44, %add3A_123 : i32
      %parallel_loop3A_125 = arith.constant 0 : i32
      %parallel_loop3A_126 = arith.constant 16 : i32
      %parallel_loop3A_127 = arith.constant 1 : i32
      scf.for %parallel_loop3A_137 = %parallel_loop3A_125 to %parallel_loop3A_126 step %parallel_loop3A_127  : i32 {
        %parallel_loop3A_138 = arith.constant 16 : i32
        %parallel_loop3A_139 = arith.muli %parallel_loop3A_137, %parallel_loop3A_138 : i32
        %parallel_loop3A_140 = arith.constant 256 : i32
        %parallel_loop3A_141 = arith.muli %add3A_124, %parallel_loop3A_140 : i32
        %parallel_loop3A_142 = arith.constant 16 : i32
        %parallel_loop3A_143 = arith.muli %parallel_loop3A_137, %parallel_loop3A_142 : i32
        %parallel_loop3A_144 = arith.addi %parallel_loop3A_141, %parallel_loop3A_143 : i32
        %parallel_loop3A_145 = arith.index_cast %parallel_loop3A_144 : i32 to index
        %parallel_loop3A_146 = tpu.vector_load %arg7[%parallel_loop3A_145] {strides = array<i32>} : memref<8192xf32, #tpu.memory_space<vmem>>, vector<16xf32>,
        %parallel_loop3A_147 = vector.shape_cast %parallel_loop3A_146 : vector<16xf32> to vector<16xf32>
        %parallel_loop3A_148 = arith.constant 0 : i32
        %parallel_loop3A_149 = arith.addi %parallel_loop3A_139, %parallel_loop3A_148 : i32
        %parallel_loop3A_150 = arith.index_cast %parallel_loop3A_149 : i32 to index
        %parallel_loop3A_151 = arith.constant 0 : index
        %parallel_loop3A_152 = tpu.vector_load %arg9[%parallel_loop3A_150, %parallel_loop3A_151] {strides = array<i32>} : memref<256x64xf32, #tpu.memory_space<vmem>>, vector<1x16xf32>,
        %parallel_loop3A_153 = vector.shape_cast %parallel_loop3A_152 : vector<1x16xf32> to vector<16xf32>
        %parallel_loop3A_154 = vector.extract_strided_slice %parallel_loop3A_147 {offsets = [0], sizes = [1], strides = [1]} : vector<16xf32> to vector<1xf32>
        %parallel_loop3A_155 = vector.extract %parallel_loop3A_154[0] : f32 from vector<1xf32>
        %parallel_loop3A_156 = vector.broadcast %parallel_loop3A_155 : f32 to vector<16xf32>
        %parallel_loop3A_157 = arith.addf %parallel_loop3A_153, %parallel_loop3A_156 : vector<16xf32>
        %parallel_loop3A_158 = arith.constant 1 : i32
        %parallel_loop3A_159 = arith.addi %parallel_loop3A_139, %parallel_loop3A_158 : i32
        %parallel_loop3A_160 = arith.index_cast %parallel_loop3A_159 : i32 to index
        %parallel_loop3A_161 = arith.constant 0 : index
        %parallel_loop3A_162 = tpu.vector_load %arg9[%parallel_loop3A_160, %parallel_loop3A_161] {strides = array<i32>} : memref<256x64xf32, #tpu.memory_space<vmem>>, vector<1x16xf32>,
        %parallel_loop3A_163 = vector.shape_cast %parallel_loop3A_162 : vector<1x16xf32> to vector<16xf32>
        %parallel_loop3A_164 = vector.extract_strided_slice %parallel_loop3A_147 {offsets = [1], sizes = [1], strides = [1]} : vector<16xf32> to vector<1xf32>
        %parallel_loop3A_165 = vector.extract %parallel_loop3A_164[0] : f32 from vector<1xf32>
        %parallel_loop3A_166 = vector.broadcast %parallel_loop3A_165 : f32 to vector<16xf32>
        %parallel_loop3A_167 = arith.addf %parallel_loop3A_163, %parallel_loop3A_166 : vector<16xf32>
        %parallel_loop3A_168 = arith.constant 2 : i32
        %parallel_loop3A_169 = arith.addi %parallel_loop3A_139, %parallel_loop3A_168 : i32
        %parallel_loop3A_170 = arith.index_cast %parallel_loop3A_169 : i32 to index
        %parallel_loop3A_171 = arith.constant 0 : index
        %parallel_loop3A_172 = tpu.vector_load %arg9[%parallel_loop3A_170, %parallel_loop3A_171] {strides = array<i32>} : memref<256x64xf32, #tpu.memory_space<vmem>>, vector<1x16xf32>,
        %parallel_loop3A_173 = vector.shape_cast %parallel_loop3A_172 : vector<1x16xf32> to vector<16xf32>
        %parallel_loop3A_174 = vector.extract_strided_slice %parallel_loop3A_147 {offsets = [2], sizes = [1], strides = [1]} : vector<16xf32> to vector<1xf32>
        %parallel_loop3A_175 = vector.extract %parallel_loop3A_174[0] : f32 from vector<1xf32>
        %parallel_loop3A_176 = vector.broadcast %parallel_loop3A_175 : f32 to vector<16xf32>
        %parallel_loop3A_177 = arith.addf %parallel_loop3A_173, %parallel_loop3A_176 : vector<16xf32>
        %parallel_loop3A_178 = arith.constant 3 : i32
        %parallel_loop3A_179 = arith.addi %parallel_loop3A_139, %parallel_loop3A_178 : i32
        %parallel_loop3A_180 = arith.index_cast %parallel_loop3A_179 : i32 to index
        %parallel_loop3A_181 = arith.constant 0 : index
        %parallel_loop3A_182 = tpu.vector_load %arg9[%parallel_loop3A_180, %parallel_loop3A_181] {strides = array<i32>} : memref<256x64xf32, #tpu.memory_space<vmem>>, vector<1x16xf32>,
        %parallel_loop3A_183 = vector.shape_cast %parallel_loop3A_182 : vector<1x16xf32> to vector<16xf32>
        %parallel_loop3A_184 = vector.extract_strided_slice %parallel_loop3A_147 {offsets = [3], sizes = [1], strides = [1]} : vector<16xf32> to vector<1xf32>
        %parallel_loop3A_185 = vector.extract %parallel_loop3A_184[0] : f32 from vector<1xf32>
        %parallel_loop3A_186 = vector.broadcast %parallel_loop3A_185 : f32 to vector<16xf32>
        %parallel_loop3A_187 = arith.addf %parallel_loop3A_183, %parallel_loop3A_186 : vector<16xf32>
        %parallel_loop3A_188 = arith.constant 4 : i32
        %parallel_loop3A_189 = arith.addi %parallel_loop3A_139, %parallel_loop3A_188 : i32
        %parallel_loop3A_190 = arith.index_cast %parallel_loop3A_189 : i32 to index
        %parallel_loop3A_191 = arith.constant 0 : index
        %parallel_loop3A_192 = tpu.vector_load %arg9[%parallel_loop3A_190, %parallel_loop3A_191] {strides = array<i32>} : memref<256x64xf32, #tpu.memory_space<vmem>>, vector<1x16xf32>,
        %parallel_loop3A_193 = vector.shape_cast %parallel_loop3A_192 : vector<1x16xf32> to vector<16xf32>
        %parallel_loop3A_194 = vector.extract_strided_slice %parallel_loop3A_147 {offsets = [4], sizes = [1], strides = [1]} : vector<16xf32> to vector<1xf32>
        %parallel_loop3A_195 = vector.extract %parallel_loop3A_194[0] : f32 from vector<1xf32>
        %parallel_loop3A_196 = vector.broadcast %parallel_loop3A_195 : f32 to vector<16xf32>
        %parallel_loop3A_197 = arith.addf %parallel_loop3A_193, %parallel_loop3A_196 : vector<16xf32>
        %parallel_loop3A_198 = arith.constant 5 : i32
        %parallel_loop3A_199 = arith.addi %parallel_loop3A_139, %parallel_loop3A_198 : i32
        %parallel_loop3A_200 = arith.index_cast %parallel_loop3A_199 : i32 to index
        %parallel_loop3A_201 = arith.constant 0 : index
        %parallel_loop3A_202 = tpu.vector_load %arg9[%parallel_loop3A_200, %parallel_loop3A_201] {strides = array<i32>} : memref<256x64xf32, #tpu.memory_space<vmem>>, vector<1x16xf32>,
        %parallel_loop3A_203 = vector.shape_cast %parallel_loop3A_202 : vector<1x16xf32> to vector<16xf32>
        %parallel_loop3A_204 = vector.extract_strided_slice %parallel_loop3A_147 {offsets = [5], sizes = [1], strides = [1]} : vector<16xf32> to vector<1xf32>
        %parallel_loop3A_205 = vector.extract %parallel_loop3A_204[0] : f32 from vector<1xf32>
        %parallel_loop3A_206 = vector.broadcast %parallel_loop3A_205 : f32 to vector<16xf32>
        %parallel_loop3A_207 = arith.addf %parallel_loop3A_203, %parallel_loop3A_206 : vector<16xf32>
        %parallel_loop3A_208 = arith.constant 6 : i32
        %parallel_loop3A_209 = arith.addi %parallel_loop3A_139, %parallel_loop3A_208 : i32
        %parallel_loop3A_210 = arith.index_cast %parallel_loop3A_209 : i32 to index
        %parallel_loop3A_211 = arith.constant 0 : index
        %parallel_loop3A_212 = tpu.vector_load %arg9[%parallel_loop3A_210, %parallel_loop3A_211] {strides = array<i32>} : memref<256x64xf32, #tpu.memory_space<vmem>>, vector<1x16xf32>,
        %parallel_loop3A_213 = vector.shape_cast %parallel_loop3A_212 : vector<1x16xf32> to vector<16xf32>
        %parallel_loop3A_214 = vector.extract_strided_slice %parallel_loop3A_147 {offsets = [6], sizes = [1], strides = [1]} : vector<16xf32> to vector<1xf32>
        %parallel_loop3A_215 = vector.extract %parallel_loop3A_214[0] : f32 from vector<1xf32>
        %parallel_loop3A_216 = vector.broadcast %parallel_loop3A_215 : f32 to vector<16xf32>
        %parallel_loop3A_217 = arith.addf %parallel_loop3A_213, %parallel_loop3A_216 : vector<16xf32>
        %parallel_loop3A_218 = arith.constant 7 : i32
        %parallel_loop3A_219 = arith.addi %parallel_loop3A_139, %parallel_loop3A_218 : i32
        %parallel_loop3A_220 = arith.index_cast %parallel_loop3A_219 : i32 to index
        %parallel_loop3A_221 = arith.constant 0 : index
        %parallel_loop3A_222 = tpu.vector_load %arg9[%parallel_loop3A_220, %parallel_loop3A_221] {strides = array<i32>} : memref<256x64xf32, #tpu.memory_space<vmem>>, vector<1x16xf32>,
        %parallel_loop3A_223 = vector.shape_cast %parallel_loop3A_222 : vector<1x16xf32> to vector<16xf32>
        %parallel_loop3A_224 = vector.extract_strided_slice %parallel_loop3A_147 {offsets = [7], sizes = [1], strides = [1]} : vector<16xf32> to vector<1xf32>
        %parallel_loop3A_225 = vector.extract %parallel_loop3A_224[0] : f32 from vector<1xf32>
        %parallel_loop3A_226 = vector.broadcast %parallel_loop3A_225 : f32 to vector<16xf32>
        %parallel_loop3A_227 = arith.addf %parallel_loop3A_223, %parallel_loop3A_226 : vector<16xf32>
        %parallel_loop3A_228 = arith.constant 8 : i32
        %parallel_loop3A_229 = arith.addi %parallel_loop3A_139, %parallel_loop3A_228 : i32
        %parallel_loop3A_230 = arith.index_cast %parallel_loop3A_229 : i32 to index
        %parallel_loop3A_231 = arith.constant 0 : index
        %parallel_loop3A_232 = tpu.vector_load %arg9[%parallel_loop3A_230, %parallel_loop3A_231] {strides = array<i32>} : memref<256x64xf32, #tpu.memory_space<vmem>>, vector<1x16xf32>,
        %parallel_loop3A_233 = vector.shape_cast %parallel_loop3A_232 : vector<1x16xf32> to vector<16xf32>
        %parallel_loop3A_234 = vector.extract_strided_slice %parallel_loop3A_147 {offsets = [8], sizes = [1], strides = [1]} : vector<16xf32> to vector<1xf32>
        %parallel_loop3A_235 = vector.extract %parallel_loop3A_234[0] : f32 from vector<1xf32>
        %parallel_loop3A_236 = vector.broadcast %parallel_loop3A_235 : f32 to vector<16xf32>
        %parallel_loop3A_237 = arith.addf %parallel_loop3A_233, %parallel_loop3A_236 : vector<16xf32>
        %parallel_loop3A_238 = arith.constant 9 : i32
        %parallel_loop3A_239 = arith.addi %parallel_loop3A_139, %parallel_loop3A_238 : i32
        %parallel_loop3A_240 = arith.index_cast %parallel_loop3A_239 : i32 to index
        %parallel_loop3A_241 = arith.constant 0 : index
        %parallel_loop3A_242 = tpu.vector_load %arg9[%parallel_loop3A_240, %parallel_loop3A_241] {strides = array<i32>} : memref<256x64xf32, #tpu.memory_space<vmem>>, vector<1x16xf32>,
        %parallel_loop3A_243 = vector.shape_cast %parallel_loop3A_242 : vector<1x16xf32> to vector<16xf32>
        %parallel_loop3A_244 = vector.extract_strided_slice %parallel_loop3A_147 {offsets = [9], sizes = [1], strides = [1]} : vector<16xf32> to vector<1xf32>
        %parallel_loop3A_245 = vector.extract %parallel_loop3A_244[0] : f32 from vector<1xf32>
        %parallel_loop3A_246 = vector.broadcast %parallel_loop3A_245 : f32 to vector<16xf32>
        %parallel_loop3A_247 = arith.addf %parallel_loop3A_243, %parallel_loop3A_246 : vector<16xf32>
        %parallel_loop3A_248 = arith.constant 10 : i32
        %parallel_loop3A_249 = arith.addi %parallel_loop3A_139, %parallel_loop3A_248 : i32
        %parallel_loop3A_250 = arith.index_cast %parallel_loop3A_249 : i32 to index
        %parallel_loop3A_251 = arith.constant 0 : index
        %parallel_loop3A_252 = tpu.vector_load %arg9[%parallel_loop3A_250, %parallel_loop3A_251] {strides = array<i32>} : memref<256x64xf32, #tpu.memory_space<vmem>>, vector<1x16xf32>,
        %parallel_loop3A_253 = vector.shape_cast %parallel_loop3A_252 : vector<1x16xf32> to vector<16xf32>
        %parallel_loop3A_254 = vector.extract_strided_slice %parallel_loop3A_147 {offsets = [10], sizes = [1], strides = [1]} : vector<16xf32> to vector<1xf32>
        %parallel_loop3A_255 = vector.extract %parallel_loop3A_254[0] : f32 from vector<1xf32>
        %parallel_loop3A_256 = vector.broadcast %parallel_loop3A_255 : f32 to vector<16xf32>
        %parallel_loop3A_257 = arith.addf %parallel_loop3A_253, %parallel_loop3A_256 : vector<16xf32>
        %parallel_loop3A_258 = arith.constant 11 : i32
        %parallel_loop3A_259 = arith.addi %parallel_loop3A_139, %parallel_loop3A_258 : i32
        %parallel_loop3A_260 = arith.index_cast %parallel_loop3A_259 : i32 to index
        %parallel_loop3A_261 = arith.constant 0 : index
        %parallel_loop3A_262 = tpu.vector_load %arg9[%parallel_loop3A_260, %parallel_loop3A_261] {strides = array<i32>} : memref<256x64xf32, #tpu.memory_space<vmem>>, vector<1x16xf32>,
        %parallel_loop3A_263 = vector.shape_cast %parallel_loop3A_262 : vector<1x16xf32> to vector<16xf32>
        %parallel_loop3A_264 = vector.extract_strided_slice %parallel_loop3A_147 {offsets = [11], sizes = [1], strides = [1]} : vector<16xf32> to vector<1xf32>
        %parallel_loop3A_265 = vector.extract %parallel_loop3A_264[0] : f32 from vector<1xf32>
        %parallel_loop3A_266 = vector.broadcast %parallel_loop3A_265 : f32 to vector<16xf32>
        %parallel_loop3A_267 = arith.addf %parallel_loop3A_263, %parallel_loop3A_266 : vector<16xf32>
        %parallel_loop3A_268 = arith.constant 12 : i32
        %parallel_loop3A_269 = arith.addi %parallel_loop3A_139, %parallel_loop3A_268 : i32
        %parallel_loop3A_270 = arith.index_cast %parallel_loop3A_269 : i32 to index
        %parallel_loop3A_271 = arith.constant 0 : index
        %parallel_loop3A_272 = tpu.vector_load %arg9[%parallel_loop3A_270, %parallel_loop3A_271] {strides = array<i32>} : memref<256x64xf32, #tpu.memory_space<vmem>>, vector<1x16xf32>,
        %parallel_loop3A_273 = vector.shape_cast %parallel_loop3A_272 : vector<1x16xf32> to vector<16xf32>
        %parallel_loop3A_274 = vector.extract_strided_slice %parallel_loop3A_147 {offsets = [12], sizes = [1], strides = [1]} : vector<16xf32> to vector<1xf32>
        %parallel_loop3A_275 = vector.extract %parallel_loop3A_274[0] : f32 from vector<1xf32>
        %parallel_loop3A_276 = vector.broadcast %parallel_loop3A_275 : f32 to vector<16xf32>
        %parallel_loop3A_277 = arith.addf %parallel_loop3A_273, %parallel_loop3A_276 : vector<16xf32>
        %parallel_loop3A_278 = arith.constant 13 : i32
        %parallel_loop3A_279 = arith.addi %parallel_loop3A_139, %parallel_loop3A_278 : i32
        %parallel_loop3A_280 = arith.index_cast %parallel_loop3A_279 : i32 to index
        %parallel_loop3A_281 = arith.constant 0 : index
        %parallel_loop3A_282 = tpu.vector_load %arg9[%parallel_loop3A_280, %parallel_loop3A_281] {strides = array<i32>} : memref<256x64xf32, #tpu.memory_space<vmem>>, vector<1x16xf32>,
        %parallel_loop3A_283 = vector.shape_cast %parallel_loop3A_282 : vector<1x16xf32> to vector<16xf32>
        %parallel_loop3A_284 = vector.extract_strided_slice %parallel_loop3A_147 {offsets = [13], sizes = [1], strides = [1]} : vector<16xf32> to vector<1xf32>
        %parallel_loop3A_285 = vector.extract %parallel_loop3A_284[0] : f32 from vector<1xf32>
        %parallel_loop3A_286 = vector.broadcast %parallel_loop3A_285 : f32 to vector<16xf32>
        %parallel_loop3A_287 = arith.addf %parallel_loop3A_283, %parallel_loop3A_286 : vector<16xf32>
        %parallel_loop3A_288 = arith.constant 14 : i32
        %parallel_loop3A_289 = arith.addi %parallel_loop3A_139, %parallel_loop3A_288 : i32
        %parallel_loop3A_290 = arith.index_cast %parallel_loop3A_289 : i32 to index
        %parallel_loop3A_291 = arith.constant 0 : index
        %parallel_loop3A_292 = tpu.vector_load %arg9[%parallel_loop3A_290, %parallel_loop3A_291] {strides = array<i32>} : memref<256x64xf32, #tpu.memory_space<vmem>>, vector<1x16xf32>,
        %parallel_loop3A_293 = vector.shape_cast %parallel_loop3A_292 : vector<1x16xf32> to vector<16xf32>
        %parallel_loop3A_294 = vector.extract_strided_slice %parallel_loop3A_147 {offsets = [14], sizes = [1], strides = [1]} : vector<16xf32> to vector<1xf32>
        %parallel_loop3A_295 = vector.extract %parallel_loop3A_294[0] : f32 from vector<1xf32>
        %parallel_loop3A_296 = vector.broadcast %parallel_loop3A_295 : f32 to vector<16xf32>
        %parallel_loop3A_297 = arith.addf %parallel_loop3A_293, %parallel_loop3A_296 : vector<16xf32>
        %parallel_loop3A_298 = arith.constant 15 : i32
        %parallel_loop3A_299 = arith.addi %parallel_loop3A_139, %parallel_loop3A_298 : i32
        %parallel_loop3A_300 = arith.index_cast %parallel_loop3A_299 : i32 to index
        %parallel_loop3A_301 = arith.constant 0 : index
        %parallel_loop3A_302 = tpu.vector_load %arg9[%parallel_loop3A_300, %parallel_loop3A_301] {strides = array<i32>} : memref<256x64xf32, #tpu.memory_space<vmem>>, vector<1x16xf32>,
        %parallel_loop3A_303 = vector.shape_cast %parallel_loop3A_302 : vector<1x16xf32> to vector<16xf32>
        %parallel_loop3A_304 = vector.extract_strided_slice %parallel_loop3A_147 {offsets = [15], sizes = [1], strides = [1]} : vector<16xf32> to vector<1xf32>
        %parallel_loop3A_305 = vector.extract %parallel_loop3A_304[0] : f32 from vector<1xf32>
        %parallel_loop3A_306 = vector.broadcast %parallel_loop3A_305 : f32 to vector<16xf32>
        %parallel_loop3A_307 = arith.addf %parallel_loop3A_303, %parallel_loop3A_306 : vector<16xf32>
        %parallel_loop3A_308 = arith.maximumf %parallel_loop3A_157, %parallel_loop3A_167 : vector<16xf32>
        %parallel_loop3A_309 = arith.maximumf %parallel_loop3A_177, %parallel_loop3A_187 : vector<16xf32>
        %parallel_loop3A_310 = arith.maximumf %parallel_loop3A_197, %parallel_loop3A_207 : vector<16xf32>
        %parallel_loop3A_311 = arith.maximumf %parallel_loop3A_217, %parallel_loop3A_227 : vector<16xf32>
        %parallel_loop3A_312 = arith.maximumf %parallel_loop3A_237, %parallel_loop3A_247 : vector<16xf32>
        %parallel_loop3A_313 = arith.maximumf %parallel_loop3A_257, %parallel_loop3A_267 : vector<16xf32>
        %parallel_loop3A_314 = arith.maximumf %parallel_loop3A_277, %parallel_loop3A_287 : vector<16xf32>
        %parallel_loop3A_315 = arith.maximumf %parallel_loop3A_297, %parallel_loop3A_307 : vector<16xf32>
        %parallel_loop3A_316 = arith.maximumf %parallel_loop3A_308, %parallel_loop3A_309 : vector<16xf32>
        %parallel_loop3A_317 = arith.maximumf %parallel_loop3A_310, %parallel_loop3A_311 : vector<16xf32>
        %parallel_loop3A_318 = arith.maximumf %parallel_loop3A_312, %parallel_loop3A_313 : vector<16xf32>
        %parallel_loop3A_319 = arith.maximumf %parallel_loop3A_314, %parallel_loop3A_315 : vector<16xf32>
        %parallel_loop3A_320 = arith.maximumf %parallel_loop3A_316, %parallel_loop3A_317 : vector<16xf32>
        %parallel_loop3A_321 = arith.maximumf %parallel_loop3A_318, %parallel_loop3A_319 : vector<16xf32>
        %parallel_loop3A_322 = arith.maximumf %parallel_loop3A_320, %parallel_loop3A_321 : vector<16xf32>
        %parallel_loop3A_323 = arith.subf %parallel_loop3A_157, %parallel_loop3A_322 : vector<16xf32>
        %parallel_loop3A_324 = math.exp %parallel_loop3A_323 : vector<16xf32>
        %parallel_loop3A_325 = arith.subf %parallel_loop3A_167, %parallel_loop3A_322 : vector<16xf32>
        %parallel_loop3A_326 = math.exp %parallel_loop3A_325 : vector<16xf32>
        %parallel_loop3A_327 = arith.subf %parallel_loop3A_177, %parallel_loop3A_322 : vector<16xf32>
        %parallel_loop3A_328 = math.exp %parallel_loop3A_327 : vector<16xf32>
        %parallel_loop3A_329 = arith.subf %parallel_loop3A_187, %parallel_loop3A_322 : vector<16xf32>
        %parallel_loop3A_330 = math.exp %parallel_loop3A_329 : vector<16xf32>
        %parallel_loop3A_331 = arith.subf %parallel_loop3A_197, %parallel_loop3A_322 : vector<16xf32>
        %parallel_loop3A_332 = math.exp %parallel_loop3A_331 : vector<16xf32>
        %parallel_loop3A_333 = arith.subf %parallel_loop3A_207, %parallel_loop3A_322 : vector<16xf32>
        %parallel_loop3A_334 = math.exp %parallel_loop3A_333 : vector<16xf32>
        %parallel_loop3A_335 = arith.subf %parallel_loop3A_217, %parallel_loop3A_322 : vector<16xf32>
        %parallel_loop3A_336 = math.exp %parallel_loop3A_335 : vector<16xf32>
        %parallel_loop3A_337 = arith.subf %parallel_loop3A_227, %parallel_loop3A_322 : vector<16xf32>
        %parallel_loop3A_338 = math.exp %parallel_loop3A_337 : vector<16xf32>
        %parallel_loop3A_339 = arith.subf %parallel_loop3A_237, %parallel_loop3A_322 : vector<16xf32>
        %parallel_loop3A_340 = math.exp %parallel_loop3A_339 : vector<16xf32>
        %parallel_loop3A_341 = arith.subf %parallel_loop3A_247, %parallel_loop3A_322 : vector<16xf32>
        %parallel_loop3A_342 = math.exp %parallel_loop3A_341 : vector<16xf32>
        %parallel_loop3A_343 = arith.subf %parallel_loop3A_257, %parallel_loop3A_322 : vector<16xf32>
        %parallel_loop3A_344 = math.exp %parallel_loop3A_343 : vector<16xf32>
        %parallel_loop3A_345 = arith.subf %parallel_loop3A_267, %parallel_loop3A_322 : vector<16xf32>
        %parallel_loop3A_346 = math.exp %parallel_loop3A_345 : vector<16xf32>
        %parallel_loop3A_347 = arith.subf %parallel_loop3A_277, %parallel_loop3A_322 : vector<16xf32>
        %parallel_loop3A_348 = math.exp %parallel_loop3A_347 : vector<16xf32>
        %parallel_loop3A_349 = arith.subf %parallel_loop3A_287, %parallel_loop3A_322 : vector<16xf32>
        %parallel_loop3A_350 = math.exp %parallel_loop3A_349 : vector<16xf32>
        %parallel_loop3A_351 = arith.subf %parallel_loop3A_297, %parallel_loop3A_322 : vector<16xf32>
        %parallel_loop3A_352 = math.exp %parallel_loop3A_351 : vector<16xf32>
        %parallel_loop3A_353 = arith.subf %parallel_loop3A_307, %parallel_loop3A_322 : vector<16xf32>
        %parallel_loop3A_354 = math.exp %parallel_loop3A_353 : vector<16xf32>
        %parallel_loop3A_355 = arith.addf %parallel_loop3A_324, %parallel_loop3A_326 : vector<16xf32>
        %parallel_loop3A_356 = arith.addf %parallel_loop3A_328, %parallel_loop3A_330 : vector<16xf32>
        %parallel_loop3A_357 = arith.addf %parallel_loop3A_332, %parallel_loop3A_334 : vector<16xf32>
        %parallel_loop3A_358 = arith.addf %parallel_loop3A_336, %parallel_loop3A_338 : vector<16xf32>
        %parallel_loop3A_359 = arith.addf %parallel_loop3A_340, %parallel_loop3A_342 : vector<16xf32>
        %parallel_loop3A_360 = arith.addf %parallel_loop3A_344, %parallel_loop3A_346 : vector<16xf32>
        %parallel_loop3A_361 = arith.addf %parallel_loop3A_348, %parallel_loop3A_350 : vector<16xf32>
        %parallel_loop3A_362 = arith.addf %parallel_loop3A_352, %parallel_loop3A_354 : vector<16xf32>
        %parallel_loop3A_363 = arith.addf %parallel_loop3A_355, %parallel_loop3A_356 : vector<16xf32>
        %parallel_loop3A_364 = arith.addf %parallel_loop3A_357, %parallel_loop3A_358 : vector<16xf32>
        %parallel_loop3A_365 = arith.addf %parallel_loop3A_359, %parallel_loop3A_360 : vector<16xf32>
        %parallel_loop3A_366 = arith.addf %parallel_loop3A_361, %parallel_loop3A_362 : vector<16xf32>
        %parallel_loop3A_367 = arith.addf %parallel_loop3A_363, %parallel_loop3A_364 : vector<16xf32>
        %parallel_loop3A_368 = arith.addf %parallel_loop3A_365, %parallel_loop3A_366 : vector<16xf32>
        %parallel_loop3A_369 = arith.addf %parallel_loop3A_367, %parallel_loop3A_368 : vector<16xf32>
        %parallel_loop3A_370 = arith.constant 128 : i32
        %parallel_loop3A_371 = arith.muli %parallel_loop3A_137, %parallel_loop3A_370 : i32
        %parallel_loop3A_372 = arith.constant 0 : i32
        %parallel_loop3A_373 = arith.addi %parallel_loop3A_371, %parallel_loop3A_372 : i32
        %parallel_loop3A_374 = arith.index_cast %parallel_loop3A_373 : i32 to index
        %parallel_loop3A_375 = tpu.vector_load %arg11[%parallel_loop3A_374] {strides = array<i32>} : memref<2048xf32, #tpu.memory_space<vmem>>, vector<16xf32>,
        %parallel_loop3A_376 = vector.shape_cast %parallel_loop3A_375 : vector<16xf32> to vector<16xf32>
        %parallel_loop3A_377 = vector.shape_cast %parallel_loop3A_322 : vector<16xf32> to vector<16xf32>
        tpu.vector_store %arg11[%parallel_loop3A_374], %parallel_loop3A_377 {strides = array<i32>} : memref<2048xf32, #tpu.memory_space<vmem>>, vector<16xf32>,
        %parallel_loop3A_378 = arith.constant 128 : i32
        %parallel_loop3A_379 = arith.muli %parallel_loop3A_137, %parallel_loop3A_378 : i32
        %parallel_loop3A_380 = arith.constant 64 : i32
        %parallel_loop3A_381 = arith.addi %parallel_loop3A_379, %parallel_loop3A_380 : i32
        %parallel_loop3A_382 = arith.constant 0 : i32
        %parallel_loop3A_383 = arith.addi %parallel_loop3A_381, %parallel_loop3A_382 : i32
        %parallel_loop3A_384 = arith.index_cast %parallel_loop3A_383 : i32 to index
        %parallel_loop3A_385 = tpu.vector_load %arg11[%parallel_loop3A_384] {strides = array<i32>} : memref<2048xf32, #tpu.memory_space<vmem>>, vector<16xf32>,
        %parallel_loop3A_386 = vector.shape_cast %parallel_loop3A_385 : vector<16xf32> to vector<16xf32>
        %parallel_loop3A_387 = vector.shape_cast %parallel_loop3A_369 : vector<16xf32> to vector<16xf32>
        tpu.vector_store %arg11[%parallel_loop3A_384], %parallel_loop3A_387 {strides = array<i32>} : memref<2048xf32, #tpu.memory_space<vmem>>, vector<16xf32>,
        %parallel_loop3A_388 = arith.constant 0 : i32
        %parallel_loop3A_389 = arith.addi %parallel_loop3A_139, %parallel_loop3A_388 : i32
        %parallel_loop3A_390 = arith.index_cast %parallel_loop3A_389 : i32 to index
        %parallel_loop3A_391 = arith.constant 16 : index
        %parallel_loop3A_392 = tpu.vector_load %arg9[%parallel_loop3A_390, %parallel_loop3A_391] {strides = array<i32>} : memref<256x64xf32, #tpu.memory_space<vmem>>, vector<1x16xf32>,
        %parallel_loop3A_393 = vector.shape_cast %parallel_loop3A_392 : vector<1x16xf32> to vector<16xf32>
        %parallel_loop3A_394 = vector.extract_strided_slice %parallel_loop3A_147 {offsets = [0], sizes = [1], strides = [1]} : vector<16xf32> to vector<1xf32>
        %parallel_loop3A_395 = vector.extract %parallel_loop3A_394[0] : f32 from vector<1xf32>
        %parallel_loop3A_396 = vector.broadcast %parallel_loop3A_395 : f32 to vector<16xf32>
        %parallel_loop3A_397 = arith.addf %parallel_loop3A_393, %parallel_loop3A_396 : vector<16xf32>
        %parallel_loop3A_398 = arith.constant 1 : i32
        %parallel_loop3A_399 = arith.addi %parallel_loop3A_139, %parallel_loop3A_398 : i32
        %parallel_loop3A_400 = arith.index_cast %parallel_loop3A_399 : i32 to index
        %parallel_loop3A_401 = arith.constant 16 : index
        %parallel_loop3A_402 = tpu.vector_load %arg9[%parallel_loop3A_400, %parallel_loop3A_401] {strides = array<i32>} : memref<256x64xf32, #tpu.memory_space<vmem>>, vector<1x16xf32>,
        %parallel_loop3A_403 = vector.shape_cast %parallel_loop3A_402 : vector<1x16xf32> to vector<16xf32>
        %parallel_loop3A_404 = vector.extract_strided_slice %parallel_loop3A_147 {offsets = [1], sizes = [1], strides = [1]} : vector<16xf32> to vector<1xf32>
        %parallel_loop3A_405 = vector.extract %parallel_loop3A_404[0] : f32 from vector<1xf32>
        %parallel_loop3A_406 = vector.broadcast %parallel_loop3A_405 : f32 to vector<16xf32>
        %parallel_loop3A_407 = arith.addf %parallel_loop3A_403, %parallel_loop3A_406 : vector<16xf32>
        %parallel_loop3A_408 = arith.constant 2 : i32
        %parallel_loop3A_409 = arith.addi %parallel_loop3A_139, %parallel_loop3A_408 : i32
        %parallel_loop3A_410 = arith.index_cast %parallel_loop3A_409 : i32 to index
        %parallel_loop3A_411 = arith.constant 16 : index
        %parallel_loop3A_412 = tpu.vector_load %arg9[%parallel_loop3A_410, %parallel_loop3A_411] {strides = array<i32>} : memref<256x64xf32, #tpu.memory_space<vmem>>, vector<1x16xf32>,
        %parallel_loop3A_413 = vector.shape_cast %parallel_loop3A_412 : vector<1x16xf32> to vector<16xf32>
        %parallel_loop3A_414 = vector.extract_strided_slice %parallel_loop3A_147 {offsets = [2], sizes = [1], strides = [1]} : vector<16xf32> to vector<1xf32>
        %parallel_loop3A_415 = vector.extract %parallel_loop3A_414[0] : f32 from vector<1xf32>
        %parallel_loop3A_416 = vector.broadcast %parallel_loop3A_415 : f32 to vector<16xf32>
        %parallel_loop3A_417 = arith.addf %parallel_loop3A_413, %parallel_loop3A_416 : vector<16xf32>
        %parallel_loop3A_418 = arith.constant 3 : i32
        %parallel_loop3A_419 = arith.addi %parallel_loop3A_139, %parallel_loop3A_418 : i32
        %parallel_loop3A_420 = arith.index_cast %parallel_loop3A_419 : i32 to index
        %parallel_loop3A_421 = arith.constant 16 : index
        %parallel_loop3A_422 = tpu.vector_load %arg9[%parallel_loop3A_420, %parallel_loop3A_421] {strides = array<i32>} : memref<256x64xf32, #tpu.memory_space<vmem>>, vector<1x16xf32>,
        %parallel_loop3A_423 = vector.shape_cast %parallel_loop3A_422 : vector<1x16xf32> to vector<16xf32>
        %parallel_loop3A_424 = vector.extract_strided_slice %parallel_loop3A_147 {offsets = [3], sizes = [1], strides = [1]} : vector<16xf32> to vector<1xf32>
        %parallel_loop3A_425 = vector.extract %parallel_loop3A_424[0] : f32 from vector<1xf32>
        %parallel_loop3A_426 = vector.broadcast %parallel_loop3A_425 : f32 to vector<16xf32>
        %parallel_loop3A_427 = arith.addf %parallel_loop3A_423, %parallel_loop3A_426 : vector<16xf32>
        %parallel_loop3A_428 = arith.constant 4 : i32
        %parallel_loop3A_429 = arith.addi %parallel_loop3A_139, %parallel_loop3A_428 : i32
        %parallel_loop3A_430 = arith.index_cast %parallel_loop3A_429 : i32 to index
        %parallel_loop3A_431 = arith.constant 16 : index
        %parallel_loop3A_432 = tpu.vector_load %arg9[%parallel_loop3A_430, %parallel_loop3A_431] {strides = array<i32>} : memref<256x64xf32, #tpu.memory_space<vmem>>, vector<1x16xf32>,
        %parallel_loop3A_433 = vector.shape_cast %parallel_loop3A_432 : vector<1x16xf32> to vector<16xf32>
        %parallel_loop3A_434 = vector.extract_strided_slice %parallel_loop3A_147 {offsets = [4], sizes = [1], strides = [1]} : vector<16xf32> to vector<1xf32>
        %parallel_loop3A_435 = vector.extract %parallel_loop3A_434[0] : f32 from vector<1xf32>
        %parallel_loop3A_436 = vector.broadcast %parallel_loop3A_435 : f32 to vector<16xf32>
        %parallel_loop3A_437 = arith.addf %parallel_loop3A_433, %parallel_loop3A_436 : vector<16xf32>
        %parallel_loop3A_438 = arith.constant 5 : i32
        %parallel_loop3A_439 = arith.addi %parallel_loop3A_139, %parallel_loop3A_438 : i32
        %parallel_loop3A_440 = arith.index_cast %parallel_loop3A_439 : i32 to index
        %parallel_loop3A_441 = arith.constant 16 : index
        %parallel_loop3A_442 = tpu.vector_load %arg9[%parallel_loop3A_440, %parallel_loop3A_441] {strides = array<i32>} : memref<256x64xf32, #tpu.memory_space<vmem>>, vector<1x16xf32>,
        %parallel_loop3A_443 = vector.shape_cast %parallel_loop3A_442 : vector<1x16xf32> to vector<16xf32>
        %parallel_loop3A_444 = vector.extract_strided_slice %parallel_loop3A_147 {offsets = [5], sizes = [1], strides = [1]} : vector<16xf32> to vector<1xf32>
        %parallel_loop3A_445 = vector.extract %parallel_loop3A_444[0] : f32 from vector<1xf32>
        %parallel_loop3A_446 = vector.broadcast %parallel_loop3A_445 : f32 to vector<16xf32>
        %parallel_loop3A_447 = arith.addf %parallel_loop3A_443, %parallel_loop3A_446 : vector<16xf32>
        %parallel_loop3A_448 = arith.constant 6 : i32
        %parallel_loop3A_449 = arith.addi %parallel_loop3A_139, %parallel_loop3A_448 : i32
        %parallel_loop3A_450 = arith.index_cast %parallel_loop3A_449 : i32 to index
        %parallel_loop3A_451 = arith.constant 16 : index
        %parallel_loop3A_452 = tpu.vector_load %arg9[%parallel_loop3A_450, %parallel_loop3A_451] {strides = array<i32>} : memref<256x64xf32, #tpu.memory_space<vmem>>, vector<1x16xf32>,
        %parallel_loop3A_453 = vector.shape_cast %parallel_loop3A_452 : vector<1x16xf32> to vector<16xf32>
        %parallel_loop3A_454 = vector.extract_strided_slice %parallel_loop3A_147 {offsets = [6], sizes = [1], strides = [1]} : vector<16xf32> to vector<1xf32>
        %parallel_loop3A_455 = vector.extract %parallel_loop3A_454[0] : f32 from vector<1xf32>
        %parallel_loop3A_456 = vector.broadcast %parallel_loop3A_455 : f32 to vector<16xf32>
        %parallel_loop3A_457 = arith.addf %parallel_loop3A_453, %parallel_loop3A_456 : vector<16xf32>
        %parallel_loop3A_458 = arith.constant 7 : i32
        %parallel_loop3A_459 = arith.addi %parallel_loop3A_139, %parallel_loop3A_458 : i32
        %parallel_loop3A_460 = arith.index_cast %parallel_loop3A_459 : i32 to index
        %parallel_loop3A_461 = arith.constant 16 : index
        %parallel_loop3A_462 = tpu.vector_load %arg9[%parallel_loop3A_460, %parallel_loop3A_461] {strides = array<i32>} : memref<256x64xf32, #tpu.memory_space<vmem>>, vector<1x16xf32>,
        %parallel_loop3A_463 = vector.shape_cast %parallel_loop3A_462 : vector<1x16xf32> to vector<16xf32>
        %parallel_loop3A_464 = vector.extract_strided_slice %parallel_loop3A_147 {offsets = [7], sizes = [1], strides = [1]} : vector<16xf32> to vector<1xf32>
        %parallel_loop3A_465 = vector.extract %parallel_loop3A_464[0] : f32 from vector<1xf32>
        %parallel_loop3A_466 = vector.broadcast %parallel_loop3A_465 : f32 to vector<16xf32>
        %parallel_loop3A_467 = arith.addf %parallel_loop3A_463, %parallel_loop3A_466 : vector<16xf32>
        %parallel_loop3A_468 = arith.constant 8 : i32
        %parallel_loop3A_469 = arith.addi %parallel_loop3A_139, %parallel_loop3A_468 : i32
        %parallel_loop3A_470 = arith.index_cast %parallel_loop3A_469 : i32 to index
        %parallel_loop3A_471 = arith.constant 16 : index
        %parallel_loop3A_472 = tpu.vector_load %arg9[%parallel_loop3A_470, %parallel_loop3A_471] {strides = array<i32>} : memref<256x64xf32, #tpu.memory_space<vmem>>, vector<1x16xf32>,
        %parallel_loop3A_473 = vector.shape_cast %parallel_loop3A_472 : vector<1x16xf32> to vector<16xf32>
        %parallel_loop3A_474 = vector.extract_strided_slice %parallel_loop3A_147 {offsets = [8], sizes = [1], strides = [1]} : vector<16xf32> to vector<1xf32>
        %parallel_loop3A_475 = vector.extract %parallel_loop3A_474[0] : f32 from vector<1xf32>
        %parallel_loop3A_476 = vector.broadcast %parallel_loop3A_475 : f32 to vector<16xf32>
        %parallel_loop3A_477 = arith.addf %parallel_loop3A_473, %parallel_loop3A_476 : vector<16xf32>
        %parallel_loop3A_478 = arith.constant 9 : i32
        %parallel_loop3A_479 = arith.addi %parallel_loop3A_139, %parallel_loop3A_478 : i32
        %parallel_loop3A_480 = arith.index_cast %parallel_loop3A_479 : i32 to index
        %parallel_loop3A_481 = arith.constant 16 : index
        %parallel_loop3A_482 = tpu.vector_load %arg9[%parallel_loop3A_480, %parallel_loop3A_481] {strides = array<i32>} : memref<256x64xf32, #tpu.memory_space<vmem>>, vector<1x16xf32>,
        %parallel_loop3A_483 = vector.shape_cast %parallel_loop3A_482 : vector<1x16xf32> to vector<16xf32>
        %parallel_loop3A_484 = vector.extract_strided_slice %parallel_loop3A_147 {offsets = [9], sizes = [1], strides = [1]} : vector<16xf32> to vector<1xf32>
        %parallel_loop3A_485 = vector.extract %parallel_loop3A_484[0] : f32 from vector<1xf32>
        %parallel_loop3A_486 = vector.broadcast %parallel_loop3A_485 : f32 to vector<16xf32>
        %parallel_loop3A_487 = arith.addf %parallel_loop3A_483, %parallel_loop3A_486 : vector<16xf32>
        %parallel_loop3A_488 = arith.constant 10 : i32
        %parallel_loop3A_489 = arith.addi %parallel_loop3A_139, %parallel_loop3A_488 : i32
        %parallel_loop3A_490 = arith.index_cast %parallel_loop3A_489 : i32 to index
        %parallel_loop3A_491 = arith.constant 16 : index
        %parallel_loop3A_492 = tpu.vector_load %arg9[%parallel_loop3A_490, %parallel_loop3A_491] {strides = array<i32>} : memref<256x64xf32, #tpu.memory_space<vmem>>, vector<1x16xf32>,
        %parallel_loop3A_493 = vector.shape_cast %parallel_loop3A_492 : vector<1x16xf32> to vector<16xf32>
        %parallel_loop3A_494 = vector.extract_strided_slice %parallel_loop3A_147 {offsets = [10], sizes = [1], strides = [1]} : vector<16xf32> to vector<1xf32>
        %parallel_loop3A_495 = vector.extract %parallel_loop3A_494[0] : f32 from vector<1xf32>
        %parallel_loop3A_496 = vector.broadcast %parallel_loop3A_495 : f32 to vector<16xf32>
        %parallel_loop3A_497 = arith.addf %parallel_loop3A_493, %parallel_loop3A_496 : vector<16xf32>
        %parallel_loop3A_498 = arith.constant 11 : i32
        %parallel_loop3A_499 = arith.addi %parallel_loop3A_139, %parallel_loop3A_498 : i32
        %parallel_loop3A_500 = arith.index_cast %parallel_loop3A_499 : i32 to index
        %parallel_loop3A_501 = arith.constant 16 : index
        %parallel_loop3A_502 = tpu.vector_load %arg9[%parallel_loop3A_500, %parallel_loop3A_501] {strides = array<i32>} : memref<256x64xf32, #tpu.memory_space<vmem>>, vector<1x16xf32>,
        %parallel_loop3A_503 = vector.shape_cast %parallel_loop3A_502 : vector<1x16xf32> to vector<16xf32>
        %parallel_loop3A_504 = vector.extract_strided_slice %parallel_loop3A_147 {offsets = [11], sizes = [1], strides = [1]} : vector<16xf32> to vector<1xf32>
        %parallel_loop3A_505 = vector.extract %parallel_loop3A_504[0] : f32 from vector<1xf32>
        %parallel_loop3A_506 = vector.broadcast %parallel_loop3A_505 : f32 to vector<16xf32>
        %parallel_loop3A_507 = arith.addf %parallel_loop3A_503, %parallel_loop3A_506 : vector<16xf32>
        %parallel_loop3A_508 = arith.constant 12 : i32
        %parallel_loop3A_509 = arith.addi %parallel_loop3A_139, %parallel_loop3A_508 : i32
        %parallel_loop3A_510 = arith.index_cast %parallel_loop3A_509 : i32 to index
        %parallel_loop3A_511 = arith.constant 16 : index
        %parallel_loop3A_512 = tpu.vector_load %arg9[%parallel_loop3A_510, %parallel_loop3A_511] {strides = array<i32>} : memref<256x64xf32, #tpu.memory_space<vmem>>, vector<1x16xf32>,
        %parallel_loop3A_513 = vector.shape_cast %parallel_loop3A_512 : vector<1x16xf32> to vector<16xf32>
        %parallel_loop3A_514 = vector.extract_strided_slice %parallel_loop3A_147 {offsets = [12], sizes = [1], strides = [1]} : vector<16xf32> to vector<1xf32>
        %parallel_loop3A_515 = vector.extract %parallel_loop3A_514[0] : f32 from vector<1xf32>
        %parallel_loop3A_516 = vector.broadcast %parallel_loop3A_515 : f32 to vector<16xf32>
        %parallel_loop3A_517 = arith.addf %parallel_loop3A_513, %parallel_loop3A_516 : vector<16xf32>
        %parallel_loop3A_518 = arith.constant 13 : i32
        %parallel_loop3A_519 = arith.addi %parallel_loop3A_139, %parallel_loop3A_518 : i32
        %parallel_loop3A_520 = arith.index_cast %parallel_loop3A_519 : i32 to index
        %parallel_loop3A_521 = arith.constant 16 : index
        %parallel_loop3A_522 = tpu.vector_load %arg9[%parallel_loop3A_520, %parallel_loop3A_521] {strides = array<i32>} : memref<256x64xf32, #tpu.memory_space<vmem>>, vector<1x16xf32>,
        %parallel_loop3A_523 = vector.shape_cast %parallel_loop3A_522 : vector<1x16xf32> to vector<16xf32>
        %parallel_loop3A_524 = vector.extract_strided_slice %parallel_loop3A_147 {offsets = [13], sizes = [1], strides = [1]} : vector<16xf32> to vector<1xf32>
        %parallel_loop3A_525 = vector.extract %parallel_loop3A_524[0] : f32 from vector<1xf32>
        %parallel_loop3A_526 = vector.broadcast %parallel_loop3A_525 : f32 to vector<16xf32>
        %parallel_loop3A_527 = arith.addf %parallel_loop3A_523, %parallel_loop3A_526 : vector<16xf32>
        %parallel_loop3A_528 = arith.constant 14 : i32
        %parallel_loop3A_529 = arith.addi %parallel_loop3A_139, %parallel_loop3A_528 : i32
        %parallel_loop3A_530 = arith.index_cast %parallel_loop3A_529 : i32 to index
        %parallel_loop3A_531 = arith.constant 16 : index
        %parallel_loop3A_532 = tpu.vector_load %arg9[%parallel_loop3A_530, %parallel_loop3A_531] {strides = array<i32>} : memref<256x64xf32, #tpu.memory_space<vmem>>, vector<1x16xf32>,
        %parallel_loop3A_533 = vector.shape_cast %parallel_loop3A_532 : vector<1x16xf32> to vector<16xf32>
        %parallel_loop3A_534 = vector.extract_strided_slice %parallel_loop3A_147 {offsets = [14], sizes = [1], strides = [1]} : vector<16xf32> to vector<1xf32>
        %parallel_loop3A_535 = vector.extract %parallel_loop3A_534[0] : f32 from vector<1xf32>
        %parallel_loop3A_536 = vector.broadcast %parallel_loop3A_535 : f32 to vector<16xf32>
        %parallel_loop3A_537 = arith.addf %parallel_loop3A_533, %parallel_loop3A_536 : vector<16xf32>
        %parallel_loop3A_538 = arith.constant 15 : i32
        %parallel_loop3A_539 = arith.addi %parallel_loop3A_139, %parallel_loop3A_538 : i32
        %parallel_loop3A_540 = arith.index_cast %parallel_loop3A_539 : i32 to index
        %parallel_loop3A_541 = arith.constant 16 : index
        %parallel_loop3A_542 = tpu.vector_load %arg9[%parallel_loop3A_540, %parallel_loop3A_541] {strides = array<i32>} : memref<256x64xf32, #tpu.memory_space<vmem>>, vector<1x16xf32>,
        %parallel_loop3A_543 = vector.shape_cast %parallel_loop3A_542 : vector<1x16xf32> to vector<16xf32>
        %parallel_loop3A_544 = vector.extract_strided_slice %parallel_loop3A_147 {offsets = [15], sizes = [1], strides = [1]} : vector<16xf32> to vector<1xf32>
        %parallel_loop3A_545 = vector.extract %parallel_loop3A_544[0] : f32 from vector<1xf32>
        %parallel_loop3A_546 = vector.broadcast %parallel_loop3A_545 : f32 to vector<16xf32>
        %parallel_loop3A_547 = arith.addf %parallel_loop3A_543, %parallel_loop3A_546 : vector<16xf32>
        %parallel_loop3A_548 = arith.maximumf %parallel_loop3A_397, %parallel_loop3A_407 : vector<16xf32>
        %parallel_loop3A_549 = arith.maximumf %parallel_loop3A_417, %parallel_loop3A_427 : vector<16xf32>
        %parallel_loop3A_550 = arith.maximumf %parallel_loop3A_437, %parallel_loop3A_447 : vector<16xf32>
        %parallel_loop3A_551 = arith.maximumf %parallel_loop3A_457, %parallel_loop3A_467 : vector<16xf32>
        %parallel_loop3A_552 = arith.maximumf %parallel_loop3A_477, %parallel_loop3A_487 : vector<16xf32>
        %parallel_loop3A_553 = arith.maximumf %parallel_loop3A_497, %parallel_loop3A_507 : vector<16xf32>
        %parallel_loop3A_554 = arith.maximumf %parallel_loop3A_517, %parallel_loop3A_527 : vector<16xf32>
        %parallel_loop3A_555 = arith.maximumf %parallel_loop3A_537, %parallel_loop3A_547 : vector<16xf32>
        %parallel_loop3A_556 = arith.maximumf %parallel_loop3A_548, %parallel_loop3A_549 : vector<16xf32>
        %parallel_loop3A_557 = arith.maximumf %parallel_loop3A_550, %parallel_loop3A_551 : vector<16xf32>
        %parallel_loop3A_558 = arith.maximumf %parallel_loop3A_552, %parallel_loop3A_553 : vector<16xf32>
        %parallel_loop3A_559 = arith.maximumf %parallel_loop3A_554, %parallel_loop3A_555 : vector<16xf32>
        %parallel_loop3A_560 = arith.maximumf %parallel_loop3A_556, %parallel_loop3A_557 : vector<16xf32>
        %parallel_loop3A_561 = arith.maximumf %parallel_loop3A_558, %parallel_loop3A_559 : vector<16xf32>
        %parallel_loop3A_562 = arith.maximumf %parallel_loop3A_560, %parallel_loop3A_561 : vector<16xf32>
        %parallel_loop3A_563 = arith.subf %parallel_loop3A_397, %parallel_loop3A_562 : vector<16xf32>
        %parallel_loop3A_564 = math.exp %parallel_loop3A_563 : vector<16xf32>
        %parallel_loop3A_565 = arith.subf %parallel_loop3A_407, %parallel_loop3A_562 : vector<16xf32>
        %parallel_loop3A_566 = math.exp %parallel_loop3A_565 : vector<16xf32>
        %parallel_loop3A_567 = arith.subf %parallel_loop3A_417, %parallel_loop3A_562 : vector<16xf32>
        %parallel_loop3A_568 = math.exp %parallel_loop3A_567 : vector<16xf32>
        %parallel_loop3A_569 = arith.subf %parallel_loop3A_427, %parallel_loop3A_562 : vector<16xf32>
        %parallel_loop3A_570 = math.exp %parallel_loop3A_569 : vector<16xf32>
        %parallel_loop3A_571 = arith.subf %parallel_loop3A_437, %parallel_loop3A_562 : vector<16xf32>
        %parallel_loop3A_572 = math.exp %parallel_loop3A_571 : vector<16xf32>
        %parallel_loop3A_573 = arith.subf %parallel_loop3A_447, %parallel_loop3A_562 : vector<16xf32>
        %parallel_loop3A_574 = math.exp %parallel_loop3A_573 : vector<16xf32>
        %parallel_loop3A_575 = arith.subf %parallel_loop3A_457, %parallel_loop3A_562 : vector<16xf32>
        %parallel_loop3A_576 = math.exp %parallel_loop3A_575 : vector<16xf32>
        %parallel_loop3A_577 = arith.subf %parallel_loop3A_467, %parallel_loop3A_562 : vector<16xf32>
        %parallel_loop3A_578 = math.exp %parallel_loop3A_577 : vector<16xf32>
        %parallel_loop3A_579 = arith.subf %parallel_loop3A_477, %parallel_loop3A_562 : vector<16xf32>
        %parallel_loop3A_580 = math.exp %parallel_loop3A_579 : vector<16xf32>
        %parallel_loop3A_581 = arith.subf %parallel_loop3A_487, %parallel_loop3A_562 : vector<16xf32>
        %parallel_loop3A_582 = math.exp %parallel_loop3A_581 : vector<16xf32>
        %parallel_loop3A_583 = arith.subf %parallel_loop3A_497, %parallel_loop3A_562 : vector<16xf32>
        %parallel_loop3A_584 = math.exp %parallel_loop3A_583 : vector<16xf32>
        %parallel_loop3A_585 = arith.subf %parallel_loop3A_507, %parallel_loop3A_562 : vector<16xf32>
        %parallel_loop3A_586 = math.exp %parallel_loop3A_585 : vector<16xf32>
        %parallel_loop3A_587 = arith.subf %parallel_loop3A_517, %parallel_loop3A_562 : vector<16xf32>
        %parallel_loop3A_588 = math.exp %parallel_loop3A_587 : vector<16xf32>
        %parallel_loop3A_589 = arith.subf %parallel_loop3A_527, %parallel_loop3A_562 : vector<16xf32>
        %parallel_loop3A_590 = math.exp %parallel_loop3A_589 : vector<16xf32>
        %parallel_loop3A_591 = arith.subf %parallel_loop3A_537, %parallel_loop3A_562 : vector<16xf32>
        %parallel_loop3A_592 = math.exp %parallel_loop3A_591 : vector<16xf32>
        %parallel_loop3A_593 = arith.subf %parallel_loop3A_547, %parallel_loop3A_562 : vector<16xf32>
        %parallel_loop3A_594 = math.exp %parallel_loop3A_593 : vector<16xf32>
        %parallel_loop3A_595 = arith.addf %parallel_loop3A_564, %parallel_loop3A_566 : vector<16xf32>
        %parallel_loop3A_596 = arith.addf %parallel_loop3A_568, %parallel_loop3A_570 : vector<16xf32>
        %parallel_loop3A_597 = arith.addf %parallel_loop3A_572, %parallel_loop3A_574 : vector<16xf32>
        %parallel_loop3A_598 = arith.addf %parallel_loop3A_576, %parallel_loop3A_578 : vector<16xf32>
        %parallel_loop3A_599 = arith.addf %parallel_loop3A_580, %parallel_loop3A_582 : vector<16xf32>
        %parallel_loop3A_600 = arith.addf %parallel_loop3A_584, %parallel_loop3A_586 : vector<16xf32>
        %parallel_loop3A_601 = arith.addf %parallel_loop3A_588, %parallel_loop3A_590 : vector<16xf32>
        %parallel_loop3A_602 = arith.addf %parallel_loop3A_592, %parallel_loop3A_594 : vector<16xf32>
        %parallel_loop3A_603 = arith.addf %parallel_loop3A_595, %parallel_loop3A_596 : vector<16xf32>
        %parallel_loop3A_604 = arith.addf %parallel_loop3A_597, %parallel_loop3A_598 : vector<16xf32>
        %parallel_loop3A_605 = arith.addf %parallel_loop3A_599, %parallel_loop3A_600 : vector<16xf32>
        %parallel_loop3A_606 = arith.addf %parallel_loop3A_601, %parallel_loop3A_602 : vector<16xf32>
        %parallel_loop3A_607 = arith.addf %parallel_loop3A_603, %parallel_loop3A_604 : vector<16xf32>
        %parallel_loop3A_608 = arith.addf %parallel_loop3A_605, %parallel_loop3A_606 : vector<16xf32>
        %parallel_loop3A_609 = arith.addf %parallel_loop3A_607, %parallel_loop3A_608 : vector<16xf32>
        %parallel_loop3A_610 = arith.constant 128 : i32
        %parallel_loop3A_611 = arith.muli %parallel_loop3A_137, %parallel_loop3A_610 : i32
        %parallel_loop3A_612 = arith.constant 16 : i32
        %parallel_loop3A_613 = arith.addi %parallel_loop3A_611, %parallel_loop3A_612 : i32
        %parallel_loop3A_614 = arith.index_cast %parallel_loop3A_613 : i32 to index
        %parallel_loop3A_615 = tpu.vector_load %arg11[%parallel_loop3A_614] {strides = array<i32>} : memref<2048xf32, #tpu.memory_space<vmem>>, vector<16xf32>,
        %parallel_loop3A_616 = vector.shape_cast %parallel_loop3A_615 : vector<16xf32> to vector<16xf32>
        %parallel_loop3A_617 = vector.shape_cast %parallel_loop3A_562 : vector<16xf32> to vector<16xf32>
        tpu.vector_store %arg11[%parallel_loop3A_614], %parallel_loop3A_617 {strides = array<i32>} : memref<2048xf32, #tpu.memory_space<vmem>>, vector<16xf32>,
        %parallel_loop3A_618 = arith.constant 128 : i32
        %parallel_loop3A_619 = arith.muli %parallel_loop3A_137, %parallel_loop3A_618 : i32
        %parallel_loop3A_620 = arith.constant 64 : i32
        %parallel_loop3A_621 = arith.addi %parallel_loop3A_619, %parallel_loop3A_620 : i32
        %parallel_loop3A_622 = arith.constant 16 : i32
        %parallel_loop3A_623 = arith.addi %parallel_loop3A_621, %parallel_loop3A_622 : i32
        %parallel_loop3A_624 = arith.index_cast %parallel_loop3A_623 : i32 to index
        %parallel_loop3A_625 = tpu.vector_load %arg11[%parallel_loop3A_624] {strides = array<i32>} : memref<2048xf32, #tpu.memory_space<vmem>>, vector<16xf32>,
        %parallel_loop3A_626 = vector.shape_cast %parallel_loop3A_625 : vector<16xf32> to vector<16xf32>
        %parallel_loop3A_627 = vector.shape_cast %parallel_loop3A_609 : vector<16xf32> to vector<16xf32>
        tpu.vector_store %arg11[%parallel_loop3A_624], %parallel_loop3A_627 {strides = array<i32>} : memref<2048xf32, #tpu.memory_space<vmem>>, vector<16xf32>,
        %parallel_loop3A_628 = arith.constant 0 : i32
        %parallel_loop3A_629 = arith.addi %parallel_loop3A_139, %parallel_loop3A_628 : i32
        %parallel_loop3A_630 = arith.index_cast %parallel_loop3A_629 : i32 to index
        %parallel_loop3A_631 = arith.constant 32 : index
        %parallel_loop3A_632 = tpu.vector_load %arg9[%parallel_loop3A_630, %parallel_loop3A_631] {strides = array<i32>} : memref<256x64xf32, #tpu.memory_space<vmem>>, vector<1x16xf32>,
        %parallel_loop3A_633 = vector.shape_cast %parallel_loop3A_632 : vector<1x16xf32> to vector<16xf32>
        %parallel_loop3A_634 = vector.extract_strided_slice %parallel_loop3A_147 {offsets = [0], sizes = [1], strides = [1]} : vector<16xf32> to vector<1xf32>
        %parallel_loop3A_635 = vector.extract %parallel_loop3A_634[0] : f32 from vector<1xf32>
        %parallel_loop3A_636 = vector.broadcast %parallel_loop3A_635 : f32 to vector<16xf32>
        %parallel_loop3A_637 = arith.addf %parallel_loop3A_633, %parallel_loop3A_636 : vector<16xf32>
        %parallel_loop3A_638 = arith.constant 1 : i32
        %parallel_loop3A_639 = arith.addi %parallel_loop3A_139, %parallel_loop3A_638 : i32
        %parallel_loop3A_640 = arith.index_cast %parallel_loop3A_639 : i32 to index
        %parallel_loop3A_641 = arith.constant 32 : index
        %parallel_loop3A_642 = tpu.vector_load %arg9[%parallel_loop3A_640, %parallel_loop3A_641] {strides = array<i32>} : memref<256x64xf32, #tpu.memory_space<vmem>>, vector<1x16xf32>,
        %parallel_loop3A_643 = vector.shape_cast %parallel_loop3A_642 : vector<1x16xf32> to vector<16xf32>
        %parallel_loop3A_644 = vector.extract_strided_slice %parallel_loop3A_147 {offsets = [1], sizes = [1], strides = [1]} : vector<16xf32> to vector<1xf32>
        %parallel_loop3A_645 = vector.extract %parallel_loop3A_644[0] : f32 from vector<1xf32>
        %parallel_loop3A_646 = vector.broadcast %parallel_loop3A_645 : f32 to vector<16xf32>
        %parallel_loop3A_647 = arith.addf %parallel_loop3A_643, %parallel_loop3A_646 : vector<16xf32>
        %parallel_loop3A_648 = arith.constant 2 : i32
        %parallel_loop3A_649 = arith.addi %parallel_loop3A_139, %parallel_loop3A_648 : i32
        %parallel_loop3A_650 = arith.index_cast %parallel_loop3A_649 : i32 to index
        %parallel_loop3A_651 = arith.constant 32 : index
        %parallel_loop3A_652 = tpu.vector_load %arg9[%parallel_loop3A_650, %parallel_loop3A_651] {strides = array<i32>} : memref<256x64xf32, #tpu.memory_space<vmem>>, vector<1x16xf32>,
        %parallel_loop3A_653 = vector.shape_cast %parallel_loop3A_652 : vector<1x16xf32> to vector<16xf32>
        %parallel_loop3A_654 = vector.extract_strided_slice %parallel_loop3A_147 {offsets = [2], sizes = [1], strides = [1]} : vector<16xf32> to vector<1xf32>
        %parallel_loop3A_655 = vector.extract %parallel_loop3A_654[0] : f32 from vector<1xf32>
        %parallel_loop3A_656 = vector.broadcast %parallel_loop3A_655 : f32 to vector<16xf32>
        %parallel_loop3A_657 = arith.addf %parallel_loop3A_653, %parallel_loop3A_656 : vector<16xf32>
        %parallel_loop3A_658 = arith.constant 3 : i32
        %parallel_loop3A_659 = arith.addi %parallel_loop3A_139, %parallel_loop3A_658 : i32
        %parallel_loop3A_660 = arith.index_cast %parallel_loop3A_659 : i32 to index
        %parallel_loop3A_661 = arith.constant 32 : index
        %parallel_loop3A_662 = tpu.vector_load %arg9[%parallel_loop3A_660, %parallel_loop3A_661] {strides = array<i32>} : memref<256x64xf32, #tpu.memory_space<vmem>>, vector<1x16xf32>,
        %parallel_loop3A_663 = vector.shape_cast %parallel_loop3A_662 : vector<1x16xf32> to vector<16xf32>
        %parallel_loop3A_664 = vector.extract_strided_slice %parallel_loop3A_147 {offsets = [3], sizes = [1], strides = [1]} : vector<16xf32> to vector<1xf32>
        %parallel_loop3A_665 = vector.extract %parallel_loop3A_664[0] : f32 from vector<1xf32>
        %parallel_loop3A_666 = vector.broadcast %parallel_loop3A_665 : f32 to vector<16xf32>
        %parallel_loop3A_667 = arith.addf %parallel_loop3A_663, %parallel_loop3A_666 : vector<16xf32>
        %parallel_loop3A_668 = arith.constant 4 : i32
        %parallel_loop3A_669 = arith.addi %parallel_loop3A_139, %parallel_loop3A_668 : i32
        %parallel_loop3A_670 = arith.index_cast %parallel_loop3A_669 : i32 to index
        %parallel_loop3A_671 = arith.constant 32 : index
        %parallel_loop3A_672 = tpu.vector_load %arg9[%parallel_loop3A_670, %parallel_loop3A_671] {strides = array<i32>} : memref<256x64xf32, #tpu.memory_space<vmem>>, vector<1x16xf32>,
        %parallel_loop3A_673 = vector.shape_cast %parallel_loop3A_672 : vector<1x16xf32> to vector<16xf32>
        %parallel_loop3A_674 = vector.extract_strided_slice %parallel_loop3A_147 {offsets = [4], sizes = [1], strides = [1]} : vector<16xf32> to vector<1xf32>
        %parallel_loop3A_675 = vector.extract %parallel_loop3A_674[0] : f32 from vector<1xf32>
        %parallel_loop3A_676 = vector.broadcast %parallel_loop3A_675 : f32 to vector<16xf32>
        %parallel_loop3A_677 = arith.addf %parallel_loop3A_673, %parallel_loop3A_676 : vector<16xf32>
        %parallel_loop3A_678 = arith.constant 5 : i32
        %parallel_loop3A_679 = arith.addi %parallel_loop3A_139, %parallel_loop3A_678 : i32
        %parallel_loop3A_680 = arith.index_cast %parallel_loop3A_679 : i32 to index
        %parallel_loop3A_681 = arith.constant 32 : index
        %parallel_loop3A_682 = tpu.vector_load %arg9[%parallel_loop3A_680, %parallel_loop3A_681] {strides = array<i32>} : memref<256x64xf32, #tpu.memory_space<vmem>>, vector<1x16xf32>,
        %parallel_loop3A_683 = vector.shape_cast %parallel_loop3A_682 : vector<1x16xf32> to vector<16xf32>
        %parallel_loop3A_684 = vector.extract_strided_slice %parallel_loop3A_147 {offsets = [5], sizes = [1], strides = [1]} : vector<16xf32> to vector<1xf32>
        %parallel_loop3A_685 = vector.extract %parallel_loop3A_684[0] : f32 from vector<1xf32>
        %parallel_loop3A_686 = vector.broadcast %parallel_loop3A_685 : f32 to vector<16xf32>
        %parallel_loop3A_687 = arith.addf %parallel_loop3A_683, %parallel_loop3A_686 : vector<16xf32>
        %parallel_loop3A_688 = arith.constant 6 : i32
        %parallel_loop3A_689 = arith.addi %parallel_loop3A_139, %parallel_loop3A_688 : i32
        %parallel_loop3A_690 = arith.index_cast %parallel_loop3A_689 : i32 to index
        %parallel_loop3A_691 = arith.constant 32 : index
        %parallel_loop3A_692 = tpu.vector_load %arg9[%parallel_loop3A_690, %parallel_loop3A_691] {strides = array<i32>} : memref<256x64xf32, #tpu.memory_space<vmem>>, vector<1x16xf32>,
        %parallel_loop3A_693 = vector.shape_cast %parallel_loop3A_692 : vector<1x16xf32> to vector<16xf32>
        %parallel_loop3A_694 = vector.extract_strided_slice %parallel_loop3A_147 {offsets = [6], sizes = [1], strides = [1]} : vector<16xf32> to vector<1xf32>
        %parallel_loop3A_695 = vector.extract %parallel_loop3A_694[0] : f32 from vector<1xf32>
        %parallel_loop3A_696 = vector.broadcast %parallel_loop3A_695 : f32 to vector<16xf32>
        %parallel_loop3A_697 = arith.addf %parallel_loop3A_693, %parallel_loop3A_696 : vector<16xf32>
        %parallel_loop3A_698 = arith.constant 7 : i32
        %parallel_loop3A_699 = arith.addi %parallel_loop3A_139, %parallel_loop3A_698 : i32
        %parallel_loop3A_700 = arith.index_cast %parallel_loop3A_699 : i32 to index
        %parallel_loop3A_701 = arith.constant 32 : index
        %parallel_loop3A_702 = tpu.vector_load %arg9[%parallel_loop3A_700, %parallel_loop3A_701] {strides = array<i32>} : memref<256x64xf32, #tpu.memory_space<vmem>>, vector<1x16xf32>,
        %parallel_loop3A_703 = vector.shape_cast %parallel_loop3A_702 : vector<1x16xf32> to vector<16xf32>
        %parallel_loop3A_704 = vector.extract_strided_slice %parallel_loop3A_147 {offsets = [7], sizes = [1], strides = [1]} : vector<16xf32> to vector<1xf32>
        %parallel_loop3A_705 = vector.extract %parallel_loop3A_704[0] : f32 from vector<1xf32>
        %parallel_loop3A_706 = vector.broadcast %parallel_loop3A_705 : f32 to vector<16xf32>
        %parallel_loop3A_707 = arith.addf %parallel_loop3A_703, %parallel_loop3A_706 : vector<16xf32>
        %parallel_loop3A_708 = arith.constant 8 : i32
        %parallel_loop3A_709 = arith.addi %parallel_loop3A_139, %parallel_loop3A_708 : i32
        %parallel_loop3A_710 = arith.index_cast %parallel_loop3A_709 : i32 to index
        %parallel_loop3A_711 = arith.constant 32 : index
        %parallel_loop3A_712 = tpu.vector_load %arg9[%parallel_loop3A_710, %parallel_loop3A_711] {strides = array<i32>} : memref<256x64xf32, #tpu.memory_space<vmem>>, vector<1x16xf32>,
        %parallel_loop3A_713 = vector.shape_cast %parallel_loop3A_712 : vector<1x16xf32> to vector<16xf32>
        %parallel_loop3A_714 = vector.extract_strided_slice %parallel_loop3A_147 {offsets = [8], sizes = [1], strides = [1]} : vector<16xf32> to vector<1xf32>
        %parallel_loop3A_715 = vector.extract %parallel_loop3A_714[0] : f32 from vector<1xf32>
        %parallel_loop3A_716 = vector.broadcast %parallel_loop3A_715 : f32 to vector<16xf32>
        %parallel_loop3A_717 = arith.addf %parallel_loop3A_713, %parallel_loop3A_716 : vector<16xf32>
        %parallel_loop3A_718 = arith.constant 9 : i32
        %parallel_loop3A_719 = arith.addi %parallel_loop3A_139, %parallel_loop3A_718 : i32
        %parallel_loop3A_720 = arith.index_cast %parallel_loop3A_719 : i32 to index
        %parallel_loop3A_721 = arith.constant 32 : index
        %parallel_loop3A_722 = tpu.vector_load %arg9[%parallel_loop3A_720, %parallel_loop3A_721] {strides = array<i32>} : memref<256x64xf32, #tpu.memory_space<vmem>>, vector<1x16xf32>,
        %parallel_loop3A_723 = vector.shape_cast %parallel_loop3A_722 : vector<1x16xf32> to vector<16xf32>
        %parallel_loop3A_724 = vector.extract_strided_slice %parallel_loop3A_147 {offsets = [9], sizes = [1], strides = [1]} : vector<16xf32> to vector<1xf32>
        %parallel_loop3A_725 = vector.extract %parallel_loop3A_724[0] : f32 from vector<1xf32>
        %parallel_loop3A_726 = vector.broadcast %parallel_loop3A_725 : f32 to vector<16xf32>
        %parallel_loop3A_727 = arith.addf %parallel_loop3A_723, %parallel_loop3A_726 : vector<16xf32>
        %parallel_loop3A_728 = arith.constant 10 : i32
        %parallel_loop3A_729 = arith.addi %parallel_loop3A_139, %parallel_loop3A_728 : i32
        %parallel_loop3A_730 = arith.index_cast %parallel_loop3A_729 : i32 to index
        %parallel_loop3A_731 = arith.constant 32 : index
        %parallel_loop3A_732 = tpu.vector_load %arg9[%parallel_loop3A_730, %parallel_loop3A_731] {strides = array<i32>} : memref<256x64xf32, #tpu.memory_space<vmem>>, vector<1x16xf32>,
        %parallel_loop3A_733 = vector.shape_cast %parallel_loop3A_732 : vector<1x16xf32> to vector<16xf32>
        %parallel_loop3A_734 = vector.extract_strided_slice %parallel_loop3A_147 {offsets = [10], sizes = [1], strides = [1]} : vector<16xf32> to vector<1xf32>
        %parallel_loop3A_735 = vector.extract %parallel_loop3A_734[0] : f32 from vector<1xf32>
        %parallel_loop3A_736 = vector.broadcast %parallel_loop3A_735 : f32 to vector<16xf32>
        %parallel_loop3A_737 = arith.addf %parallel_loop3A_733, %parallel_loop3A_736 : vector<16xf32>
        %parallel_loop3A_738 = arith.constant 11 : i32
        %parallel_loop3A_739 = arith.addi %parallel_loop3A_139, %parallel_loop3A_738 : i32
        %parallel_loop3A_740 = arith.index_cast %parallel_loop3A_739 : i32 to index
        %parallel_loop3A_741 = arith.constant 32 : index
        %parallel_loop3A_742 = tpu.vector_load %arg9[%parallel_loop3A_740, %parallel_loop3A_741] {strides = array<i32>} : memref<256x64xf32, #tpu.memory_space<vmem>>, vector<1x16xf32>,
        %parallel_loop3A_743 = vector.shape_cast %parallel_loop3A_742 : vector<1x16xf32> to vector<16xf32>
        %parallel_loop3A_744 = vector.extract_strided_slice %parallel_loop3A_147 {offsets = [11], sizes = [1], strides = [1]} : vector<16xf32> to vector<1xf32>
        %parallel_loop3A_745 = vector.extract %parallel_loop3A_744[0] : f32 from vector<1xf32>
        %parallel_loop3A_746 = vector.broadcast %parallel_loop3A_745 : f32 to vector<16xf32>
        %parallel_loop3A_747 = arith.addf %parallel_loop3A_743, %parallel_loop3A_746 : vector<16xf32>
        %parallel_loop3A_748 = arith.constant 12 : i32
        %parallel_loop3A_749 = arith.addi %parallel_loop3A_139, %parallel_loop3A_748 : i32
        %parallel_loop3A_750 = arith.index_cast %parallel_loop3A_749 : i32 to index
        %parallel_loop3A_751 = arith.constant 32 : index
        %parallel_loop3A_752 = tpu.vector_load %arg9[%parallel_loop3A_750, %parallel_loop3A_751] {strides = array<i32>} : memref<256x64xf32, #tpu.memory_space<vmem>>, vector<1x16xf32>,
        %parallel_loop3A_753 = vector.shape_cast %parallel_loop3A_752 : vector<1x16xf32> to vector<16xf32>
        %parallel_loop3A_754 = vector.extract_strided_slice %parallel_loop3A_147 {offsets = [12], sizes = [1], strides = [1]} : vector<16xf32> to vector<1xf32>
        %parallel_loop3A_755 = vector.extract %parallel_loop3A_754[0] : f32 from vector<1xf32>
        %parallel_loop3A_756 = vector.broadcast %parallel_loop3A_755 : f32 to vector<16xf32>
        %parallel_loop3A_757 = arith.addf %parallel_loop3A_753, %parallel_loop3A_756 : vector<16xf32>
        %parallel_loop3A_758 = arith.constant 13 : i32
        %parallel_loop3A_759 = arith.addi %parallel_loop3A_139, %parallel_loop3A_758 : i32
        %parallel_loop3A_760 = arith.index_cast %parallel_loop3A_759 : i32 to index
        %parallel_loop3A_761 = arith.constant 32 : index
        %parallel_loop3A_762 = tpu.vector_load %arg9[%parallel_loop3A_760, %parallel_loop3A_761] {strides = array<i32>} : memref<256x64xf32, #tpu.memory_space<vmem>>, vector<1x16xf32>,
        %parallel_loop3A_763 = vector.shape_cast %parallel_loop3A_762 : vector<1x16xf32> to vector<16xf32>
        %parallel_loop3A_764 = vector.extract_strided_slice %parallel_loop3A_147 {offsets = [13], sizes = [1], strides = [1]} : vector<16xf32> to vector<1xf32>
        %parallel_loop3A_765 = vector.extract %parallel_loop3A_764[0] : f32 from vector<1xf32>
        %parallel_loop3A_766 = vector.broadcast %parallel_loop3A_765 : f32 to vector<16xf32>
        %parallel_loop3A_767 = arith.addf %parallel_loop3A_763, %parallel_loop3A_766 : vector<16xf32>
        %parallel_loop3A_768 = arith.constant 14 : i32
        %parallel_loop3A_769 = arith.addi %parallel_loop3A_139, %parallel_loop3A_768 : i32
        %parallel_loop3A_770 = arith.index_cast %parallel_loop3A_769 : i32 to index
        %parallel_loop3A_771 = arith.constant 32 : index
        %parallel_loop3A_772 = tpu.vector_load %arg9[%parallel_loop3A_770, %parallel_loop3A_771] {strides = array<i32>} : memref<256x64xf32, #tpu.memory_space<vmem>>, vector<1x16xf32>,
        %parallel_loop3A_773 = vector.shape_cast %parallel_loop3A_772 : vector<1x16xf32> to vector<16xf32>
        %parallel_loop3A_774 = vector.extract_strided_slice %parallel_loop3A_147 {offsets = [14], sizes = [1], strides = [1]} : vector<16xf32> to vector<1xf32>
        %parallel_loop3A_775 = vector.extract %parallel_loop3A_774[0] : f32 from vector<1xf32>
        %parallel_loop3A_776 = vector.broadcast %parallel_loop3A_775 : f32 to vector<16xf32>
        %parallel_loop3A_777 = arith.addf %parallel_loop3A_773, %parallel_loop3A_776 : vector<16xf32>
        %parallel_loop3A_778 = arith.constant 15 : i32
        %parallel_loop3A_779 = arith.addi %parallel_loop3A_139, %parallel_loop3A_778 : i32
        %parallel_loop3A_780 = arith.index_cast %parallel_loop3A_779 : i32 to index
        %parallel_loop3A_781 = arith.constant 32 : index
        %parallel_loop3A_782 = tpu.vector_load %arg9[%parallel_loop3A_780, %parallel_loop3A_781] {strides = array<i32>} : memref<256x64xf32, #tpu.memory_space<vmem>>, vector<1x16xf32>,
        %parallel_loop3A_783 = vector.shape_cast %parallel_loop3A_782 : vector<1x16xf32> to vector<16xf32>
        %parallel_loop3A_784 = vector.extract_strided_slice %parallel_loop3A_147 {offsets = [15], sizes = [1], strides = [1]} : vector<16xf32> to vector<1xf32>
        %parallel_loop3A_785 = vector.extract %parallel_loop3A_784[0] : f32 from vector<1xf32>
        %parallel_loop3A_786 = vector.broadcast %parallel_loop3A_785 : f32 to vector<16xf32>
        %parallel_loop3A_787 = arith.addf %parallel_loop3A_783, %parallel_loop3A_786 : vector<16xf32>
        %parallel_loop3A_788 = arith.maximumf %parallel_loop3A_637, %parallel_loop3A_647 : vector<16xf32>
        %parallel_loop3A_789 = arith.maximumf %parallel_loop3A_657, %parallel_loop3A_667 : vector<16xf32>
        %parallel_loop3A_790 = arith.maximumf %parallel_loop3A_677, %parallel_loop3A_687 : vector<16xf32>
        %parallel_loop3A_791 = arith.maximumf %parallel_loop3A_697, %parallel_loop3A_707 : vector<16xf32>
        %parallel_loop3A_792 = arith.maximumf %parallel_loop3A_717, %parallel_loop3A_727 : vector<16xf32>
        %parallel_loop3A_793 = arith.maximumf %parallel_loop3A_737, %parallel_loop3A_747 : vector<16xf32>
        %parallel_loop3A_794 = arith.maximumf %parallel_loop3A_757, %parallel_loop3A_767 : vector<16xf32>
        %parallel_loop3A_795 = arith.maximumf %parallel_loop3A_777, %parallel_loop3A_787 : vector<16xf32>
        %parallel_loop3A_796 = arith.maximumf %parallel_loop3A_788, %parallel_loop3A_789 : vector<16xf32>
        %parallel_loop3A_797 = arith.maximumf %parallel_loop3A_790, %parallel_loop3A_791 : vector<16xf32>
        %parallel_loop3A_798 = arith.maximumf %parallel_loop3A_792, %parallel_loop3A_793 : vector<16xf32>
        %parallel_loop3A_799 = arith.maximumf %parallel_loop3A_794, %parallel_loop3A_795 : vector<16xf32>
        %parallel_loop3A_800 = arith.maximumf %parallel_loop3A_796, %parallel_loop3A_797 : vector<16xf32>
        %parallel_loop3A_801 = arith.maximumf %parallel_loop3A_798, %parallel_loop3A_799 : vector<16xf32>
        %parallel_loop3A_802 = arith.maximumf %parallel_loop3A_800, %parallel_loop3A_801 : vector<16xf32>
        %parallel_loop3A_803 = arith.subf %parallel_loop3A_637, %parallel_loop3A_802 : vector<16xf32>
        %parallel_loop3A_804 = math.exp %parallel_loop3A_803 : vector<16xf32>
        %parallel_loop3A_805 = arith.subf %parallel_loop3A_647, %parallel_loop3A_802 : vector<16xf32>
        %parallel_loop3A_806 = math.exp %parallel_loop3A_805 : vector<16xf32>
        %parallel_loop3A_807 = arith.subf %parallel_loop3A_657, %parallel_loop3A_802 : vector<16xf32>
        %parallel_loop3A_808 = math.exp %parallel_loop3A_807 : vector<16xf32>
        %parallel_loop3A_809 = arith.subf %parallel_loop3A_667, %parallel_loop3A_802 : vector<16xf32>
        %parallel_loop3A_810 = math.exp %parallel_loop3A_809 : vector<16xf32>
        %parallel_loop3A_811 = arith.subf %parallel_loop3A_677, %parallel_loop3A_802 : vector<16xf32>
        %parallel_loop3A_812 = math.exp %parallel_loop3A_811 : vector<16xf32>
        %parallel_loop3A_813 = arith.subf %parallel_loop3A_687, %parallel_loop3A_802 : vector<16xf32>
        %parallel_loop3A_814 = math.exp %parallel_loop3A_813 : vector<16xf32>
        %parallel_loop3A_815 = arith.subf %parallel_loop3A_697, %parallel_loop3A_802 : vector<16xf32>
        %parallel_loop3A_816 = math.exp %parallel_loop3A_815 : vector<16xf32>
        %parallel_loop3A_817 = arith.subf %parallel_loop3A_707, %parallel_loop3A_802 : vector<16xf32>
        %parallel_loop3A_818 = math.exp %parallel_loop3A_817 : vector<16xf32>
        %parallel_loop3A_819 = arith.subf %parallel_loop3A_717, %parallel_loop3A_802 : vector<16xf32>
        %parallel_loop3A_820 = math.exp %parallel_loop3A_819 : vector<16xf32>
        %parallel_loop3A_821 = arith.subf %parallel_loop3A_727, %parallel_loop3A_802 : vector<16xf32>
        %parallel_loop3A_822 = math.exp %parallel_loop3A_821 : vector<16xf32>
        %parallel_loop3A_823 = arith.subf %parallel_loop3A_737, %parallel_loop3A_802 : vector<16xf32>
        %parallel_loop3A_824 = math.exp %parallel_loop3A_823 : vector<16xf32>
        %parallel_loop3A_825 = arith.subf %parallel_loop3A_747, %parallel_loop3A_802 : vector<16xf32>
        %parallel_loop3A_826 = math.exp %parallel_loop3A_825 : vector<16xf32>
        %parallel_loop3A_827 = arith.subf %parallel_loop3A_757, %parallel_loop3A_802 : vector<16xf32>
        %parallel_loop3A_828 = math.exp %parallel_loop3A_827 : vector<16xf32>
        %parallel_loop3A_829 = arith.subf %parallel_loop3A_767, %parallel_loop3A_802 : vector<16xf32>
        %parallel_loop3A_830 = math.exp %parallel_loop3A_829 : vector<16xf32>
        %parallel_loop3A_831 = arith.subf %parallel_loop3A_777, %parallel_loop3A_802 : vector<16xf32>
        %parallel_loop3A_832 = math.exp %parallel_loop3A_831 : vector<16xf32>
        %parallel_loop3A_833 = arith.subf %parallel_loop3A_787, %parallel_loop3A_802 : vector<16xf32>
        %parallel_loop3A_834 = math.exp %parallel_loop3A_833 : vector<16xf32>
        %parallel_loop3A_835 = arith.addf %parallel_loop3A_804, %parallel_loop3A_806 : vector<16xf32>
        %parallel_loop3A_836 = arith.addf %parallel_loop3A_808, %parallel_loop3A_810 : vector<16xf32>
        %parallel_loop3A_837 = arith.addf %parallel_loop3A_812, %parallel_loop3A_814 : vector<16xf32>
        %parallel_loop3A_838 = arith.addf %parallel_loop3A_816, %parallel_loop3A_818 : vector<16xf32>
        %parallel_loop3A_839 = arith.addf %parallel_loop3A_820, %parallel_loop3A_822 : vector<16xf32>
        %parallel_loop3A_840 = arith.addf %parallel_loop3A_824, %parallel_loop3A_826 : vector<16xf32>
        %parallel_loop3A_841 = arith.addf %parallel_loop3A_828, %parallel_loop3A_830 : vector<16xf32>
        %parallel_loop3A_842 = arith.addf %parallel_loop3A_832, %parallel_loop3A_834 : vector<16xf32>
        %parallel_loop3A_843 = arith.addf %parallel_loop3A_835, %parallel_loop3A_836 : vector<16xf32>
        %parallel_loop3A_844 = arith.addf %parallel_loop3A_837, %parallel_loop3A_838 : vector<16xf32>
        %parallel_loop3A_845 = arith.addf %parallel_loop3A_839, %parallel_loop3A_840 : vector<16xf32>
        %parallel_loop3A_846 = arith.addf %parallel_loop3A_841, %parallel_loop3A_842 : vector<16xf32>
        %parallel_loop3A_847 = arith.addf %parallel_loop3A_843, %parallel_loop3A_844 : vector<16xf32>
        %parallel_loop3A_848 = arith.addf %parallel_loop3A_845, %parallel_loop3A_846 : vector<16xf32>
        %parallel_loop3A_849 = arith.addf %parallel_loop3A_847, %parallel_loop3A_848 : vector<16xf32>
        %parallel_loop3A_850 = arith.constant 128 : i32
        %parallel_loop3A_851 = arith.muli %parallel_loop3A_137, %parallel_loop3A_850 : i32
        %parallel_loop3A_852 = arith.constant 32 : i32
        %parallel_loop3A_853 = arith.addi %parallel_loop3A_851, %parallel_loop3A_852 : i32
        %parallel_loop3A_854 = arith.index_cast %parallel_loop3A_853 : i32 to index
        %parallel_loop3A_855 = tpu.vector_load %arg11[%parallel_loop3A_854] {strides = array<i32>} : memref<2048xf32, #tpu.memory_space<vmem>>, vector<16xf32>,
        %parallel_loop3A_856 = vector.shape_cast %parallel_loop3A_855 : vector<16xf32> to vector<16xf32>
        %parallel_loop3A_857 = vector.shape_cast %parallel_loop3A_802 : vector<16xf32> to vector<16xf32>
        tpu.vector_store %arg11[%parallel_loop3A_854], %parallel_loop3A_857 {strides = array<i32>} : memref<2048xf32, #tpu.memory_space<vmem>>, vector<16xf32>,
        %parallel_loop3A_858 = arith.constant 128 : i32
        %parallel_loop3A_859 = arith.muli %parallel_loop3A_137, %parallel_loop3A_858 : i32
        %parallel_loop3A_860 = arith.constant 64 : i32
        %parallel_loop3A_861 = arith.addi %parallel_loop3A_859, %parallel_loop3A_860 : i32
        %parallel_loop3A_862 = arith.constant 32 : i32
        %parallel_loop3A_863 = arith.addi %parallel_loop3A_861, %parallel_loop3A_862 : i32
        %parallel_loop3A_864 = arith.index_cast %parallel_loop3A_863 : i32 to index
        %parallel_loop3A_865 = tpu.vector_load %arg11[%parallel_loop3A_864] {strides = array<i32>} : memref<2048xf32, #tpu.memory_space<vmem>>, vector<16xf32>,
        %parallel_loop3A_866 = vector.shape_cast %parallel_loop3A_865 : vector<16xf32> to vector<16xf32>
        %parallel_loop3A_867 = vector.shape_cast %parallel_loop3A_849 : vector<16xf32> to vector<16xf32>
        tpu.vector_store %arg11[%parallel_loop3A_864], %parallel_loop3A_867 {strides = array<i32>} : memref<2048xf32, #tpu.memory_space<vmem>>, vector<16xf32>,
        %parallel_loop3A_868 = arith.constant 0 : i32
        %parallel_loop3A_869 = arith.addi %parallel_loop3A_139, %parallel_loop3A_868 : i32
        %parallel_loop3A_870 = arith.index_cast %parallel_loop3A_869 : i32 to index
        %parallel_loop3A_871 = arith.constant 48 : index
        %parallel_loop3A_872 = tpu.vector_load %arg9[%parallel_loop3A_870, %parallel_loop3A_871] {strides = array<i32>} : memref<256x64xf32, #tpu.memory_space<vmem>>, vector<1x16xf32>,
        %parallel_loop3A_873 = vector.shape_cast %parallel_loop3A_872 : vector<1x16xf32> to vector<16xf32>
        %parallel_loop3A_874 = vector.extract_strided_slice %parallel_loop3A_147 {offsets = [0], sizes = [1], strides = [1]} : vector<16xf32> to vector<1xf32>
        %parallel_loop3A_875 = vector.extract %parallel_loop3A_874[0] : f32 from vector<1xf32>
        %parallel_loop3A_876 = vector.broadcast %parallel_loop3A_875 : f32 to vector<16xf32>
        %parallel_loop3A_877 = arith.addf %parallel_loop3A_873, %parallel_loop3A_876 : vector<16xf32>
        %parallel_loop3A_878 = arith.constant 1 : i32
        %parallel_loop3A_879 = arith.addi %parallel_loop3A_139, %parallel_loop3A_878 : i32
        %parallel_loop3A_880 = arith.index_cast %parallel_loop3A_879 : i32 to index
        %parallel_loop3A_881 = arith.constant 48 : index
        %parallel_loop3A_882 = tpu.vector_load %arg9[%parallel_loop3A_880, %parallel_loop3A_881] {strides = array<i32>} : memref<256x64xf32, #tpu.memory_space<vmem>>, vector<1x16xf32>,
        %parallel_loop3A_883 = vector.shape_cast %parallel_loop3A_882 : vector<1x16xf32> to vector<16xf32>
        %parallel_loop3A_884 = vector.extract_strided_slice %parallel_loop3A_147 {offsets = [1], sizes = [1], strides = [1]} : vector<16xf32> to vector<1xf32>
        %parallel_loop3A_885 = vector.extract %parallel_loop3A_884[0] : f32 from vector<1xf32>
        %parallel_loop3A_886 = vector.broadcast %parallel_loop3A_885 : f32 to vector<16xf32>
        %parallel_loop3A_887 = arith.addf %parallel_loop3A_883, %parallel_loop3A_886 : vector<16xf32>
        %parallel_loop3A_888 = arith.constant 2 : i32
        %parallel_loop3A_889 = arith.addi %parallel_loop3A_139, %parallel_loop3A_888 : i32
        %parallel_loop3A_890 = arith.index_cast %parallel_loop3A_889 : i32 to index
        %parallel_loop3A_891 = arith.constant 48 : index
        %parallel_loop3A_892 = tpu.vector_load %arg9[%parallel_loop3A_890, %parallel_loop3A_891] {strides = array<i32>} : memref<256x64xf32, #tpu.memory_space<vmem>>, vector<1x16xf32>,
        %parallel_loop3A_893 = vector.shape_cast %parallel_loop3A_892 : vector<1x16xf32> to vector<16xf32>
        %parallel_loop3A_894 = vector.extract_strided_slice %parallel_loop3A_147 {offsets = [2], sizes = [1], strides = [1]} : vector<16xf32> to vector<1xf32>
        %parallel_loop3A_895 = vector.extract %parallel_loop3A_894[0] : f32 from vector<1xf32>
        %parallel_loop3A_896 = vector.broadcast %parallel_loop3A_895 : f32 to vector<16xf32>
        %parallel_loop3A_897 = arith.addf %parallel_loop3A_893, %parallel_loop3A_896 : vector<16xf32>
        %parallel_loop3A_898 = arith.constant 3 : i32
        %parallel_loop3A_899 = arith.addi %parallel_loop3A_139, %parallel_loop3A_898 : i32
        %parallel_loop3A_900 = arith.index_cast %parallel_loop3A_899 : i32 to index
        %parallel_loop3A_901 = arith.constant 48 : index
        %parallel_loop3A_902 = tpu.vector_load %arg9[%parallel_loop3A_900, %parallel_loop3A_901] {strides = array<i32>} : memref<256x64xf32, #tpu.memory_space<vmem>>, vector<1x16xf32>,
        %parallel_loop3A_903 = vector.shape_cast %parallel_loop3A_902 : vector<1x16xf32> to vector<16xf32>
        %parallel_loop3A_904 = vector.extract_strided_slice %parallel_loop3A_147 {offsets = [3], sizes = [1], strides = [1]} : vector<16xf32> to vector<1xf32>
        %parallel_loop3A_905 = vector.extract %parallel_loop3A_904[0] : f32 from vector<1xf32>
        %parallel_loop3A_906 = vector.broadcast %parallel_loop3A_905 : f32 to vector<16xf32>
        %parallel_loop3A_907 = arith.addf %parallel_loop3A_903, %parallel_loop3A_906 : vector<16xf32>
        %parallel_loop3A_908 = arith.constant 4 : i32
        %parallel_loop3A_909 = arith.addi %parallel_loop3A_139, %parallel_loop3A_908 : i32
        %parallel_loop3A_910 = arith.index_cast %parallel_loop3A_909 : i32 to index
        %parallel_loop3A_911 = arith.constant 48 : index
        %parallel_loop3A_912 = tpu.vector_load %arg9[%parallel_loop3A_910, %parallel_loop3A_911] {strides = array<i32>} : memref<256x64xf32, #tpu.memory_space<vmem>>, vector<1x16xf32>,
        %parallel_loop3A_913 = vector.shape_cast %parallel_loop3A_912 : vector<1x16xf32> to vector<16xf32>
        %parallel_loop3A_914 = vector.extract_strided_slice %parallel_loop3A_147 {offsets = [4], sizes = [1], strides = [1]} : vector<16xf32> to vector<1xf32>
        %parallel_loop3A_915 = vector.extract %parallel_loop3A_914[0] : f32 from vector<1xf32>
        %parallel_loop3A_916 = vector.broadcast %parallel_loop3A_915 : f32 to vector<16xf32>
        %parallel_loop3A_917 = arith.addf %parallel_loop3A_913, %parallel_loop3A_916 : vector<16xf32>
        %parallel_loop3A_918 = arith.constant 5 : i32
        %parallel_loop3A_919 = arith.addi %parallel_loop3A_139, %parallel_loop3A_918 : i32
        %parallel_loop3A_920 = arith.index_cast %parallel_loop3A_919 : i32 to index
        %parallel_loop3A_921 = arith.constant 48 : index
        %parallel_loop3A_922 = tpu.vector_load %arg9[%parallel_loop3A_920, %parallel_loop3A_921] {strides = array<i32>} : memref<256x64xf32, #tpu.memory_space<vmem>>, vector<1x16xf32>,
        %parallel_loop3A_923 = vector.shape_cast %parallel_loop3A_922 : vector<1x16xf32> to vector<16xf32>
        %parallel_loop3A_924 = vector.extract_strided_slice %parallel_loop3A_147 {offsets = [5], sizes = [1], strides = [1]} : vector<16xf32> to vector<1xf32>
        %parallel_loop3A_925 = vector.extract %parallel_loop3A_924[0] : f32 from vector<1xf32>
        %parallel_loop3A_926 = vector.broadcast %parallel_loop3A_925 : f32 to vector<16xf32>
        %parallel_loop3A_927 = arith.addf %parallel_loop3A_923, %parallel_loop3A_926 : vector<16xf32>
        %parallel_loop3A_928 = arith.constant 6 : i32
        %parallel_loop3A_929 = arith.addi %parallel_loop3A_139, %parallel_loop3A_928 : i32
        %parallel_loop3A_930 = arith.index_cast %parallel_loop3A_929 : i32 to index
        %parallel_loop3A_931 = arith.constant 48 : index
        %parallel_loop3A_932 = tpu.vector_load %arg9[%parallel_loop3A_930, %parallel_loop3A_931] {strides = array<i32>} : memref<256x64xf32, #tpu.memory_space<vmem>>, vector<1x16xf32>,
        %parallel_loop3A_933 = vector.shape_cast %parallel_loop3A_932 : vector<1x16xf32> to vector<16xf32>
        %parallel_loop3A_934 = vector.extract_strided_slice %parallel_loop3A_147 {offsets = [6], sizes = [1], strides = [1]} : vector<16xf32> to vector<1xf32>
        %parallel_loop3A_935 = vector.extract %parallel_loop3A_934[0] : f32 from vector<1xf32>
        %parallel_loop3A_936 = vector.broadcast %parallel_loop3A_935 : f32 to vector<16xf32>
        %parallel_loop3A_937 = arith.addf %parallel_loop3A_933, %parallel_loop3A_936 : vector<16xf32>
        %parallel_loop3A_938 = arith.constant 7 : i32
        %parallel_loop3A_939 = arith.addi %parallel_loop3A_139, %parallel_loop3A_938 : i32
        %parallel_loop3A_940 = arith.index_cast %parallel_loop3A_939 : i32 to index
        %parallel_loop3A_941 = arith.constant 48 : index
        %parallel_loop3A_942 = tpu.vector_load %arg9[%parallel_loop3A_940, %parallel_loop3A_941] {strides = array<i32>} : memref<256x64xf32, #tpu.memory_space<vmem>>, vector<1x16xf32>,
        %parallel_loop3A_943 = vector.shape_cast %parallel_loop3A_942 : vector<1x16xf32> to vector<16xf32>
        %parallel_loop3A_944 = vector.extract_strided_slice %parallel_loop3A_147 {offsets = [7], sizes = [1], strides = [1]} : vector<16xf32> to vector<1xf32>
        %parallel_loop3A_945 = vector.extract %parallel_loop3A_944[0] : f32 from vector<1xf32>
        %parallel_loop3A_946 = vector.broadcast %parallel_loop3A_945 : f32 to vector<16xf32>
        %parallel_loop3A_947 = arith.addf %parallel_loop3A_943, %parallel_loop3A_946 : vector<16xf32>
        %parallel_loop3A_948 = arith.constant 8 : i32
        %parallel_loop3A_949 = arith.addi %parallel_loop3A_139, %parallel_loop3A_948 : i32
        %parallel_loop3A_950 = arith.index_cast %parallel_loop3A_949 : i32 to index
        %parallel_loop3A_951 = arith.constant 48 : index
        %parallel_loop3A_952 = tpu.vector_load %arg9[%parallel_loop3A_950, %parallel_loop3A_951] {strides = array<i32>} : memref<256x64xf32, #tpu.memory_space<vmem>>, vector<1x16xf32>,
        %parallel_loop3A_953 = vector.shape_cast %parallel_loop3A_952 : vector<1x16xf32> to vector<16xf32>
        %parallel_loop3A_954 = vector.extract_strided_slice %parallel_loop3A_147 {offsets = [8], sizes = [1], strides = [1]} : vector<16xf32> to vector<1xf32>
        %parallel_loop3A_955 = vector.extract %parallel_loop3A_954[0] : f32 from vector<1xf32>
        %parallel_loop3A_956 = vector.broadcast %parallel_loop3A_955 : f32 to vector<16xf32>
        %parallel_loop3A_957 = arith.addf %parallel_loop3A_953, %parallel_loop3A_956 : vector<16xf32>
        %parallel_loop3A_958 = arith.constant 9 : i32
        %parallel_loop3A_959 = arith.addi %parallel_loop3A_139, %parallel_loop3A_958 : i32
        %parallel_loop3A_960 = arith.index_cast %parallel_loop3A_959 : i32 to index
        %parallel_loop3A_961 = arith.constant 48 : index
        %parallel_loop3A_962 = tpu.vector_load %arg9[%parallel_loop3A_960, %parallel_loop3A_961] {strides = array<i32>} : memref<256x64xf32, #tpu.memory_space<vmem>>, vector<1x16xf32>,
        %parallel_loop3A_963 = vector.shape_cast %parallel_loop3A_962 : vector<1x16xf32> to vector<16xf32>
        %parallel_loop3A_964 = vector.extract_strided_slice %parallel_loop3A_147 {offsets = [9], sizes = [1], strides = [1]} : vector<16xf32> to vector<1xf32>
        %parallel_loop3A_965 = vector.extract %parallel_loop3A_964[0] : f32 from vector<1xf32>
        %parallel_loop3A_966 = vector.broadcast %parallel_loop3A_965 : f32 to vector<16xf32>
        %parallel_loop3A_967 = arith.addf %parallel_loop3A_963, %parallel_loop3A_966 : vector<16xf32>
        %parallel_loop3A_968 = arith.constant 10 : i32
        %parallel_loop3A_969 = arith.addi %parallel_loop3A_139, %parallel_loop3A_968 : i32
        %parallel_loop3A_970 = arith.index_cast %parallel_loop3A_969 : i32 to index
        %parallel_loop3A_971 = arith.constant 48 : index
        %parallel_loop3A_972 = tpu.vector_load %arg9[%parallel_loop3A_970, %parallel_loop3A_971] {strides = array<i32>} : memref<256x64xf32, #tpu.memory_space<vmem>>, vector<1x16xf32>,
        %parallel_loop3A_973 = vector.shape_cast %parallel_loop3A_972 : vector<1x16xf32> to vector<16xf32>
        %parallel_loop3A_974 = vector.extract_strided_slice %parallel_loop3A_147 {offsets = [10], sizes = [1], strides = [1]} : vector<16xf32> to vector<1xf32>
        %parallel_loop3A_975 = vector.extract %parallel_loop3A_974[0] : f32 from vector<1xf32>
        %parallel_loop3A_976 = vector.broadcast %parallel_loop3A_975 : f32 to vector<16xf32>
        %parallel_loop3A_977 = arith.addf %parallel_loop3A_973, %parallel_loop3A_976 : vector<16xf32>
        %parallel_loop3A_978 = arith.constant 11 : i32
        %parallel_loop3A_979 = arith.addi %parallel_loop3A_139, %parallel_loop3A_978 : i32
        %parallel_loop3A_980 = arith.index_cast %parallel_loop3A_979 : i32 to index
        %parallel_loop3A_981 = arith.constant 48 : index
        %parallel_loop3A_982 = tpu.vector_load %arg9[%parallel_loop3A_980, %parallel_loop3A_981] {strides = array<i32>} : memref<256x64xf32, #tpu.memory_space<vmem>>, vector<1x16xf32>,
        %parallel_loop3A_983 = vector.shape_cast %parallel_loop3A_982 : vector<1x16xf32> to vector<16xf32>
        %parallel_loop3A_984 = vector.extract_strided_slice %parallel_loop3A_147 {offsets = [11], sizes = [1], strides = [1]} : vector<16xf32> to vector<1xf32>
        %parallel_loop3A_985 = vector.extract %parallel_loop3A_984[0] : f32 from vector<1xf32>
        %parallel_loop3A_986 = vector.broadcast %parallel_loop3A_985 : f32 to vector<16xf32>
        %parallel_loop3A_987 = arith.addf %parallel_loop3A_983, %parallel_loop3A_986 : vector<16xf32>
        %parallel_loop3A_988 = arith.constant 12 : i32
        %parallel_loop3A_989 = arith.addi %parallel_loop3A_139, %parallel_loop3A_988 : i32
        %parallel_loop3A_990 = arith.index_cast %parallel_loop3A_989 : i32 to index
        %parallel_loop3A_991 = arith.constant 48 : index
        %parallel_loop3A_992 = tpu.vector_load %arg9[%parallel_loop3A_990, %parallel_loop3A_991] {strides = array<i32>} : memref<256x64xf32, #tpu.memory_space<vmem>>, vector<1x16xf32>,
        %parallel_loop3A_993 = vector.shape_cast %parallel_loop3A_992 : vector<1x16xf32> to vector<16xf32>
        %parallel_loop3A_994 = vector.extract_strided_slice %parallel_loop3A_147 {offsets = [12], sizes = [1], strides = [1]} : vector<16xf32> to vector<1xf32>
        %parallel_loop3A_995 = vector.extract %parallel_loop3A_994[0] : f32 from vector<1xf32>
        %parallel_loop3A_996 = vector.broadcast %parallel_loop3A_995 : f32 to vector<16xf32>
        %parallel_loop3A_997 = arith.addf %parallel_loop3A_993, %parallel_loop3A_996 : vector<16xf32>
        %parallel_loop3A_998 = arith.constant 13 : i32
        %parallel_loop3A_999 = arith.addi %parallel_loop3A_139, %parallel_loop3A_998 : i32
        %parallel_loop3A_1000 = arith.index_cast %parallel_loop3A_999 : i32 to index
        %parallel_loop3A_1001 = arith.constant 48 : index
        %parallel_loop3A_1002 = tpu.vector_load %arg9[%parallel_loop3A_1000, %parallel_loop3A_1001] {strides = array<i32>} : memref<256x64xf32, #tpu.memory_space<vmem>>, vector<1x16xf32>,
        %parallel_loop3A_1003 = vector.shape_cast %parallel_loop3A_1002 : vector<1x16xf32> to vector<16xf32>
        %parallel_loop3A_1004 = vector.extract_strided_slice %parallel_loop3A_147 {offsets = [13], sizes = [1], strides = [1]} : vector<16xf32> to vector<1xf32>
        %parallel_loop3A_1005 = vector.extract %parallel_loop3A_1004[0] : f32 from vector<1xf32>
        %parallel_loop3A_1006 = vector.broadcast %parallel_loop3A_1005 : f32 to vector<16xf32>
        %parallel_loop3A_1007 = arith.addf %parallel_loop3A_1003, %parallel_loop3A_1006 : vector<16xf32>
        %parallel_loop3A_1008 = arith.constant 14 : i32
        %parallel_loop3A_1009 = arith.addi %parallel_loop3A_139, %parallel_loop3A_1008 : i32
        %parallel_loop3A_1010 = arith.index_cast %parallel_loop3A_1009 : i32 to index
        %parallel_loop3A_1011 = arith.constant 48 : index
        %parallel_loop3A_1012 = tpu.vector_load %arg9[%parallel_loop3A_1010, %parallel_loop3A_1011] {strides = array<i32>} : memref<256x64xf32, #tpu.memory_space<vmem>>, vector<1x16xf32>,
        %parallel_loop3A_1013 = vector.shape_cast %parallel_loop3A_1012 : vector<1x16xf32> to vector<16xf32>
        %parallel_loop3A_1014 = vector.extract_strided_slice %parallel_loop3A_147 {offsets = [14], sizes = [1], strides = [1]} : vector<16xf32> to vector<1xf32>
        %parallel_loop3A_1015 = vector.extract %parallel_loop3A_1014[0] : f32 from vector<1xf32>
        %parallel_loop3A_1016 = vector.broadcast %parallel_loop3A_1015 : f32 to vector<16xf32>
        %parallel_loop3A_1017 = arith.addf %parallel_loop3A_1013, %parallel_loop3A_1016 : vector<16xf32>
        %parallel_loop3A_1018 = arith.constant 15 : i32
        %parallel_loop3A_1019 = arith.addi %parallel_loop3A_139, %parallel_loop3A_1018 : i32
        %parallel_loop3A_1020 = arith.index_cast %parallel_loop3A_1019 : i32 to index
        %parallel_loop3A_1021 = arith.constant 48 : index
        %parallel_loop3A_1022 = tpu.vector_load %arg9[%parallel_loop3A_1020, %parallel_loop3A_1021] {strides = array<i32>} : memref<256x64xf32, #tpu.memory_space<vmem>>, vector<1x16xf32>,
        %parallel_loop3A_1023 = vector.shape_cast %parallel_loop3A_1022 : vector<1x16xf32> to vector<16xf32>
        %parallel_loop3A_1024 = vector.extract_strided_slice %parallel_loop3A_147 {offsets = [15], sizes = [1], strides = [1]} : vector<16xf32> to vector<1xf32>
        %parallel_loop3A_1025 = vector.extract %parallel_loop3A_1024[0] : f32 from vector<1xf32>
        %parallel_loop3A_1026 = vector.broadcast %parallel_loop3A_1025 : f32 to vector<16xf32>
        %parallel_loop3A_1027 = arith.addf %parallel_loop3A_1023, %parallel_loop3A_1026 : vector<16xf32>
        %parallel_loop3A_1028 = arith.maximumf %parallel_loop3A_877, %parallel_loop3A_887 : vector<16xf32>
        %parallel_loop3A_1029 = arith.maximumf %parallel_loop3A_897, %parallel_loop3A_907 : vector<16xf32>
        %parallel_loop3A_1030 = arith.maximumf %parallel_loop3A_917, %parallel_loop3A_927 : vector<16xf32>
        %parallel_loop3A_1031 = arith.maximumf %parallel_loop3A_937, %parallel_loop3A_947 : vector<16xf32>
        %parallel_loop3A_1032 = arith.maximumf %parallel_loop3A_957, %parallel_loop3A_967 : vector<16xf32>
        %parallel_loop3A_1033 = arith.maximumf %parallel_loop3A_977, %parallel_loop3A_987 : vector<16xf32>
        %parallel_loop3A_1034 = arith.maximumf %parallel_loop3A_997, %parallel_loop3A_1007 : vector<16xf32>
        %parallel_loop3A_1035 = arith.maximumf %parallel_loop3A_1017, %parallel_loop3A_1027 : vector<16xf32>
        %parallel_loop3A_1036 = arith.maximumf %parallel_loop3A_1028, %parallel_loop3A_1029 : vector<16xf32>
        %parallel_loop3A_1037 = arith.maximumf %parallel_loop3A_1030, %parallel_loop3A_1031 : vector<16xf32>
        %parallel_loop3A_1038 = arith.maximumf %parallel_loop3A_1032, %parallel_loop3A_1033 : vector<16xf32>
        %parallel_loop3A_1039 = arith.maximumf %parallel_loop3A_1034, %parallel_loop3A_1035 : vector<16xf32>
        %parallel_loop3A_1040 = arith.maximumf %parallel_loop3A_1036, %parallel_loop3A_1037 : vector<16xf32>
        %parallel_loop3A_1041 = arith.maximumf %parallel_loop3A_1038, %parallel_loop3A_1039 : vector<16xf32>
        %parallel_loop3A_1042 = arith.maximumf %parallel_loop3A_1040, %parallel_loop3A_1041 : vector<16xf32>
        %parallel_loop3A_1043 = arith.subf %parallel_loop3A_877, %parallel_loop3A_1042 : vector<16xf32>
        %parallel_loop3A_1044 = math.exp %parallel_loop3A_1043 : vector<16xf32>
        %parallel_loop3A_1045 = arith.subf %parallel_loop3A_887, %parallel_loop3A_1042 : vector<16xf32>
        %parallel_loop3A_1046 = math.exp %parallel_loop3A_1045 : vector<16xf32>
        %parallel_loop3A_1047 = arith.subf %parallel_loop3A_897, %parallel_loop3A_1042 : vector<16xf32>
        %parallel_loop3A_1048 = math.exp %parallel_loop3A_1047 : vector<16xf32>
        %parallel_loop3A_1049 = arith.subf %parallel_loop3A_907, %parallel_loop3A_1042 : vector<16xf32>
        %parallel_loop3A_1050 = math.exp %parallel_loop3A_1049 : vector<16xf32>
        %parallel_loop3A_1051 = arith.subf %parallel_loop3A_917, %parallel_loop3A_1042 : vector<16xf32>
        %parallel_loop3A_1052 = math.exp %parallel_loop3A_1051 : vector<16xf32>
        %parallel_loop3A_1053 = arith.subf %parallel_loop3A_927, %parallel_loop3A_1042 : vector<16xf32>
        %parallel_loop3A_1054 = math.exp %parallel_loop3A_1053 : vector<16xf32>
        %parallel_loop3A_1055 = arith.subf %parallel_loop3A_937, %parallel_loop3A_1042 : vector<16xf32>
        %parallel_loop3A_1056 = math.exp %parallel_loop3A_1055 : vector<16xf32>
        %parallel_loop3A_1057 = arith.subf %parallel_loop3A_947, %parallel_loop3A_1042 : vector<16xf32>
        %parallel_loop3A_1058 = math.exp %parallel_loop3A_1057 : vector<16xf32>
        %parallel_loop3A_1059 = arith.subf %parallel_loop3A_957, %parallel_loop3A_1042 : vector<16xf32>
        %parallel_loop3A_1060 = math.exp %parallel_loop3A_1059 : vector<16xf32>
        %parallel_loop3A_1061 = arith.subf %parallel_loop3A_967, %parallel_loop3A_1042 : vector<16xf32>
        %parallel_loop3A_1062 = math.exp %parallel_loop3A_1061 : vector<16xf32>
        %parallel_loop3A_1063 = arith.subf %parallel_loop3A_977, %parallel_loop3A_1042 : vector<16xf32>
        %parallel_loop3A_1064 = math.exp %parallel_loop3A_1063 : vector<16xf32>
        %parallel_loop3A_1065 = arith.subf %parallel_loop3A_987, %parallel_loop3A_1042 : vector<16xf32>
        %parallel_loop3A_1066 = math.exp %parallel_loop3A_1065 : vector<16xf32>
        %parallel_loop3A_1067 = arith.subf %parallel_loop3A_997, %parallel_loop3A_1042 : vector<16xf32>
        %parallel_loop3A_1068 = math.exp %parallel_loop3A_1067 : vector<16xf32>
        %parallel_loop3A_1069 = arith.subf %parallel_loop3A_1007, %parallel_loop3A_1042 : vector<16xf32>
        %parallel_loop3A_1070 = math.exp %parallel_loop3A_1069 : vector<16xf32>
        %parallel_loop3A_1071 = arith.subf %parallel_loop3A_1017, %parallel_loop3A_1042 : vector<16xf32>
        %parallel_loop3A_1072 = math.exp %parallel_loop3A_1071 : vector<16xf32>
        %parallel_loop3A_1073 = arith.subf %parallel_loop3A_1027, %parallel_loop3A_1042 : vector<16xf32>
        %parallel_loop3A_1074 = math.exp %parallel_loop3A_1073 : vector<16xf32>
        %parallel_loop3A_1075 = arith.addf %parallel_loop3A_1044, %parallel_loop3A_1046 : vector<16xf32>
        %parallel_loop3A_1076 = arith.addf %parallel_loop3A_1048, %parallel_loop3A_1050 : vector<16xf32>
        %parallel_loop3A_1077 = arith.addf %parallel_loop3A_1052, %parallel_loop3A_1054 : vector<16xf32>
        %parallel_loop3A_1078 = arith.addf %parallel_loop3A_1056, %parallel_loop3A_1058 : vector<16xf32>
        %parallel_loop3A_1079 = arith.addf %parallel_loop3A_1060, %parallel_loop3A_1062 : vector<16xf32>
        %parallel_loop3A_1080 = arith.addf %parallel_loop3A_1064, %parallel_loop3A_1066 : vector<16xf32>
        %parallel_loop3A_1081 = arith.addf %parallel_loop3A_1068, %parallel_loop3A_1070 : vector<16xf32>
        %parallel_loop3A_1082 = arith.addf %parallel_loop3A_1072, %parallel_loop3A_1074 : vector<16xf32>
        %parallel_loop3A_1083 = arith.addf %parallel_loop3A_1075, %parallel_loop3A_1076 : vector<16xf32>
        %parallel_loop3A_1084 = arith.addf %parallel_loop3A_1077, %parallel_loop3A_1078 : vector<16xf32>
        %parallel_loop3A_1085 = arith.addf %parallel_loop3A_1079, %parallel_loop3A_1080 : vector<16xf32>
        %parallel_loop3A_1086 = arith.addf %parallel_loop3A_1081, %parallel_loop3A_1082 : vector<16xf32>
        %parallel_loop3A_1087 = arith.addf %parallel_loop3A_1083, %parallel_loop3A_1084 : vector<16xf32>
        %parallel_loop3A_1088 = arith.addf %parallel_loop3A_1085, %parallel_loop3A_1086 : vector<16xf32>
        %parallel_loop3A_1089 = arith.addf %parallel_loop3A_1087, %parallel_loop3A_1088 : vector<16xf32>
        %parallel_loop3A_1090 = arith.constant 128 : i32
        %parallel_loop3A_1091 = arith.muli %parallel_loop3A_137, %parallel_loop3A_1090 : i32
        %parallel_loop3A_1092 = arith.constant 48 : i32
        %parallel_loop3A_1093 = arith.addi %parallel_loop3A_1091, %parallel_loop3A_1092 : i32
        %parallel_loop3A_1094 = arith.index_cast %parallel_loop3A_1093 : i32 to index
        %parallel_loop3A_1095 = tpu.vector_load %arg11[%parallel_loop3A_1094] {strides = array<i32>} : memref<2048xf32, #tpu.memory_space<vmem>>, vector<16xf32>,
        %parallel_loop3A_1096 = vector.shape_cast %parallel_loop3A_1095 : vector<16xf32> to vector<16xf32>
        %parallel_loop3A_1097 = vector.shape_cast %parallel_loop3A_1042 : vector<16xf32> to vector<16xf32>
        tpu.vector_store %arg11[%parallel_loop3A_1094], %parallel_loop3A_1097 {strides = array<i32>} : memref<2048xf32, #tpu.memory_space<vmem>>, vector<16xf32>,
        %parallel_loop3A_1098 = arith.constant 128 : i32
        %parallel_loop3A_1099 = arith.muli %parallel_loop3A_137, %parallel_loop3A_1098 : i32
        %parallel_loop3A_1100 = arith.constant 64 : i32
        %parallel_loop3A_1101 = arith.addi %parallel_loop3A_1099, %parallel_loop3A_1100 : i32
        %parallel_loop3A_1102 = arith.constant 48 : i32
        %parallel_loop3A_1103 = arith.addi %parallel_loop3A_1101, %parallel_loop3A_1102 : i32
        %parallel_loop3A_1104 = arith.index_cast %parallel_loop3A_1103 : i32 to index
        %parallel_loop3A_1105 = tpu.vector_load %arg11[%parallel_loop3A_1104] {strides = array<i32>} : memref<2048xf32, #tpu.memory_space<vmem>>, vector<16xf32>,
        %parallel_loop3A_1106 = vector.shape_cast %parallel_loop3A_1105 : vector<16xf32> to vector<16xf32>
        %parallel_loop3A_1107 = vector.shape_cast %parallel_loop3A_1089 : vector<16xf32> to vector<16xf32>
        tpu.vector_store %arg11[%parallel_loop3A_1104], %parallel_loop3A_1107 {strides = array<i32>} : memref<2048xf32, #tpu.memory_space<vmem>>, vector<16xf32>,
      } {sc.loop_unroll_factor = 1 : i64, sc.parallel_access}
      %add3A_128 = arith.constant 1 : i32
      %add3A_129 = arith.addi %mul3A_44, %add3A_128 : i32
      %mul3A_130 = arith.constant 16 : i32
      %mul3A_131 = arith.muli %add3A_129, %mul3A_130 : i32
      %add3A_132 = arith.addi %mul3A_6, %mul3A_131 : i32
      %mul3A_133 = arith.constant 128 : i32
      %mul3A_134 = arith.muli %add3A_132, %mul3A_133 : i32
      %dma_start3A_135 = tpu.memref_slice %arg5[%mul3A_134] : memref<2097152xf32, #tpu.memory_space<hbm>> -> memref<2048xf32, #tpu.memory_space<hbm>>
      %dma_start3A_136 = tpu.memref_slice %arg5[%mul3A_134] : memref<2097152xf32, #tpu.memory_space<hbm>> -> memref<2048xf32, #tpu.memory_space<hbm>>
      tpu.enqueue_dma source(%arg11 : memref<2048xf32, #tpu.memory_space<vmem>>) target(%dma_start3A_136 : memref<2048xf32, #tpu.memory_space<hbm>>) target_semaphore(%arg15 : memref<!tpu.dma_semaphore, #tpu.memory_space<semaphore_mem>>)
    }
    %scan3A_33 = arith.constant 16 : i32
    %dma_wait3A_34 = arith.constant 0 : i32
    %dma_wait3A_35 = tpu.memref_slice %arg5[%dma_wait3A_34] : memref<2097152xf32, #tpu.memory_space<hbm>> -> memref<2048xf32, #tpu.memory_space<hbm>>
    %dma_wait3A_36 = arith.constant 0 : i32
    %dma_wait3A_37 = tpu.memref_slice %arg5[%dma_wait3A_36] : memref<2097152xf32, #tpu.memory_space<hbm>> -> memref<2048xf32, #tpu.memory_space<hbm>>
    tpu.wait_dma2 semaphore(%arg14 : memref<!tpu.dma_semaphore, #tpu.memory_space<semaphore_mem>>) src(%arg10 : memref<2048xf32, #tpu.memory_space<vmem>>) dst(%dma_wait3A_37 : memref<2048xf32, #tpu.memory_space<hbm>>)
    %dma_wait3A_38 = arith.constant 0 : i32
    %dma_wait3A_39 = tpu.memref_slice %arg5[%dma_wait3A_38] : memref<2097152xf32, #tpu.memory_space<hbm>> -> memref<2048xf32, #tpu.memory_space<hbm>>
    %dma_wait3A_40 = arith.constant 0 : i32
    %dma_wait3A_41 = tpu.memref_slice %arg5[%dma_wait3A_40] : memref<2097152xf32, #tpu.memory_space<hbm>> -> memref<2048xf32, #tpu.memory_space<hbm>>
    tpu.wait_dma2 semaphore(%arg15 : memref<!tpu.dma_semaphore, #tpu.memory_space<semaphore_mem>>) src(%arg11 : memref<2048xf32, #tpu.memory_space<vmem>>) dst(%dma_wait3A_41 : memref<2048xf32, #tpu.memory_space<hbm>>)
    return
  }
}

module attributes {stable_mosaic.version = 14 : i64} {
  func.func @_finish_body(%arg0: i32, %arg1: memref<1048576xf32, #tpu.memory_space<vmem>>, %arg2: memref<64x8192xf32, #tpu.memory_space<vmem>>) attributes {dimension_semantics = [#tpu.dimension_semantics<arbitrary>], iteration_bounds = array<i64: 2>, scalar_prefetch = 0 : i64, scratch_operands = 0 : i64, tpu.core_type = #tpu.core_type<tc>, window_params = [{transform_indices = @transform_0, window_bounds = array<i64: 1048576>}, {transform_indices = @transform_1, window_bounds = array<i64: 64, 8192>}]} {
    %get3A = arith.constant 0 : index
    %get3A_0 = vector.load %arg1[%get3A] : memref<1048576xf32, #tpu.memory_space<vmem>>, vector<1048576xf32>
    %reshape3A = vector.shape_cast %get3A_0 : vector<1048576xf32> to vector<8192x128xf32>
    %slice3A = vector.extract_strided_slice %reshape3A {offsets = [0, 0], sizes = [8192, 64], strides = [1, 1]} : vector<8192x128xf32> to vector<8192x64xf32>
    %slice3A_1 = vector.extract_strided_slice %reshape3A {offsets = [0, 64], sizes = [8192, 64], strides = [1, 1]} : vector<8192x128xf32> to vector<8192x64xf32>
    %log3A = math.log %slice3A_1 : vector<8192x64xf32>
    %add3A = arith.addf %slice3A, %log3A : vector<8192x64xf32>
    %transpose3A = tpu.transpose %add3A, [1, 0] : vector<8192x64xf32> -> vector<64x8192xf32>
    %swap3A = arith.constant 0 : index
    %swap3A_2 = arith.constant 0 : index
    %swap3A_3 = vector.load %arg2[%swap3A, %swap3A_2] : memref<64x8192xf32, #tpu.memory_space<vmem>>, vector<64x8192xf32>
    tpu.vector_store %arg2[%swap3A, %swap3A_2], %transpose3A {strides = array<i32>} : memref<64x8192xf32, #tpu.memory_space<vmem>>, vector<64x8192xf32>,
    return
  }
  func.func @transform_0(%arg0: i32) -> i32 {
    %c0_i32 = arith.constant 0 : i32
    return %arg0 : i32
  }
  func.func @transform_1(%arg0: i32) -> (i32, i32) {
    %c0_i32 = arith.constant 0 : i32
    %c0_i32_0 = arith.constant 0 : i32
    return %c0_i32, %arg0 : i32, i32
  }
}

module attributes {stable_mosaic.version = 14 : i64} {
  func.func @_xpose_body(%arg0: i32, %arg1: memref<64x2048xf32, #tpu.memory_space<vmem>>, %arg2: memref<131072xf32, #tpu.memory_space<vmem>>) attributes {dimension_semantics = [#tpu.dimension_semantics<arbitrary>], iteration_bounds = array<i64: 8>, scalar_prefetch = 0 : i64, scratch_operands = 0 : i64, tpu.core_type = #tpu.core_type<tc>, window_params = [{transform_indices = @transform_0, window_bounds = array<i64: 64, 2048>}, {transform_indices = @transform_1, window_bounds = array<i64: 131072>}]} {
    %get3A = arith.constant 0 : index
    %get3A_0 = arith.constant 0 : index
    %get3A_1 = vector.load %arg1[%get3A, %get3A_0] : memref<64x2048xf32, #tpu.memory_space<vmem>>, vector<64x2048xf32>
    %transpose3A = tpu.transpose %get3A_1, [1, 0] : vector<64x2048xf32> -> vector<2048x64xf32>
    %reshape3A = vector.shape_cast %transpose3A : vector<2048x64xf32> to vector<1024x2x64xf32>
    %slice3A = vector.extract_strided_slice %reshape3A {offsets = [0, 0, 0], sizes = [1024, 1, 64], strides = [1, 1, 1]} : vector<1024x2x64xf32> to vector<1024x1x64xf32>
    %squeeze3A = vector.shape_cast %slice3A : vector<1024x1x64xf32> to vector<1024x64xf32>
    %slice3A_2 = vector.extract_strided_slice %reshape3A {offsets = [0, 1, 0], sizes = [1024, 1, 64], strides = [1, 1, 1]} : vector<1024x2x64xf32> to vector<1024x1x64xf32>
    %squeeze3A_3 = vector.shape_cast %slice3A_2 : vector<1024x1x64xf32> to vector<1024x64xf32>
    %concatenate3A = tpu.concatenate %squeeze3A, %squeeze3A_3 in 1 : vector<1024x64xf32>, vector<1024x64xf32> -> vector<1024x128xf32>
    %reshape3A_4 = vector.shape_cast %concatenate3A : vector<1024x128xf32> to vector<131072xf32>
    %swap3A = arith.constant 0 : index
    %swap3A_5 = vector.load %arg2[%swap3A] : memref<131072xf32, #tpu.memory_space<vmem>>, vector<131072xf32>
    tpu.vector_store %arg2[%swap3A], %reshape3A_4 {strides = array<i32>} : memref<131072xf32, #tpu.memory_space<vmem>>, vector<131072xf32>,
    return
  }
  func.func @transform_0(%arg0: i32) -> (i32, i32) {
    %c0_i32 = arith.constant 0 : i32
    %c0_i32_0 = arith.constant 0 : i32
    return %c0_i32, %arg0 : i32, i32
  }
  func.func @transform_1(%arg0: i32) -> i32 {
    %c0_i32 = arith.constant 0 : i32
    return %arg0 : i32
  }
}

</mosaic_0001>

<sc_bundles>
// kernel: kernel.5.cloned.1.call-start
scs
__scs_entry_jumppad:
0x0: {  	(pc) =	sbr.rel $0x88, $3  }
0x1: {  	(tag) =	ssettag $0x0;
	lr =	simm.s32 $0x1  }
0x2: {  	[smem:$0x3F9E] =	sst lr;
	_ =	strace $0xD0000000  }
0x3: {  	_ = 	snop  }
0x4: {  	_ = 	snop  }
0x5: {  	_ = 	snop  }
0x6: {  	_ = 	snop  }
0x7: {  	_ = 	snop  }
__scs_overlays_trampoline_lowered:
0x8: {  	[smem:$0x3FAD] =	sst s0  }
0x9: {  	[smem:$0x3FAE] =	sst s1  }
0xa: {  	[smem:$0x3FAF] =	sst s2  }
0xb: {  	[smem:$0x3FB0] =	sst s3  }
0xc: {  	[smem:$0x3FB1] =	sst s4  }
0xd: {  	[smem:$0x3FB2] =	sst s5  }
0xe: {  	[smem:$0x3FB3] =	sst s6  }
0xf: {  	[smem:$0x3FB4] =	sst s7  }
0x10: {  	[smem:$0x3FB5] =	sst s8  }
0x11: {  	[smem:$0x3FB6] =	sst s9;
	s0 =	simm.s32 @!p0 $0x0  }
0x12: {  	s1 =	sld [smem:$0x3F9C];
	s0 =	simm.s32 @p0 $0x1  }
0x13: {  	[smem:$0x3FB7] =	sst s0;
	s0 =	simm.s32 @!p1 $0x0  }
0x14: {  	s2 =	sld [smem:$0x3F9B];
	s0 =	simm.s32 @p1 $0x1  }
0x15: {  	[smem:$0x3FB8] =	sst s0;
	s0 =	simm.s32 @!p2 $0x0  }
0x16: {  	s3 =	sld [smem:$0x3FDB];
	s0 =	simm.s32 @p2 $0x1  }
0x17: {  	s4 =	simm.s32 $0x1BF5;
	[smem:$0x3FBA] =	sst s0  }
0x18: {  	s0 =	sld [smem:$0x3F9D];
	_ =	swait.ge [sflag:s4], $0x0  }
0x19: {  	s7 =	sld [smem:$0x3F9E]  }
0x1a: {  	s8 =	sadd.s32 $0xFFFFE003, lr  }
0x1b: {  	s9 =	sadd.s32 $0xFFFFFEF7, lr;
	s5 =	simm.s32 $0xFFFFFFFF;
	p2 =	slt.u32 s8, $0xFFFFF086  }
0x1c: {  	p1 =	slt.u32 s9, $0xF7A;
	s5 =	simm.s32 @!p2 $0x0  }
0x1d: {  	s5 =	simm.s32 @p1 $0x1;
	p0 =	seq.s32 s7, s2  }
0x1e: {  	s7 =	smul.u32 @!p0 $0xF7A, s2;
	p2 =	seq.s32 @!p0 s5, $0x0  }
0x1f: {  	s9 =	smul.u32 $0xF7A, s1;
	s8 =	simm.s32 @!p0 $0x1BF5;
	p2 =	por !p2, p0  }
0x20: {  	[sflag:s8] =	ssyncset.s32 @!p0 $0xFFFFF086;
	s6 =	sadd.s32 @!p0 s3, s7;
	s7 =	simm.s32 @!p0 $0x108  }
0x21: {  	s3 =	sadd.s32 s3, s9;
	s6 =	sadd.s32 @!p0 $0x88, s6;
	s7 =	simm.s32 @p2 $0x1082  }
0x22: {  	[simem:s7], [sflag:s8] =	dma.local @!p0 [hbm:s6], $0xF7A  }
0x23: {  	s9 =	sor.u32 $0xD0000000, s2;
	s6 =	simm.s32 $0x108;
	_ =	swait.ge @!p0 [sflag:s8], $0x0  }
0x24: {  	s3 =	sadd.s32 $0x88, s3;
	s6 =	simm.s32 @!p1 $0x1082;
	[sflag:s4] =	ssyncset.s32 $0xFFFFF086  }
0x25: {  	[simem:s6], [sflag:s4] =	dma.local [hbm:s3], $0xF7A  }
0x26: {  	[smem:$0x3F9E] =	sst s1;
	(tag) =	ssettag s2;
	_ =	strace s9  }
0x27: {  	s1 =	sld [smem:$0x3FAE]  }
0x28: {  	s2 =	sld [smem:$0x3FAF]  }
0x29: {  	s4 =	sld [smem:$0x3FB1]  }
0x2a: {  	p0 =	seq.s32 s5, $0x0;
	s5 =	sld [smem:$0x3FB2]  }
0x2b: {  	s6 =	sld [smem:$0x3FB3]  }
0x2c: {  	s7 =	sld [smem:$0x3FB4]  }
0x2d: {  	s3 =	simm.s32 $0x108;
	s8 =	sld [smem:$0x3FB5]  }
0x2e: {  	s3 =	simm.s32 @!p0 $0x1082;
	s9 =	sld [smem:$0x3FB6]  }
0x2f: {  	lr =	sadd.s32 s0, s3;
	s0 =	sld [smem:$0x3FAD]  }
0x30: {  	s3 =	sld [smem:$0x3FB0]  }
0x31: {  	[smem:$0x3FB9] =	sst s10  }
0x32: {  	s10 =	sld [smem:$0x3FB7];
	_ =	sdelay $0x3  }
0x33: {  	p0 =	seq.s32 s10, $0x1;
	s10 =	sld [smem:$0x3FB9];
	_ =	sdelay $0x3  }
0x34: {  	[smem:$0x3FB9] =	sst s10  }
0x35: {  	s10 =	sld [smem:$0x3FB8];
	_ =	sdelay $0x3  }
0x36: {  	p1 =	seq.s32 s10, $0x1;
	s10 =	sld [smem:$0x3FB9];
	_ =	sdelay $0x3  }
0x37: {  	[smem:$0x3FB9] =	sst s10  }
0x38: {  	s10 =	sld [smem:$0x3FBA]  }
0x39: {  	_ = 	snop;
	(pc) =	sbr.ind lr, $3  }
0x3a: {  	_ = 	snop  }
0x3b: {  	_ = 	snop  }
0x3c: {  	p2 =	seq.s32 s10, $0x1;
	s10 =	sld [smem:$0x3FB9]  }
0x3d: {  	_ =	shalt  }
0x3e: {  	_ =	shalt  }
0x3f: {  	_ =	shalt  }
0x40: {  	_ =	shalt  }
0x41: {  	_ =	shalt  }
0x42: {  	_ =	shalt  }
0x43: {  	_ =	shalt  }
0x44: {  	_ =	shalt  }
0x45: {  	_ =	shalt  }
0x46: {  	_ =	shalt  }
0x47: {  	_ =	shalt  }
0x48: {  	_ =	shalt  }
0x49: {  	_ =	shalt  }
0x4a: {  	_ =	shalt  }
0x4b: {  	_ =	shalt  }
0x4c: {  	_ =	shalt  }
0x4d: {  	_ =	shalt  }
0x4e: {  	_ =	shalt  }
0x4f: {  	_ =	shalt  }
0x50: {  	_ =	shalt  }
0x51: {  	_ =	shalt  }
0x52: {  	_ =	shalt  }
0x53: {  	_ =	shalt  }
0x54: {  	_ =	shalt  }
0x55: {  	_ =	shalt  }
0x56: {  	_ =	shalt  }
0x57: {  	_ =	shalt  }
0x58: {  	_ =	shalt  }
0x59: {  	_ =	shalt  }
0x5a: {  	_ =	shalt  }
0x5b: {  	_ =	shalt  }
0x5c: {  	_ =	shalt  }
0x5d: {  	_ =	shalt  }
0x5e: {  	_ =	shalt  }
0x5f: {  	_ =	shalt  }
0x60: {  	_ =	shalt  }
0x61: {  	_ =	shalt  }
0x62: {  	_ =	shalt  }
0x63: {  	_ =	shalt  }
0x64: {  	_ =	shalt  }
0x65: {  	_ =	shalt  }
0x66: {  	_ =	shalt  }
0x67: {  	_ =	shalt  }
0x68: {  	_ =	shalt  }
0x69: {  	_ =	shalt  }
0x6a: {  	_ =	shalt  }
0x6b: {  	_ =	shalt  }
0x6c: {  	_ =	shalt  }
0x6d: {  	_ =	shalt  }
0x6e: {  	_ =	shalt  }
0x6f: {  	_ =	shalt  }
0x70: {  	_ =	shalt  }
0x71: {  	_ =	shalt  }
0x72: {  	_ =	shalt  }
0x73: {  	_ =	shalt  }
0x74: {  	_ =	shalt  }
0x75: {  	_ =	shalt  }
0x76: {  	_ =	shalt  }
0x77: {  	_ =	shalt  }
0x78: {  	_ =	shalt  }
0x79: {  	_ =	shalt  }
0x7a: {  	_ =	shalt  }
0x7b: {  	_ =	shalt  }
0x7c: {  	_ =	shalt  }
0x7d: {  	_ =	shalt  }
0x7e: {  	_ =	shalt  }
0x7f: {  	_ =	shalt  }
0x80: {  	_ =	shalt  }
0x81: {  	_ =	shalt  }
0x82: {  	_ =	shalt  }
0x83: {  	_ =	shalt  }
0x84: {  	_ =	shalt  }
0x85: {  	_ =	shalt  }
0x86: {  	_ =	shalt  }
0x87: {  	_ =	shalt  }
.Lfunc_end0:
.L_simem_size_0:
called_computation_lowered:
.L_overlay_start_0:
0x88: {  	s2 =	sld [smem:$0x3FD9]  }
0x89: {  	s3 =	sld [smem:$0x3FFE];
	_ =	sdelay $0x1  }
0x8a: {  	s1 =	srdreg.scid  }
0x8b: {  	s0 =	sand.u32 $0x1, s1  }
0x8c: {  	s17 =	sshll.u32 s0, $0xA;
	s2 =	sadd.s32 s3, s2  }
0x8d: {  	s2 =	sadd.s32 s2, s17  }
0x8e: {  	[smem:$0x3FC5] =	sst s2  }
0x8f: {  	_ = 	snop  }
0x90: {  	s2 =	sld [smem:$0x3FC8]  }
0x91: {  	s18 =	sld [smem:$0x3FC7]  }
0x92: {  	s4 =	sld [smem:$0x3FD0];
	(tm) =	ssettm $0x1  }
0x93: {  	s5 =	sld [smem:$0x3FFB];
	_ =	sdelay $0x3  }
0x94: {  	_ =	strace s5  }
0x95: {  	s5 =	sld [smem:$0x3FFC];
	_ =	sdelay $0x3  }
0x96: {  	_ =	strace s5  }
0x97: {  	s5 =	sld [smem:$0x3FFD];
	_ =	sdelay $0x3  }
0x98: {  	_ =	strace s5  }
0x99: {  	_ =	strace $0x8FFFFFFF  }
0x9a: {  	s19 =	sld [smem:$0x3FDB];
	_ =	sdelay $0x1  }
0x9b: {  	s6 =	simm.s32 $_scs_section_size  }
0x9c: {  	s7 =	simm.s32 $_size__tile_overlayer_lowered;
	s8 =	simm.s32 $_tile_overlayer_lowered  }
0x9d: {  	s22 =	simm.s32 $0x1BFF;
	s21 =	sshll.u32 s8, $0x1;
	s5 =	sadd.s32 s6, s19  }
0x9e: {  	s9 =	simm.s32 $0x0;
	s20 =	sshll.u32 s7, $0x1;
	s7 =	sadd.s32 s21, s5  }
0x9f: {  	[timem:s9], [sflag:s22] =	dma.local [hbm:s7], s20  }
0xa0: {  	_ =	swait.ge [sflag:s22], s20  }
0xa1: {  	s6 =	ssub.s32 $0x0, s20;
	[sflag:s22] =	ssyncset.done $0x0  }
0xa2: {  	[sflag:s22] =	ssyncadd.s32 s6;
	_ =	sdelay $0x1  }
0xa3: {  	s23 =	simm.s32 $0x1B8B  }
0xa4: {  	_ =	swait.ge [sflag:s23], $0x1  }
0xa5: {  	[sflag:s23] =	ssyncset.done $0x0  }
0xa6: {  	s25 =	simm.s32 $0x1B8E;
	s24 =	sld [smem:$0x3FFE];
	[sflag:s23] =	ssyncadd.s32 $0xFFFFFFFF  }
0xa7: {  	s26 =	simm.s32 $execute0_lowered;
	[smem:$0x3FD2] =	sst s25  }
0xa8: {  	s7 =	sshll.u32 s26, $0x1;
	_ =	strace $0x80000046;
	[dreg:$0x1] =	wrdreg $0xFFFFFFFF  }
0xa9: {  	s28 =	simm.s32 $_size_execute0_lowered;
	s5 =	sadd.s32 s5, s7;
	[dreg:$0x0] =	wrdreg $0x0  }
0xaa: {  	s7 =	sshll.u32 s28, $0x1;
	[dreg:$0x2] =	wrdreg s5  }
0xab: {  	[dreg:$0x3] =	wrdreg s7  }
0xac: {  	[dreg:$0x4] =	wrdreg $0xC0  }
0xad: {  	_ =	task [dreg:s9], $0x5FFFF  }
0xae: {  	[dreg:$0x1] =	wrdreg $0xFFFFFFFF  }
0xaf: {  	[dreg:$0x0] =	wrdreg $0x60  }
0xb0: {  	[dreg:$0x2] =	wrdreg s4  }
0xb1: {  	[dreg:$0x3] =	wrdreg s2  }
0xb2: {  	[dreg:$0x4] =	wrdreg s18  }
0xb3: {  	[dreg:$0x5] =	wrdreg s24  }
0xb4: {  	[dreg:$0x6] =	wrdreg $0x9  }
0xb5: {  	_ =	task.clear_ibuf [dreg:s9], $0x7FFFF;
	_ =	strace $0x90000046  }
0xb6: {  	s29 =	simm.s32 $0x9;
	_ =	strace $0x80000048  }
0xb7: {  	_ =	swait.ge [sflag:s29], $0x1  }
0xb8: {  	[sflag:s29] =	ssyncadd.s32 $0xFFFFFFFF  }
0xb9: {  	_ =	strace $0x90000048  }
0xba: {  	_ =	sfence  }
0xbb: {  	s30 =	sld [smem:$0x0];
	_ =	sdelay $0x2  }
0xbc: {  	s31 =	sshll.u32 s1, $0xD;
	s1 =	sshrl.u32 s1, $0x2  }
0xbd: {  	s3 =	sand.u32 $0x4000, s31;
	s1 =	sadd.s32 s1, s30  }
0xbe: {  	s0 =	sor.u32 s3, s0;
	s1 =	sshll.u32 s1, $0x11  }
0xbf: {  	s0 =	sor.u32 s1, s0  }
0xc0: {  	s0 =	sadd.s32 $0x8F2B, s0  }
0xc1: {  	[sflag:s0] =	ssyncadd.remote.s32 $0x1  }
0xc2: {  	_ =	sfence.sel $0xFFFF  }
0xc3: {  	[dreg:$0x0] =	wrdreg $0xFFFFFFFF;
	(pc) =	sbr.abs _section_cstart, $3  }
0xc4: {  	[dreg:$0x1] =	wrdreg $0xFFFFFFFF  }
0xc5: {  	_ =	task.clear_ibuf [dreg:s9], $0x2FFFF;
	_ =	strace $0x9FFFFFFF  }
0xc6: {  	(tm) =	ssettm $0x7FFFFFFF  }
0xc7: {  	_ =	shalt  }
tec
execute0_lowered:
.L_overlay_start_1:
0x0: {  	(tag) =	ssettag $0x1  }
0x1: {  	s1 =	rddreg [dreg:$0x0]  }
0x2: {  	s5 =	rddreg [dreg:$0x1]  }
0x3: {  	s4 =	rddreg [dreg:$0x2]  }
0x4: {  	s6 =	rddreg [dreg:$0x3]  }
0x5: {  	s0 =	rddreg [dreg:$0x4]  }
0x6: {  	s3 =	simm.s32 $0x0;
	s7 =	srdreg.scid;
	s2 =	stileid.u32  }
0x7: {  	s11 =	simm.s32 $0x6000;
	s12 =	simm.s32 $0x8000;
	s13 =	simm.s32 $0xA000  }
0x8: {  	s14 =	simm.s32 $0xC000;
	s15 =	simm.s32 $0x2;
	s16 =	simm.s32 $0xC800  }
0x9: {  	s17 =	simm.s32 $0x3;
	s18 =	simm.s32 $0x4;
	s19 =	simm.s32 $0x0  }
0xa: {  	[smem:$0x7FF] =	sst s3;
	s7 =	sand.u32 $0x1, s7;
	s8 =	sshll.u32 s2, $0x1  }
0xb: {  	_ =	strace $0x80000047;
	s8 =	sor.u32 s7, s8;
	s7 =	ssub.s32 $0x2, s7  }
0xc: {  	s9 =	sshll.u32 s8, $0xD;
	s10 =	sshrl.u32 s7, $0x1;
	s8 =	sshll.u32 s8, $0xA  }
0xd: {  	s6 =	sadd.s32 s9, s6;
	s7 =	ssub.s32 s7, s10;
	s4 =	sadd.s32 s4, s8  }
0xe: {  	s5 =	sadd.s32 s5, s8;
	s8 =	simm.s32 $0x1;
	s9 =	simm.s32 $0x80  }
0xf: {  	s10 =	simm.s32 $0x4000;
	s6 =	sadd.s32 $0xA00, s6;
	s7 =	smax.u32 s7, $0x1  }
.LBB2_1:
0x10: {  	[tilespmem:s3], [sflag:$0x1] =	stream.linear.gather [hbm4b:s4+s3], $0x2000, $0x38;
	[tilespmem:$0xD000] =	vst v63  }
0x11: {  	s20 =	simm.s32 $0x2000  }
0x12: {  	[tilespmem:s20], [sflag:$0x1] =	stream.linear.gather [hbm4b:s5+s3], $0x2000, $0x38;
	[tilespmem:$0xD000] =	vst v63  }
0x13: {  	_ =	swait.ge [sflag:s8], $0x2000  }
0x14: {  	[sflag:s8] =	ssyncset.done $0x0  }
0x15: {  	[sflag:s8] =	ssyncadd.s32 $0xFFFFE000  }
0x16: {  	_ =	swait.ge [sflag:s8], $0x2000  }
0x17: {  	[sflag:s8] =	ssyncset.done $0x0  }
0x18: {  	[sflag:s8] =	ssyncadd.s32 $0xFFFFE000  }
0x19: {  	[tilespmem:s10], [sflag:$0x1] =	stream.indirect.gather [hbm4b:s1+s9], $0x40, s3, s9, $0xb8;
	[tilespmem:$0xD000] =	vst v63  }
0x1a: {  	s21 =	simm.s32 $0x2100;
	s23 =	simm.s32 $0x0  }
0x1b: {  	[tilespmem:s11], [sflag:$0x1] =	stream.indirect.gather [hbm4b:s1+s9], $0x40, s9, s9, $0xb8;
	[tilespmem:$0xD000] =	vst v63  }
.LBB2_2:
0x1c: {  	s24 =	sshll.u32 s23, $0x9  }
0x1d: {  	s22 =	sor.u32 $0x100, s24  }
0x1e: {  	[tilespmem:s12], [sflag:$0x2] =	stream.indirect.gather [hbm4b:s1+s9], $0x40, s22, s9, $0xb8;
	[tilespmem:$0xD000] =	vst v63  }
0x1f: {  	s25 =	sor.u32 $0x180, s24  }
0x20: {  	[tilespmem:s13], [sflag:$0x2] =	stream.indirect.gather [hbm4b:s1+s9], $0x40, s25, s9, $0xb8;
	[tilespmem:$0xD000] =	vst v63  }
0x21: {  	_ =	swait.ge [sflag:s8], $0x2000  }
0x22: {  	[sflag:s8] =	ssyncset.done $0x0  }
0x23: {  	[sflag:s8] =	ssyncadd.s32 $0xFFFFE000  }
0x24: {  	_ =	swait.ge [sflag:s8], $0x2000  }
0x25: {  	p0 =	seq.s32 s23, $0x0;
	[sflag:s8] =	ssyncset.done $0x0  }
0x26: {  	s25 =	simm.s32 @!p0 $0x3;
	[sflag:s8] =	ssyncadd.s32 $0xFFFFE000  }
0x27: {  	_ =	swait.ge @!p0 [sflag:s25], $0x800  }
0x28: {  	[sflag:s25] =	ssyncset.done @!p0 $0x0  }
0x29: {  	s26 =	simm.s32 $0x4200;
	[sflag:s25] =	ssyncadd.s32 @!p0 $0xFFFFF800  }
0x2a: {  	v0 =	vmov s20;
	v5 =	vld [tilespmem:s26+$0xFFFFFE00]  }
0x2b: {  	v6 =	vld [tilespmem:s26+$0xFFFFFE40]  }
0x2c: {  	v7 =	vld [tilespmem:s26+$0xFFFFFE80]  }
0x2d: {  	v8 =	vld [tilespmem:s26+$0xFFFFFEC0]  }
0x2e: {  	s31 =	simm.s32 $0x0;
	v9 =	vld [tilespmem:s26+$0xFFFFFF00];
	[tilespmem:$0x1FFF0] =	vst v0  }
0x2f: {  	v15 =	vld.idx.msk [tilespmem:v0+s31+$0x0 ss:$0x1], $0xffff;
	_ =	sdelay $0x1  }
0x30: {  	v11 =	vld [tilespmem:s26+$0xFFFFFF40]  }
0x31: {  	v17 =	vld [tilespmem:s26+$0xFFFFFFC0]  }
0x32: {  	v18 =	vld [tilespmem:s26+$0x0]  }
0x33: {  	v19 =	vld [tilespmem:s26+$0x40];
	v52 =	vbroadcast v15, $0x0;
	v3 =	vbroadcast v15, $0x1  }
0x34: {  	v20 =	vld [tilespmem:s26+$0x80];
	v4 =	vbroadcast v15, $0x2;
	v53 =	vbroadcast v15, $0x3  }
0x35: {  	v23 =	vld [tilespmem:s26+$0xC0];
	v54 =	vbroadcast v15, $0x4;
	v10 =	vbroadcast v15, $0x7  }
0x36: {  	v25 =	vld [tilespmem:s26+$0x100];
	v56 =	vbroadcast v15, $0x8;
	v57 =	vbroadcast v15, $0x9  }
0x37: {  	v27 =	vld [tilespmem:s26+$0x140];
	v58 =	vbroadcast v15, $0xA;
	v59 =	vbroadcast v15, $0xB  }
0x38: {  	v29 =	vld [tilespmem:s26+$0x180];
	v60 =	vbroadcast v15, $0xC;
	v21 =	vadd.f32 v52, v5;
	v22 =	vadd.f32 v6, v3  }
0x39: {  	v31 =	vld [tilespmem:s26+$0x1C0];
	v13 =	vbroadcast v15, $0xD;
	v24 =	vadd.f32 v7, v4;
	v26 =	vadd.f32 v8, v53  }
0x3a: {  	v14 =	vld [tilespmem:s26+$0xFFFFFF80];
	v62 =	vbroadcast v15, $0xE;
	v28 =	vadd.f32 v9, v54;
	v17 =	vadd.f32 v17, v10  }
0x3b: {  	v63 =	vbroadcast v15, $0xF;
	v18 =	vadd.f32 v18, v56;
	v19 =	vadd.f32 v19, v57  }
0x3c: {  	v6 =	vbroadcast v15, $0x5;
	v20 =	vadd.f32 v20, v58;
	v23 =	vadd.f32 v23, v59  }
0x3d: {  	v7 =	vbroadcast v15, $0x6;
	v25 =	vadd.f32 v25, v60;
	v27 =	vadd.f32 v27, v13  }
0x3e: {  	v29 =	vadd.f32 v29, v62;
	v31 =	vadd.f32 v31, v63  }
0x3f: {  	v30 =	vadd.f32 v11, v6;
	v32 =	vadd.f32 v14, v7  }
0x40: {  	v33 =	vmax.f32 v21, v22;
	v34 =	vmax.f32 v24, v26;
	v37 =	vmax.f32 v18, v19  }
0x41: {  	v38 =	vmax.f32 v20, v23;
	v39 =	vmax.f32 v25, v27;
	v40 =	vmax.f32 v29, v31  }
0x42: {  	v33 =	vmax.f32 v33, v34;
	v35 =	vmax.f32 v28, v30;
	v36 =	vmax.f32 v32, v17  }
0x43: {  	v45 =	vmax.f32 v37, v38;
	v46 =	vmax.f32 v39, v40;
	v44 =	vmax.f32 v35, v36  }
0x44: {  	v47 =	vmax.f32 v45, v46;
	v33 =	vmax.f32 v33, v44  }
0x45: {  	v33 =	vmax.f32 v33, v47  }
0x46: {  	v21 =	vsub.f32 v21, v33  }
0x47: {  	v22 =	vsub.f32 v22, v33;
	v24 =	vsub.f32 v24, v33  }
0x48: {  	v17 =	vsub.f32 v17, v33;
	v21 =	vmul.f32 $1.442695020e+00, v21  }
0x49: {  	v26 =	vsub.f32 v26, v33;
	v22 =	vmul.f32 $1.442695020e+00, v22;
	v24 =	vmul.f32 $1.442695020e+00, v24  }
0x4a: {  	v28 =	vsub.f32 v28, v33;
	v17 =	vmul.f32 $1.442695020e+00, v17;
	(erf) = vpow2.f32 v21  }
0x4b: {  	v21 =	vmul.f32 $1.442695020e+00, v26;
	v26 =	vsub.f32 v30, v33;
	(erf) = vpow2.f32 v22  }
0x4c: {  	v22 =	vmul.f32 $1.442695020e+00, v28;
	(erf) = vpow2.f32 v24;
	v24 =	vsub.f32 v32, v33  }
0x4d: {  	v18 =	vsub.f32 v18, v33;
	v26 =	vmul.f32 $1.442695020e+00, v26;
	(erf) = vpow2.f32 v21  }
0x4e: {  	v19 =	vsub.f32 v19, v33;
	(erf) = vpow2.f32 v22;
	v21 =	vmul.f32 $1.442695020e+00, v24  }
0x4f: {  	v20 =	vsub.f32 v20, v33;
	v18 =	vmul.f32 $1.442695020e+00, v18;
	(erf) = vpow2.f32 v26  }
0x50: {  	v19 =	vmul.f32 $1.442695020e+00, v19;
	(erf) = vpow2.f32 v21;
	v21 =	vsub.f32 v23, v33  }
0x51: {  	v20 =	vmul.f32 $1.442695020e+00, v20;
	(erf) = vpow2.f32 v17;
	v17 =	vsub.f32 v25, v33  }
0x52: {  	v22 =	vsub.f32 v27, v33;
	(erf) = vpow2.f32 v18;
	v21 =	vmul.f32 $1.442695020e+00, v21  }
0x53: {  	v23 =	vsub.f32 v29, v33;
	v18 =	vpop (erf);
	(erf) = vpow2.f32 v19;
	v17 =	vmul.f32 $1.442695020e+00, v17  }
0x54: {  	v24 =	vsub.f32 v31, v33;
	v22 =	vmul.f32 $1.442695020e+00, v22;
	v19 =	vpop (erf);
	(erf) = vpow2.f32 v20  }
0x55: {  	v23 =	vmul.f32 $1.442695020e+00, v23;
	v20 =	vpop (erf);
	(erf) = vpow2.f32 v21  }
0x56: {  	v24 =	vmul.f32 $1.442695020e+00, v24;
	v21 =	vpop (erf);
	(erf) = vpow2.f32 v17  }
0x57: {  	v17 =	vpop (erf);
	(erf) = vpow2.f32 v22  }
0x58: {  	v22 =	vpop (erf);
	(erf) = vpow2.f32 v23  }
0x59: {  	v23 =	vpop (erf);
	(erf) = vpow2.f32 v24  }
0x5a: {  	v24 =	vpop (erf)  }
0x5b: {  	v25 =	vpop (erf)  }
0x5c: {  	v26 =	vpop (erf)  }
0x5d: {  	v27 =	vpop (erf)  }
0x5e: {  	v28 =	vpop (erf)  }
0x5f: {  	v29 =	vpop (erf)  }
0x60: {  	v18 =	vadd.f32 v19, v18;
	v19 =	vadd.f32 v21, v20;
	v20 =	vpop (erf)  }
0x61: {  	v17 =	vadd.f32 v22, v17;
	v21 =	vadd.f32 v24, v23;
	v22 =	vpop (erf)  }
0x62: {  	v23 =	vadd.f32 v26, v25;
	v24 =	vadd.f32 v28, v27;
	v25 =	vpop (erf)  }
0x63: {  	v20 =	vadd.f32 v20, v29;
	v22 =	vadd.f32 v25, v22  }
0x64: {  	v18 =	vadd.f32 v19, v18;
	v17 =	vadd.f32 v21, v17  }
0x65: {  	v19 =	vadd.f32 v24, v23;
	v20 =	vadd.f32 v22, v20;
	_ =	sdelay $0x1  }
0x66: {  	v17 =	vadd.f32 v17, v18;
	v18 =	vadd.f32 v20, v19;
	_ =	sdelay $0x1  }
0x67: {  	s25 =	simm.s32 $0xC040;
	v17 =	vadd.f32 v18, v17  }
0x68: {  	[tilespmem:s25+$0xFFFFFFC0] =	vst v33  }
0x69: {  	[tilespmem:s25+$0x0] =	vst v17  }
0x6a: {  	v17 =	vld [tilespmem:s26+$0xFFFFFE10]  }
0x6b: {  	v18 =	vld [tilespmem:s26+$0xFFFFFE50]  }
0x6c: {  	v19 =	vld [tilespmem:s26+$0xFFFFFE90]  }
0x6d: {  	v20 =	vld [tilespmem:s26+$0xFFFFFED0]  }
0x6e: {  	v21 =	vld [tilespmem:s26+$0xFFFFFF10]  }
0x6f: {  	v22 =	vld [tilespmem:s26+$0xFFFFFF50]  }
0x70: {  	v23 =	vld [tilespmem:s26+$0xFFFFFF90]  }
0x71: {  	v24 =	vld [tilespmem:s26+$0xFFFFFFD0]  }
0x72: {  	v25 =	vld [tilespmem:s26+$0x10]  }
0x73: {  	v26 =	vld [tilespmem:s26+$0x50]  }
0x74: {  	v27 =	vld [tilespmem:s26+$0x90]  }
0x75: {  	v28 =	vld [tilespmem:s26+$0xD0]  }
0x76: {  	v29 =	vld [tilespmem:s26+$0x110];
	v30 =	vadd.f32 v17, v52  }
0x77: {  	v48 =	vld [tilespmem:s26+$0x190];
	v18 =	vadd.f32 v18, v3;
	v19 =	vadd.f32 v19, v4  }
0x78: {  	v49 =	vld [tilespmem:s26+$0x1D0];
	v20 =	vadd.f32 v20, v53;
	v21 =	vadd.f32 v21, v54  }
0x79: {  	v17 =	vld [tilespmem:s26+$0x150];
	v22 =	vadd.f32 v22, v6;
	v23 =	vadd.f32 v23, v7  }
0x7a: {  	v24 =	vadd.f32 v24, v10;
	v25 =	vadd.f32 v25, v56  }
0x7b: {  	v26 =	vadd.f32 v26, v57;
	v27 =	vadd.f32 v27, v58  }
0x7c: {  	v28 =	vadd.f32 v28, v59;
	v29 =	vadd.f32 v29, v60  }
0x7d: {  	v31 =	vadd.f32 v48, v62;
	v32 =	vadd.f32 v49, v63;
	v50 =	vmax.f32 v19, v20  }
0x7e: {  	v51 =	vmax.f32 v21, v22;
	v55 =	vmax.f32 v23, v24;
	v33 =	vadd.f32 v17, v13  }
0x7f: {  	v61 =	vmax.f32 v25, v26;
	v44 =	vmax.f32 v27, v28;
	v46 =	vmax.f32 v31, v32  }
0x80: {  	v47 =	vmax.f32 v51, v55;
	v17 =	vmax.f32 v30, v18;
	v45 =	vmax.f32 v29, v33  }
0x81: {  	v48 =	vmax.f32 v61, v44;
	v17 =	vmax.f32 v17, v50;
	v49 =	vmax.f32 v45, v46  }
0x82: {  	v17 =	vmax.f32 v17, v47;
	v50 =	vmax.f32 v48, v49  }
0x83: {  	v17 =	vmax.f32 v17, v50  }
0x84: {  	v30 =	vsub.f32 v30, v17  }
0x85: {  	v18 =	vsub.f32 v18, v17;
	v19 =	vsub.f32 v19, v17  }
0x86: {  	v20 =	vsub.f32 v20, v17;
	v30 =	vmul.f32 $1.442695020e+00, v30  }
0x87: {  	v21 =	vsub.f32 v21, v17;
	v18 =	vmul.f32 $1.442695020e+00, v18;
	v19 =	vmul.f32 $1.442695020e+00, v19  }
0x88: {  	v22 =	vsub.f32 v22, v17;
	v20 =	vmul.f32 $1.442695020e+00, v20;
	(erf) = vpow2.f32 v30  }
0x89: {  	(erf) = vpow2.f32 v18;
	v18 =	vmul.f32 $1.442695020e+00, v21;
	v21 =	vsub.f32 v23, v17  }
0x8a: {  	(erf) = vpow2.f32 v19;
	v19 =	vmul.f32 $1.442695020e+00, v22;
	v22 =	vsub.f32 v24, v17  }
0x8b: {  	(erf) = vpow2.f32 v20;
	v20 =	vmul.f32 $1.442695020e+00, v21;
	v21 =	vsub.f32 v25, v17  }
0x8c: {  	(erf) = vpow2.f32 v18;
	v18 =	vmul.f32 $1.442695020e+00, v22;
	v22 =	vsub.f32 v26, v17  }
0x8d: {  	(erf) = vpow2.f32 v19;
	v19 =	vmul.f32 $1.442695020e+00, v21;
	v21 =	vsub.f32 v27, v17  }
0x8e: {  	(erf) = vpow2.f32 v20;
	v20 =	vmul.f32 $1.442695020e+00, v22;
	v22 =	vsub.f32 v28, v17  }
0x8f: {  	(erf) = vpow2.f32 v18;
	v18 =	vmul.f32 $1.442695020e+00, v21;
	v21 =	vsub.f32 v29, v17  }
0x90: {  	(erf) = vpow2.f32 v19;
	v19 =	vmul.f32 $1.442695020e+00, v22;
	v22 =	vsub.f32 v33, v17  }
0x91: {  	v23 =	vpop (erf);
	(erf) = vpow2.f32 v20;
	v20 =	vmul.f32 $1.442695020e+00, v21;
	v21 =	vsub.f32 v31, v17  }
0x92: {  	v24 =	vpop (erf);
	(erf) = vpow2.f32 v18;
	v18 =	vmul.f32 $1.442695020e+00, v22;
	v22 =	vsub.f32 v32, v17;
	_ =	sdelay $0x1  }
0x93: {  	v25 =	vpop (erf);
	(erf) = vpow2.f32 v19  }
0x94: {  	v19 =	vmul.f32 $1.442695020e+00, v21;
	v21 =	vpop (erf);
	(erf) = vpow2.f32 v20  }
0x95: {  	v20 =	vmul.f32 $1.442695020e+00, v22;
	v22 =	vpop (erf);
	(erf) = vpow2.f32 v18  }
0x96: {  	v26 =	vpop (erf);
	(erf) = vpow2.f32 v19  }
0x97: {  	v27 =	vpop (erf);
	(erf) = vpow2.f32 v20  }
0x98: {  	v28 =	vpop (erf)  }
0x99: {  	v29 =	vpop (erf)  }
0x9a: {  	v51 =	vpop (erf)  }
0x9b: {  	v55 =	vpop (erf)  }
0x9c: {  	v61 =	vpop (erf)  }
0x9d: {  	v19 =	vpop (erf)  }
0x9e: {  	v18 =	vadd.f32 v24, v23;
	v20 =	vadd.f32 v21, v25;
	v24 =	vpop (erf)  }
0x9f: {  	v21 =	vadd.f32 v26, v22;
	v22 =	vadd.f32 v28, v27;
	v26 =	vpop (erf)  }
0xa0: {  	s30 =	simm.s32 $0x40;
	s29 =	simm.s32 $0x4200;
	s28 =	simm.s32 $0xC040;
	v23 =	vadd.f32 v51, v29;
	v25 =	vadd.f32 v61, v55;
	v27 =	vpop (erf)  }
.LBB2_3:
0xa1: {  	v19 =	vadd.f32 v24, v19;
	v24 =	vadd.f32 v27, v26;
	v0 =	vld [tilespmem:$0x1FFF0]  }
0xa2: {  	s26 =	sadd.s32 $0x400, s26;
	v18 =	vadd.f32 v20, v18;
	v20 =	vadd.f32 v22, v21  }
0xa3: {  	v21 =	vld [tilespmem:s26+$0xFFFFFE00];
	v22 =	vadd.f32 v25, v23;
	v19 =	vadd.f32 v24, v19  }
0xa4: {  	v25 =	vld [tilespmem:s26+$0xFFFFFE40]  }
0xa5: {  	v26 =	vld [tilespmem:s26+$0xFFFFFE80];
	v18 =	vadd.f32 v20, v18;
	v19 =	vadd.f32 v19, v22  }
0xa6: {  	v27 =	vld [tilespmem:s26+$0xFFFFFEC0]  }
0xa7: {  	v28 =	vld [tilespmem:s26+$0xFFFFFF00];
	v18 =	vadd.f32 v19, v18  }
0xa8: {  	s31 =	sshra.s32 s30, $0x2;
	v29 =	vld [tilespmem:s26+$0xFFFFFF40];
	[tilespmem:s25+$0xFFFFFFD0] =	vst v17  }
0xa9: {  	v31 =	vld.idx.msk [tilespmem:v0+s31+$0x0 ss:$0x1], $0xffff;
	[tilespmem:s25+$0x10] =	vst v18  }
0xaa: {  	v17 =	vld [tilespmem:s29+$0xFFFFFE20]  }
0xab: {  	v18 =	vld [tilespmem:s29+$0xFFFFFE60]  }
0xac: {  	v30 =	vld [tilespmem:s29+$0xFFFFFEA0]  }
0xad: {  	v32 =	vld [tilespmem:s29+$0xFFFFFEE0]  }
0xae: {  	v33 =	vld [tilespmem:s29+$0xFFFFFF20]  }
0xaf: {  	v40 =	vld [tilespmem:s29+$0xFFFFFF60]  }
0xb0: {  	v41 =	vld [tilespmem:s29+$0xFFFFFFA0]  }
0xb1: {  	v42 =	vld [tilespmem:s29+$0xFFFFFFE0]  }
0xb2: {  	v43 =	vld [tilespmem:s29+$0x20]  }
0xb3: {  	v44 =	vld [tilespmem:s29+$0x60]  }
0xb4: {  	v45 =	vld [tilespmem:s29+$0xA0]  }
0xb5: {  	v5 =	vmovc v4;
	v46 =	vld [tilespmem:s29+$0xE0];
	v23 =	vbroadcast v31, $0x0;
	v48 =	vadd.f32 v17, v52;
	v49 =	vadd.f32 v18, v3  }
0xb6: {  	v9 =	vmovc v6;
	v11 =	vmovc v7;
	v47 =	vld [tilespmem:s29+$0x120];
	v24 =	vbroadcast v31, $0x1;
	v50 =	vadd.f32 v30, v4;
	v51 =	vadd.f32 v32, v53  }
0xb7: {  	v20 =	vbroadcast v31, $0x2;
	v33 =	vadd.f32 v33, v54;
	v4 =	vmovc v3;
	v3 =	vmovc v52;
	v52 =	vadd.f32 v40, v6  }
0xb8: {  	v22 =	vbroadcast v31, $0x3;
	v6 =	vmovc v53;
	v53 =	vadd.f32 v41, v7;
	v7 =	vmovc v54;
	v54 =	vadd.f32 v42, v10  }
0xb9: {  	v15 =	vmovc v56;
	v19 =	vbroadcast v31, $0x4;
	v55 =	vadd.f32 v43, v56;
	v56 =	vadd.f32 v44, v57  }
0xba: {  	[tilespmem:$0x1FFC0] =	vst v58;
	v12 =	vmovc v57;
	v18 =	vld [tilespmem:s29+$0x160];
	v32 =	vbroadcast v31, $0x9;
	v57 =	vadd.f32 v45, v58;
	v58 =	vadd.f32 v46, v59  }
0xbb: {  	v14 =	vmovc v59;
	v30 =	vld [tilespmem:s29+$0x1A0];
	v17 =	vbroadcast v31, $0xC;
	v59 =	vadd.f32 v47, v60;
	v39 =	vadd.f32 v23, v21  }
0xbc: {  	v40 =	vld [tilespmem:s29+$0x1E0];
	v37 =	vadd.f32 v25, v24;
	v21 =	vbroadcast v31, $0x5;
	v38 =	vadd.f32 v26, v20  }
0xbd: {  	v2 =	vld [tilespmem:s26+$0xC0];
	v36 =	vadd.f32 v28, v19;
	v25 =	vbroadcast v31, $0x6;
	v28 =	vbroadcast v31, $0x7  }
0xbe: {  	v35 =	vadd.f32 v27, v22;
	v27 =	vbroadcast v31, $0xA;
	v26 =	vbroadcast v31, $0xB  }
0xbf: {  	v16 =	vld [tilespmem:s26+$0x80];
	v43 =	vmax.f32 v50, v51;
	v44 =	vmax.f32 v33, v52;
	v46 =	vmax.f32 v53, v54  }
0xc0: {  	[tilespmem:$0x1FFD0] =	vst v60;
	v42 =	vld [tilespmem:s26+$0xFFFFFFC0];
	v47 =	vmax.f32 v55, v56;
	v34 =	vadd.f32 v29, v21;
	v60 =	vadd.f32 v18, v13  }
0xc1: {  	[tilespmem:$0x1FFE0] =	vst v62;
	v41 =	vld [tilespmem:s26+$0xFFFFFF80];
	v29 =	vbroadcast v31, $0x8;
	v61 =	vadd.f32 v30, v62;
	v62 =	vadd.f32 v40, v63  }
0xc2: {  	v44 =	vmax.f32 v44, v46;
	v46 =	vadd.f32 v2, v26;
	v30 =	vld [tilespmem:s26+$0x0];
	v40 =	vmax.f32 v48, v49  }
0xc3: {  	v8 =	vmovc v63;
	v45 =	vld [tilespmem:s26+$0x40];
	v63 =	vmax.f32 v57, v58;
	v0 =	vmax.f32 v59, v60;
	v1 =	vmax.f32 v61, v62  }
0xc4: {  	v43 =	vmax.f32 v40, v43;
	v63 =	vmax.f32 v47, v63;
	v0 =	vmax.f32 v0, v1  }
0xc5: {  	v42 =	vadd.f32 v42, v28;
	v43 =	vmax.f32 v43, v44;
	v1 =	vld [tilespmem:s26+$0x100];
	v0 =	vmax.f32 v63, v0  }
0xc6: {  	v40 =	vadd.f32 v41, v25;
	v44 =	vadd.f32 v16, v27;
	v47 =	vmax.f32 v43, v0  }
0xc7: {  	v18 =	vbroadcast v31, $0xD;
	v41 =	vadd.f32 v30, v29;
	v0 =	vsub.f32 v48, v47  }
0xc8: {  	v43 =	vadd.f32 v45, v32;
	v30 =	vbroadcast v31, $0xE;
	v16 =	vsub.f32 v49, v47  }
0xc9: {  	v31 =	vbroadcast v31, $0xF;
	v2 =	vsub.f32 v50, v47;
	v0 =	vmul.f32 $1.442695020e+00, v0  }
0xca: {  	v45 =	vadd.f32 v1, v17;
	v1 =	vmul.f32 $1.442695020e+00, v16;
	v16 =	vsub.f32 v51, v47  }
0xcb: {  	v33 =	vsub.f32 v33, v47;
	v2 =	vmul.f32 $1.442695020e+00, v2;
	(erf) = vpow2.f32 v0  }
0xcc: {  	v0 =	vmul.f32 $1.442695020e+00, v16;
	v16 =	vsub.f32 v52, v47;
	(erf) = vpow2.f32 v1  }
0xcd: {  	v53 =	vsub.f32 v53, v47;
	v1 =	vmul.f32 $1.442695020e+00, v33;
	(erf) = vpow2.f32 v2  }
0xce: {  	v2 =	vmul.f32 $1.442695020e+00, v16;
	v16 =	vsub.f32 v54, v47;
	(erf) = vpow2.f32 v0  }
0xcf: {  	v55 =	vsub.f32 v55, v47;
	v0 =	vmul.f32 $1.442695020e+00, v53;
	(erf) = vpow2.f32 v1  }
0xd0: {  	v1 =	vmul.f32 $1.442695020e+00, v16;
	v16 =	vsub.f32 v56, v47;
	(erf) = vpow2.f32 v2  }
0xd1: {  	v56 =	vsub.f32 v57, v47;
	v2 =	vmul.f32 $1.442695020e+00, v55;
	(erf) = vpow2.f32 v0  }
0xd2: {  	v57 =	vsub.f32 v58, v47;
	v16 =	vmul.f32 $1.442695020e+00, v16;
	(erf) = vpow2.f32 v1;
	v1 =	vld [tilespmem:s26+$0x180]  }
0xd3: {  	v58 =	vsub.f32 v59, v47;
	v33 =	vmul.f32 $1.442695020e+00, v56;
	(erf) = vpow2.f32 v2;
	v2 =	vld [tilespmem:s26+$0x1C0]  }
0xd4: {  	v59 =	vsub.f32 v60, v47;
	v48 =	vmul.f32 $1.442695020e+00, v57;
	v51 =	vpop (erf);
	(erf) = vpow2.f32 v16  }
0xd5: {  	v60 =	vsub.f32 v61, v47;
	v0 =	vld [tilespmem:s26+$0x140];
	v16 =	vmul.f32 $1.442695020e+00, v58;
	v52 =	vpop (erf);
	(erf) = vpow2.f32 v33  }
0xd6: {  	v62 =	vsub.f32 v62, v47;
	v61 =	vmul.f32 $1.442695020e+00, v59;
	v53 =	vpop (erf);
	(erf) = vpow2.f32 v48  }
0xd7: {  	v63 =	vmul.f32 $1.442695020e+00, v60;
	v49 =	vpop (erf);
	(erf) = vpow2.f32 v16;
	v1 =	vadd.f32 v1, v30  }
0xd8: {  	v16 =	vmul.f32 $1.442695020e+00, v62;
	v50 =	vpop (erf);
	(erf) = vpow2.f32 v61;
	v2 =	vadd.f32 v2, v31  }
0xd9: {  	v55 =	vmax.f32 v36, v34;
	v48 =	vmax.f32 v38, v35;
	v54 =	vpop (erf);
	(erf) = vpow2.f32 v63  }
0xda: {  	v0 =	vadd.f32 v0, v18;
	v56 =	vpop (erf);
	(erf) = vpow2.f32 v16;
	v58 =	vmax.f32 v1, v2  }
0xdb: {  	v33 =	vmax.f32 v39, v37;
	v63 =	vmax.f32 v44, v46;
	v16 =	vmax.f32 v40, v42;
	v59 =	vpop (erf)  }
0xdc: {  	v33 =	vmax.f32 v33, v48;
	v60 =	vmax.f32 v45, v0;
	v16 =	vmax.f32 v55, v16;
	v48 =	vpop (erf)  }
0xdd: {  	v57 =	vmax.f32 v41, v43;
	v55 =	vmax.f32 v60, v58;
	v58 =	vpop (erf)  }
0xde: {  	v62 =	vmax.f32 v57, v63;
	v60 =	vmax.f32 v33, v16;
	v63 =	vpop (erf)  }
0xdf: {  	v62 =	vmax.f32 v62, v55;
	v16 =	vpop (erf)  }
0xe0: {  	v51 =	vadd.f32 v52, v51;
	v49 =	vadd.f32 v49, v53;
	v57 =	vpop (erf)  }
0xe1: {  	v50 =	vadd.f32 v54, v50;
	v33 =	vmax.f32 v60, v62;
	v60 =	vpop (erf)  }
0xe2: {  	v49 =	vadd.f32 v49, v51;
	v61 =	vadd.f32 v59, v56;
	v62 =	vpop (erf)  }
0xe3: {  	v48 =	vadd.f32 v58, v48;
	v16 =	vadd.f32 v16, v63;
	v63 =	vpop (erf)  }
0xe4: {  	v52 =	vadd.f32 v60, v57;
	v54 =	vadd.f32 v63, v62  }
0xe5: {  	v39 =	vsub.f32 v39, v33;
	v50 =	vadd.f32 v61, v50  }
0xe6: {  	v16 =	vadd.f32 v16, v48;
	v55 =	vadd.f32 v54, v52  }
0xe7: {  	v37 =	vsub.f32 v37, v33;
	v38 =	vsub.f32 v38, v33  }
0xe8: {  	v39 =	vmul.f32 $1.442695020e+00, v39;
	v49 =	vadd.f32 v50, v49;
	v16 =	vadd.f32 v55, v16  }
0xe9: {  	v35 =	vsub.f32 v35, v33;
	v36 =	vsub.f32 v36, v33;
	v37 =	vmul.f32 $1.442695020e+00, v37  }
0xea: {  	v38 =	vmul.f32 $1.442695020e+00, v38;
	(erf) = vpow2.f32 v39;
	v16 =	vadd.f32 v16, v49  }
0xeb: {  	[tilespmem:s25+$0xFFFFFFE0] =	vst v47;
	v34 =	vsub.f32 v34, v33;
	v35 =	vmul.f32 $1.442695020e+00, v35;
	(erf) = vpow2.f32 v37  }
0xec: {  	v36 =	vmul.f32 $1.442695020e+00, v36;
	(erf) = vpow2.f32 v38;
	[tilespmem:s25+$0x20] =	vst v16  }
0xed: {  	(erf) = vpow2.f32 v35;
	v16 =	vmul.f32 $1.442695020e+00, v34;
	v34 =	vld [tilespmem:s29+$0xFFFFFE30]  }
0xee: {  	(erf) = vpow2.f32 v36;
	v35 =	vld [tilespmem:s29+$0xFFFFFE70]  }
0xef: {  	v38 =	vld [tilespmem:s29+$0xFFFFFEF0];
	(erf) = vpow2.f32 v16  }
0xf0: {  	v58 =	vsub.f32 v41, v33;
	v41 =	vld [tilespmem:s29+$0xFFFFFF30]  }
0xf1: {  	v56 =	vsub.f32 v40, v33;
	v60 =	vsub.f32 v44, v33;
	v44 =	vld [tilespmem:s29+$0xFFFFFF70]  }
0xf2: {  	v59 =	vsub.f32 v43, v33;
	v57 =	vsub.f32 v42, v33;
	v47 =	vld [tilespmem:s29+$0xFFFFFFB0]  }
0xf3: {  	v61 =	vsub.f32 v46, v33;
	v62 =	vpop (erf);
	v49 =	vld [tilespmem:s29+$0xFFFFFFF0]  }
0xf4: {  	v45 =	vsub.f32 v45, v33;
	v40 =	vmul.f32 $1.442695020e+00, v59;
	v36 =	vmul.f32 $1.442695020e+00, v56;
	v63 =	vpop (erf);
	v16 =	vld [tilespmem:s29+$0xFFFFFEB0]  }
0xf5: {  	v0 =	vsub.f32 v0, v33;
	v43 =	vmul.f32 $1.442695020e+00, v61;
	v37 =	vmul.f32 $1.442695020e+00, v57;
	v51 =	vld [tilespmem:s29+$0x30];
	v56 =	vpop (erf)  }
0xf6: {  	v1 =	vsub.f32 v1, v33;
	v39 =	vmul.f32 $1.442695020e+00, v58;
	v58 =	vld [tilespmem:s29+$0x70];
	v57 =	vpop (erf);
	(erf) = vpow2.f32 v36  }
0xf7: {  	v2 =	vsub.f32 v2, v33;
	v45 =	vmul.f32 $1.442695020e+00, v45;
	v61 =	vld [tilespmem:s29+$0xF0];
	v59 =	vpop (erf);
	(erf) = vpow2.f32 v37  }
0xf8: {  	v42 =	vmul.f32 $1.442695020e+00, v60;
	v46 =	vadd.f32 v63, v62;
	v62 =	vld [tilespmem:s29+$0x130];
	v60 =	vpop (erf);
	(erf) = vpow2.f32 v39  }
0xf9: {  	v0 =	vmul.f32 $1.442695020e+00, v0;
	v16 =	vadd.f32 v16, v5;
	v5 =	vld [tilespmem:$0x1FFD0];
	(erf) = vpow2.f32 v40  }
0xfa: {  	v1 =	vmul.f32 $1.442695020e+00, v1;
	v63 =	vld [tilespmem:s29+$0x170];
	(erf) = vpow2.f32 v42  }
0xfb: {  	v2 =	vmul.f32 $1.442695020e+00, v2;
	v37 =	vld [tilespmem:s29+$0xB0];
	v50 =	vadd.f32 v57, v56;
	(erf) = vpow2.f32 v43  }
0xfc: {  	v53 =	vmovc v22;
	v52 =	vmovc v23;
	v34 =	vadd.f32 v34, v3;
	v22 =	vadd.f32 v44, v9;
	v44 =	vld [tilespmem:s29+$0x1F0];
	(erf) = vpow2.f32 v45  }
0xfd: {  	v54 =	vmovc v19;
	v35 =	vadd.f32 v35, v4;
	v3 =	vmovc v24;
	v23 =	vadd.f32 v38, v6;
	v24 =	vld [tilespmem:s29+$0x1B0];
	(erf) = vpow2.f32 v0  }
0xfe: {  	v57 =	vmovc v32;
	v4 =	vmovc v20;
	v20 =	vadd.f32 v41, v7;
	v32 =	vadd.f32 v62, v5;
	v5 =	vld [tilespmem:$0x1FFE0];
	(erf) = vpow2.f32 v1  }
0xff: {  	v19 =	vadd.f32 v49, v10;
	v7 =	vmov v25;
	v25 =	vpop (erf);
	(erf) = vpow2.f32 v2;
	v2 =	vld [tilespmem:$0x1FFC0]  }
0x100: {  	v56 =	vmovc v29;
	v6 =	vmovc v21;
	v10 =	vmov v28;
	v21 =	vadd.f32 v58, v12;
	v28 =	vadd.f32 v61, v14  }
0x101: {  	v58 =	vmov v27;
	v27 =	vadd.f32 v44, v8;
	v48 =	vadd.f32 v60, v59;
	v29 =	vpop (erf)  }
0x102: {  	v14 =	vmax.f32 v34, v35;
	v25 =	vadd.f32 v29, v25;
	v45 =	vadd.f32 v63, v13  }
0x103: {  	v59 =	vmovc v26;
	v26 =	vmax.f32 v20, v22;
	v0 =	vadd.f32 v47, v11;
	v1 =	vadd.f32 v51, v15  }
0x104: {  	v24 =	vadd.f32 v24, v5;
	v15 =	vmax.f32 v16, v23;
	v2 =	vadd.f32 v37, v2  }
0x105: {  	v42 =	vmax.f32 v32, v45;
	v49 =	vmax.f32 v0, v19;
	v14 =	vmax.f32 v14, v15;
	v12 =	vpop (erf)  }
0x106: {  	v51 =	vmax.f32 v1, v21;
	v61 =	vmax.f32 v24, v27;
	v13 =	vpop (erf);
	v55 =	vmax.f32 v2, v28  }
0x107: {  	v26 =	vmax.f32 v26, v49;
	v63 =	vmax.f32 v42, v61;
	v47 =	vpop (erf);
	v62 =	vmax.f32 v51, v55  }
0x108: {  	v5 =	vmax.f32 v14, v26;
	v60 =	vpop (erf);
	v26 =	vmax.f32 v62, v63  }
0x109: {  	v25 =	vadd.f32 v25, v48;
	v40 =	vadd.f32 v13, v12;
	v15 =	vpop (erf);
	v26 =	vmax.f32 v5, v26  }
0x10a: {  	v37 =	vadd.f32 v60, v47;
	v29 =	vpop (erf);
	v34 =	vsub.f32 v34, v26  }
0x10b: {  	v13 =	vpop (erf);
	v29 =	vadd.f32 v29, v15;
	v35 =	vsub.f32 v35, v26  }
0x10c: {  	v8 =	vadd.f32 v37, v40;
	v14 =	vpop (erf);
	v16 =	vsub.f32 v16, v26;
	v41 =	vmul.f32 $1.442695020e+00, v34  }
0x10d: {  	v60 =	vmovc v17;
	v17 =	vadd.f32 v14, v13;
	v23 =	vsub.f32 v23, v26;
	v42 =	vmul.f32 $1.442695020e+00, v35  }
0x10e: {  	v20 =	vsub.f32 v20, v26;
	v16 =	vmul.f32 $1.442695020e+00, v16;
	(erf) = vpow2.f32 v41  }
0x10f: {  	v22 =	vsub.f32 v22, v26;
	v23 =	vmul.f32 $1.442695020e+00, v23;
	(erf) = vpow2.f32 v42  }
0x110: {  	v0 =	vsub.f32 v0, v26;
	v20 =	vmul.f32 $1.442695020e+00, v20;
	(erf) = vpow2.f32 v16  }
0x111: {  	v19 =	vsub.f32 v19, v26;
	v16 =	vmul.f32 $1.442695020e+00, v22;
	(erf) = vpow2.f32 v23  }
0x112: {  	v1 =	vsub.f32 v1, v26;
	v0 =	vmul.f32 $1.442695020e+00, v0;
	(erf) = vpow2.f32 v20  }
0x113: {  	v19 =	vmul.f32 $1.442695020e+00, v19;
	v20 =	vsub.f32 v21, v26;
	(erf) = vpow2.f32 v16  }
0x114: {  	v2 =	vsub.f32 v2, v26;
	v1 =	vmul.f32 $1.442695020e+00, v1;
	(erf) = vpow2.f32 v0  }
0x115: {  	v16 =	vsub.f32 v28, v26;
	v0 =	vmul.f32 $1.442695020e+00, v20;
	(erf) = vpow2.f32 v19  }
0x116: {  	v13 =	vmovc v18;
	v2 =	vmul.f32 $1.442695020e+00, v2;
	v19 =	vsub.f32 v32, v26;
	(erf) = vpow2.f32 v1  }
0x117: {  	v1 =	vmul.f32 $1.442695020e+00, v16;
	v16 =	vsub.f32 v45, v26;
	v20 =	vpop (erf);
	(erf) = vpow2.f32 v0  }
0x118: {  	v0 =	vmul.f32 $1.442695020e+00, v19;
	v19 =	vsub.f32 v24, v26;
	v21 =	vpop (erf);
	(erf) = vpow2.f32 v2  }
0x119: {  	v5 =	vmul.f32 $1.442695020e+00, v16;
	v16 =	vsub.f32 v27, v26;
	v22 =	vpop (erf);
	(erf) = vpow2.f32 v1  }
0x11a: {  	v18 =	vadd.f32 v50, v46;
	v19 =	vmul.f32 $1.442695020e+00, v19;
	v23 =	vpop (erf);
	(erf) = vpow2.f32 v0  }
0x11b: {  	v0 =	vadd.f32 v17, v29;
	v9 =	vmul.f32 $1.442695020e+00, v16;
	v17 =	vpop (erf);
	(erf) = vpow2.f32 v5  }
0x11c: {  	v2 =	vpop (erf);
	(erf) = vpow2.f32 v19  }
0x11d: {  	v5 =	vadd.f32 v25, v18;
	v0 =	vadd.f32 v0, v8;
	v1 =	vpop (erf);
	(erf) = vpow2.f32 v9  }
0x11e: {  	v16 =	vpop (erf)  }
0x11f: {  	[tilespmem:s25+$0xFFFFFFF0] =	vst v26;
	s25 =	sadd.s32 $0x80, s25;
	v5 =	vadd.f32 v0, v5;
	v18 =	vpop (erf)  }
0x120: {  	[tilespmem:s25+$0xFFFFFFC0] =	vst v33;
	v19 =	vpop (erf)  }
0x121: {  	[tilespmem:s25+$0x0] =	vst v5;
	v0 =	vpop (erf)  }
0x122: {  	v24 =	vld [tilespmem:s26+$0xFFFFFE10];
	v25 =	vpop (erf)  }
0x123: {  	v20 =	vadd.f32 v21, v20;
	v21 =	vadd.f32 v23, v22;
	v26 =	vld [tilespmem:s26+$0xFFFFFE50];
	v27 =	vpop (erf)  }
0x124: {  	v2 =	vadd.f32 v2, v17;
	v1 =	vadd.f32 v16, v1;
	v28 =	vld [tilespmem:s26+$0xFFFFFE90];
	v22 =	vpop (erf)  }
0x125: {  	v23 =	vld [tilespmem:s26+$0xFFFFFED0];
	v18 =	vadd.f32 v19, v18;
	v16 =	vpop (erf)  }
0x126: {  	v17 =	vld [tilespmem:s26+$0xFFFFFF10];
	v1 =	vadd.f32 v1, v2;
	v0 =	vadd.f32 v25, v0;
	v19 =	vpop (erf)  }
0x127: {  	v2 =	vld [tilespmem:s26+$0xFFFFFFD0];
	v22 =	vadd.f32 v22, v27;
	v16 =	vadd.f32 v19, v16  }
0x128: {  	v20 =	vadd.f32 v21, v20;
	v21 =	vld [tilespmem:s26+$0x50]  }
0x129: {  	v25 =	vld [tilespmem:s26+$0xFFFFFF50];
	v0 =	vadd.f32 v0, v18;
	v16 =	vadd.f32 v16, v22  }
0x12a: {  	v1 =	vadd.f32 v1, v20;
	v20 =	vld [tilespmem:s26+$0xD0]  }
0x12b: {  	v18 =	vld [tilespmem:s26+$0x10];
	v0 =	vadd.f32 v16, v0  }
0x12c: {  	v19 =	vld [tilespmem:s26+$0xFFFFFF90];
	v22 =	vadd.f32 v24, v52  }
0x12d: {  	v24 =	vadd.f32 v26, v3;
	v26 =	vld [tilespmem:s26+$0x150];
	v0 =	vadd.f32 v0, v1  }
0x12e: {  	v16 =	vld [tilespmem:s26+$0x90]  }
0x12f: {  	v1 =	vld [tilespmem:s26+$0x110];
	[tilespmem:s28+$0x30] =	vst v0  }
0x130: {  	v23 =	vadd.f32 v23, v53;
	v2 =	vadd.f32 v2, v10;
	v27 =	vld [tilespmem:s26+$0x190]  }
0x131: {  	v0 =	vadd.f32 v28, v4;
	v28 =	vadd.f32 v17, v54;
	v17 =	vld [tilespmem:s26+$0x1D0]  }
0x132: {  	v21 =	vadd.f32 v21, v57;
	v18 =	vadd.f32 v18, v56  }
0x133: {  	v25 =	vadd.f32 v25, v6;
	v19 =	vadd.f32 v19, v7  }
0x134: {  	v63 =	vmovc v31;
	v20 =	vadd.f32 v20, v59;
	v46 =	vmax.f32 v18, v21;
	v26 =	vadd.f32 v26, v13  }
0x135: {  	v62 =	vmovc v30;
	v45 =	vmax.f32 v19, v2;
	v16 =	vadd.f32 v16, v58;
	v1 =	vadd.f32 v1, v60  }
0x136: {  	v44 =	vmax.f32 v28, v25;
	v27 =	vadd.f32 v27, v62;
	v29 =	vadd.f32 v17, v63  }
0x137: {  	v43 =	vmax.f32 v0, v23;
	v47 =	vmax.f32 v16, v20;
	v50 =	vmax.f32 v44, v45  }
0x138: {  	v48 =	vmax.f32 v1, v26;
	v17 =	vmax.f32 v22, v24;
	v49 =	vmax.f32 v27, v29  }
0x139: {  	v51 =	vmax.f32 v46, v47;
	v17 =	vmax.f32 v17, v43;
	v55 =	vmax.f32 v48, v49  }
0x13a: {  	v17 =	vmax.f32 v17, v50;
	v61 =	vmax.f32 v51, v55  }
0x13b: {  	v17 =	vmax.f32 v17, v61  }
0x13c: {  	v22 =	vsub.f32 v22, v17  }
0x13d: {  	v24 =	vsub.f32 v24, v17  }
0x13e: {  	v0 =	vsub.f32 v0, v17;
	v22 =	vmul.f32 $1.442695020e+00, v22  }
0x13f: {  	v23 =	vsub.f32 v23, v17;
	v24 =	vmul.f32 $1.442695020e+00, v24  }
0x140: {  	v28 =	vsub.f32 v28, v17;
	v0 =	vmul.f32 $1.442695020e+00, v0;
	(erf) = vpow2.f32 v22  }
0x141: {  	v22 =	vmul.f32 $1.442695020e+00, v23;
	v23 =	vsub.f32 v25, v17;
	(erf) = vpow2.f32 v24  }
0x142: {  	v19 =	vsub.f32 v19, v17;
	v24 =	vmul.f32 $1.442695020e+00, v28;
	(erf) = vpow2.f32 v0  }
0x143: {  	v2 =	vsub.f32 v2, v17;
	v0 =	vmul.f32 $1.442695020e+00, v23;
	(erf) = vpow2.f32 v22  }
0x144: {  	v18 =	vsub.f32 v18, v17;
	v19 =	vmul.f32 $1.442695020e+00, v19;
	(erf) = vpow2.f32 v24  }
0x145: {  	v21 =	vsub.f32 v21, v17;
	v2 =	vmul.f32 $1.442695020e+00, v2;
	(erf) = vpow2.f32 v0  }
0x146: {  	v16 =	vsub.f32 v16, v17;
	v0 =	vmul.f32 $1.442695020e+00, v18;
	(erf) = vpow2.f32 v19  }
0x147: {  	v18 =	vmul.f32 $1.442695020e+00, v21;
	v19 =	vsub.f32 v20, v17;
	(erf) = vpow2.f32 v2  }
0x148: {  	v1 =	vsub.f32 v1, v17;
	v2 =	vmul.f32 $1.442695020e+00, v16;
	(erf) = vpow2.f32 v0  }
0x149: {  	v16 =	vsub.f32 v26, v17;
	v0 =	vmul.f32 $1.442695020e+00, v19;
	v20 =	vpop (erf);
	(erf) = vpow2.f32 v18  }
0x14a: {  	v1 =	vmul.f32 $1.442695020e+00, v1;
	v18 =	vsub.f32 v27, v17;
	v21 =	vpop (erf);
	(erf) = vpow2.f32 v2  }
0x14b: {  	v5 =	vsub.f32 v29, v17;
	v8 =	vmul.f32 $1.442695020e+00, v16;
	v22 =	vpop (erf);
	(erf) = vpow2.f32 v0  }
0x14c: {  	v9 =	vmul.f32 $1.442695020e+00, v18;
	v23 =	vpop (erf);
	(erf) = vpow2.f32 v1  }
0x14d: {  	v5 =	vmul.f32 $1.442695020e+00, v5;
	v16 =	vpop (erf);
	(erf) = vpow2.f32 v8  }
0x14e: {  	v2 =	vpop (erf);
	(erf) = vpow2.f32 v9  }
0x14f: {  	v0 =	vpop (erf);
	(erf) = vpow2.f32 v5  }
0x150: {  	v1 =	vpop (erf)  }
0x151: {  	v25 =	vpop (erf)  }
0x152: {  	v27 =	vpop (erf)  }
0x153: {  	p1 =	sne.s32 s30, $0x3C0;
	v28 =	vpop (erf)  }
.Ltmp0:
0x154: {  	v29 =	vpop (erf);
	(pc) =	sbr.rel @p1 .LBB2_3-.Ltmp0, $4  }
0x155: {  	v19 =	vpop (erf)  }
0x156: {  	v18 =	vadd.f32 v21, v20;
	v20 =	vadd.f32 v23, v22;
	v24 =	vpop (erf)  }
0x157: {  	v21 =	vadd.f32 v2, v16;
	v22 =	vadd.f32 v1, v0;
	v26 =	vpop (erf)  }
0x158: {  	s30 =	sadd.s32 $0x40, s30;
	s29 =	smov.u32 s26;
	s28 =	smov.u32 s25;
	v23 =	vadd.f32 v27, v25;
	v25 =	vadd.f32 v29, v28;
	v27 =	vpop (erf)  }
0x159: {  	v0 =	vadd.f32 v24, v19;
	v1 =	vadd.f32 v27, v26  }
0x15a: {  	v2 =	vadd.f32 v20, v18;
	v16 =	vadd.f32 v22, v21  }
0x15b: {  	v18 =	vadd.f32 v25, v23;
	v0 =	vadd.f32 v1, v0;
	_ =	sdelay $0x1  }
0x15c: {  	v1 =	vadd.f32 v16, v2;
	v0 =	vadd.f32 v0, v18;
	_ =	sdelay $0x1  }
0x15d: {  	v0 =	vadd.f32 v0, v1  }
0x15e: {  	[tilespmem:s25+$0xFFFFFFD0] =	vst v17  }
0x15f: {  	[tilespmem:s25+$0x10] =	vst v0  }
0x160: {  	v0 =	vld [tilespmem:s29+$0xFFFFFE20]  }
0x161: {  	v1 =	vld [tilespmem:s29+$0xFFFFFE60]  }
0x162: {  	v2 =	vld [tilespmem:s29+$0xFFFFFEA0]  }
0x163: {  	v16 =	vld [tilespmem:s29+$0xFFFFFEE0]  }
0x164: {  	v17 =	vld [tilespmem:s29+$0xFFFFFF20]  }
0x165: {  	v18 =	vld [tilespmem:s29+$0xFFFFFF60]  }
0x166: {  	v19 =	vld [tilespmem:s29+$0xFFFFFFA0]  }
0x167: {  	v20 =	vld [tilespmem:s29+$0xFFFFFFE0]  }
0x168: {  	v21 =	vld [tilespmem:s29+$0x20]  }
0x169: {  	v22 =	vld [tilespmem:s29+$0x60]  }
0x16a: {  	v23 =	vld [tilespmem:s29+$0xA0]  }
0x16b: {  	v24 =	vld [tilespmem:s29+$0xE0]  }
0x16c: {  	v25 =	vld [tilespmem:s29+$0x120]  }
0x16d: {  	v26 =	vld [tilespmem:s29+$0x160];
	v0 =	vadd.f32 v0, v52;
	v1 =	vadd.f32 v1, v3  }
0x16e: {  	v27 =	vld [tilespmem:s29+$0x1A0];
	v2 =	vadd.f32 v2, v4;
	v16 =	vadd.f32 v16, v53  }
0x16f: {  	v28 =	vld [tilespmem:s29+$0x1E0];
	v17 =	vadd.f32 v17, v54;
	v18 =	vadd.f32 v18, v6  }
0x170: {  	v19 =	vadd.f32 v19, v7;
	v20 =	vadd.f32 v20, v10  }
0x171: {  	v21 =	vadd.f32 v21, v56;
	v22 =	vadd.f32 v22, v57  }
0x172: {  	v23 =	vadd.f32 v23, v58;
	v24 =	vadd.f32 v24, v59  }
0x173: {  	v25 =	vadd.f32 v25, v60;
	v26 =	vadd.f32 v26, v13  }
0x174: {  	v27 =	vadd.f32 v27, v62;
	v28 =	vadd.f32 v28, v63  }
0x175: {  	v29 =	vmax.f32 v0, v1;
	v30 =	vmax.f32 v2, v16;
	v31 =	vmax.f32 v17, v18  }
0x176: {  	v32 =	vmax.f32 v19, v20;
	v33 =	vmax.f32 v21, v22;
	v34 =	vmax.f32 v23, v24  }
0x177: {  	v35 =	vmax.f32 v25, v26;
	v36 =	vmax.f32 v27, v28;
	v29 =	vmax.f32 v29, v30  }
0x178: {  	v44 =	vmax.f32 v31, v32;
	v45 =	vmax.f32 v33, v34;
	v46 =	vmax.f32 v35, v36  }
0x179: {  	v29 =	vmax.f32 v29, v44;
	v47 =	vmax.f32 v45, v46  }
0x17a: {  	v29 =	vmax.f32 v29, v47  }
0x17b: {  	v0 =	vsub.f32 v0, v29  }
0x17c: {  	v1 =	vsub.f32 v1, v29;
	v2 =	vsub.f32 v2, v29  }
0x17d: {  	v16 =	vsub.f32 v16, v29;
	v0 =	vmul.f32 $1.442695020e+00, v0  }
0x17e: {  	v17 =	vsub.f32 v17, v29;
	v1 =	vmul.f32 $1.442695020e+00, v1;
	v2 =	vmul.f32 $1.442695020e+00, v2  }
0x17f: {  	(erf) = vpow2.f32 v0;
	v0 =	vmul.f32 $1.442695020e+00, v16;
	v16 =	vsub.f32 v18, v29  }
0x180: {  	(erf) = vpow2.f32 v1;
	v1 =	vmul.f32 $1.442695020e+00, v17;
	v17 =	vsub.f32 v19, v29  }
0x181: {  	(erf) = vpow2.f32 v2;
	v2 =	vmul.f32 $1.442695020e+00, v16;
	v16 =	vsub.f32 v20, v29  }
0x182: {  	(erf) = vpow2.f32 v0;
	v0 =	vmul.f32 $1.442695020e+00, v17;
	v17 =	vsub.f32 v21, v29  }
0x183: {  	(erf) = vpow2.f32 v1;
	v1 =	vmul.f32 $1.442695020e+00, v16;
	v16 =	vsub.f32 v22, v29  }
0x184: {  	(erf) = vpow2.f32 v2;
	v2 =	vmul.f32 $1.442695020e+00, v17;
	v17 =	vsub.f32 v23, v29  }
0x185: {  	(erf) = vpow2.f32 v0;
	v0 =	vmul.f32 $1.442695020e+00, v16;
	v16 =	vsub.f32 v24, v29  }
0x186: {  	(erf) = vpow2.f32 v1;
	v1 =	vmul.f32 $1.442695020e+00, v17;
	v17 =	vsub.f32 v25, v29  }
0x187: {  	(erf) = vpow2.f32 v2;
	v2 =	vmul.f32 $1.442695020e+00, v16;
	v16 =	vsub.f32 v26, v29  }
0x188: {  	v18 =	vpop (erf);
	(erf) = vpow2.f32 v0;
	v0 =	vmul.f32 $1.442695020e+00, v17;
	v17 =	vsub.f32 v27, v29  }
0x189: {  	v19 =	vpop (erf);
	(erf) = vpow2.f32 v1;
	v1 =	vmul.f32 $1.442695020e+00, v16;
	v16 =	vsub.f32 v28, v29;
	_ =	sdelay $0x1  }
0x18a: {  	v20 =	vpop (erf);
	(erf) = vpow2.f32 v2;
	v2 =	vmul.f32 $1.442695020e+00, v17  }
0x18b: {  	v17 =	vpop (erf);
	(erf) = vpow2.f32 v0;
	v0 =	vmul.f32 $1.442695020e+00, v16  }
0x18c: {  	v16 =	vpop (erf);
	(erf) = vpow2.f32 v1  }
0x18d: {  	v1 =	vpop (erf);
	(erf) = vpow2.f32 v2  }
0x18e: {  	v2 =	vpop (erf);
	(erf) = vpow2.f32 v0  }
0x18f: {  	v0 =	vpop (erf)  }
0x190: {  	v21 =	vpop (erf)  }
0x191: {  	v22 =	vpop (erf)  }
0x192: {  	v23 =	vpop (erf)  }
0x193: {  	v24 =	vpop (erf)  }
0x194: {  	v25 =	vpop (erf)  }
0x195: {  	v18 =	vadd.f32 v19, v18;
	v17 =	vadd.f32 v17, v20;
	v19 =	vpop (erf)  }
0x196: {  	v1 =	vadd.f32 v1, v16;
	v0 =	vadd.f32 v0, v2;
	v2 =	vpop (erf)  }
0x197: {  	v16 =	vadd.f32 v22, v21;
	v20 =	vadd.f32 v24, v23;
	v21 =	vpop (erf)  }
0x198: {  	v19 =	vadd.f32 v19, v25;
	v2 =	vadd.f32 v21, v2  }
0x199: {  	v17 =	vadd.f32 v17, v18;
	v0 =	vadd.f32 v0, v1  }
0x19a: {  	v1 =	vadd.f32 v20, v16;
	v2 =	vadd.f32 v2, v19;
	_ =	sdelay $0x1  }
0x19b: {  	v0 =	vadd.f32 v0, v17;
	v1 =	vadd.f32 v2, v1;
	_ =	sdelay $0x1  }
0x19c: {  	v0 =	vadd.f32 v1, v0  }
0x19d: {  	[tilespmem:s25+$0xFFFFFFE0] =	vst v29  }
0x19e: {  	[tilespmem:s25+$0x20] =	vst v0  }
0x19f: {  	v0 =	vld [tilespmem:s29+$0xFFFFFE30]  }
0x1a0: {  	v1 =	vld [tilespmem:s29+$0xFFFFFE70]  }
0x1a1: {  	v2 =	vld [tilespmem:s29+$0xFFFFFEB0]  }
0x1a2: {  	v16 =	vld [tilespmem:s29+$0xFFFFFEF0]  }
0x1a3: {  	v17 =	vld [tilespmem:s29+$0xFFFFFF30]  }
0x1a4: {  	v18 =	vld [tilespmem:s29+$0xFFFFFF70]  }
0x1a5: {  	v19 =	vld [tilespmem:s29+$0xFFFFFFB0]  }
0x1a6: {  	v20 =	vld [tilespmem:s29+$0xFFFFFFF0]  }
0x1a7: {  	v21 =	vld [tilespmem:s29+$0x30]  }
0x1a8: {  	v22 =	vld [tilespmem:s29+$0x70]  }
0x1a9: {  	v23 =	vld [tilespmem:s29+$0xB0]  }
0x1aa: {  	v24 =	vld [tilespmem:s29+$0xF0]  }
0x1ab: {  	v25 =	vld [tilespmem:s29+$0x130];
	v0 =	vadd.f32 v0, v52  }
0x1ac: {  	v26 =	vld [tilespmem:s29+$0x170];
	v1 =	vadd.f32 v1, v3;
	v2 =	vadd.f32 v2, v4  }
0x1ad: {  	v3 =	vadd.f32 v16, v53;
	v16 =	vld [tilespmem:s29+$0x1B0];
	v4 =	vadd.f32 v17, v54  }
0x1ae: {  	v6 =	vadd.f32 v18, v6;
	v17 =	vld [tilespmem:s29+$0x1F0];
	v5 =	vadd.f32 v19, v7  }
0x1af: {  	v7 =	vadd.f32 v20, v10;
	v8 =	vadd.f32 v21, v56  }
0x1b0: {  	v9 =	vadd.f32 v22, v57;
	v10 =	vadd.f32 v23, v58  }
0x1b1: {  	v11 =	vadd.f32 v24, v59;
	v12 =	vadd.f32 v25, v60  }
0x1b2: {  	v13 =	vadd.f32 v26, v13;
	v18 =	vmax.f32 v4, v6;
	v19 =	vmax.f32 v5, v7  }
0x1b3: {  	v20 =	vmax.f32 v8, v9;
	v14 =	vadd.f32 v16, v62;
	v15 =	vadd.f32 v17, v63  }
0x1b4: {  	v21 =	vmax.f32 v10, v11;
	v16 =	vmax.f32 v0, v1;
	v17 =	vmax.f32 v2, v3  }
0x1b5: {  	v22 =	vmax.f32 v12, v13;
	v16 =	vmax.f32 v16, v17;
	v23 =	vmax.f32 v14, v15  }
0x1b6: {  	v17 =	vmax.f32 v18, v19;
	v18 =	vmax.f32 v20, v21;
	v19 =	vmax.f32 v22, v23  }
0x1b7: {  	v16 =	vmax.f32 v16, v17;
	v17 =	vmax.f32 v18, v19  }
0x1b8: {  	v16 =	vmax.f32 v16, v17  }
0x1b9: {  	v0 =	vsub.f32 v0, v16  }
0x1ba: {  	v1 =	vsub.f32 v1, v16;
	v2 =	vsub.f32 v2, v16  }
0x1bb: {  	v3 =	vsub.f32 v3, v16;
	v0 =	vmul.f32 $1.442695020e+00, v0  }
0x1bc: {  	v4 =	vsub.f32 v4, v16;
	v1 =	vmul.f32 $1.442695020e+00, v1;
	v2 =	vmul.f32 $1.442695020e+00, v2  }
0x1bd: {  	(erf) = vpow2.f32 v0;
	v0 =	vmul.f32 $1.442695020e+00, v3;
	v3 =	vsub.f32 v6, v16  }
0x1be: {  	(erf) = vpow2.f32 v1;
	v1 =	vmul.f32 $1.442695020e+00, v4;
	v4 =	vsub.f32 v5, v16  }
0x1bf: {  	(erf) = vpow2.f32 v2;
	v2 =	vmul.f32 $1.442695020e+00, v3;
	v3 =	vsub.f32 v7, v16  }
0x1c0: {  	(erf) = vpow2.f32 v0;
	v0 =	vmul.f32 $1.442695020e+00, v4;
	v4 =	vsub.f32 v8, v16  }
0x1c1: {  	(erf) = vpow2.f32 v1;
	v1 =	vmul.f32 $1.442695020e+00, v3;
	v3 =	vsub.f32 v9, v16  }
0x1c2: {  	(erf) = vpow2.f32 v2;
	v2 =	vmul.f32 $1.442695020e+00, v4;
	v4 =	vsub.f32 v10, v16  }
0x1c3: {  	(erf) = vpow2.f32 v0;
	v0 =	vmul.f32 $1.442695020e+00, v3;
	v3 =	vsub.f32 v11, v16  }
0x1c4: {  	(erf) = vpow2.f32 v1;
	v1 =	vmul.f32 $1.442695020e+00, v4;
	v4 =	vsub.f32 v12, v16  }
0x1c5: {  	(erf) = vpow2.f32 v2;
	v2 =	vmul.f32 $1.442695020e+00, v3;
	v3 =	vsub.f32 v13, v16  }
0x1c6: {  	v5 =	vpop (erf);
	(erf) = vpow2.f32 v0;
	v0 =	vmul.f32 $1.442695020e+00, v4;
	v4 =	vsub.f32 v14, v16  }
0x1c7: {  	v6 =	vpop (erf);
	(erf) = vpow2.f32 v1;
	v1 =	vmul.f32 $1.442695020e+00, v3;
	v3 =	vsub.f32 v15, v16;
	_ =	sdelay $0x1  }
0x1c8: {  	v7 =	vpop (erf);
	(erf) = vpow2.f32 v2;
	v2 =	vmul.f32 $1.442695020e+00, v4  }
0x1c9: {  	v4 =	vpop (erf);
	(erf) = vpow2.f32 v0;
	v0 =	vmul.f32 $1.442695020e+00, v3  }
0x1ca: {  	v3 =	vpop (erf);
	(erf) = vpow2.f32 v1  }
0x1cb: {  	v1 =	vpop (erf);
	(erf) = vpow2.f32 v2  }
0x1cc: {  	v2 =	vpop (erf);
	(erf) = vpow2.f32 v0  }
0x1cd: {  	v0 =	vpop (erf)  }
0x1ce: {  	v8 =	vpop (erf)  }
0x1cf: {  	v9 =	vpop (erf)  }
0x1d0: {  	v10 =	vpop (erf)  }
0x1d1: {  	v11 =	vpop (erf)  }
0x1d2: {  	v12 =	vpop (erf)  }
0x1d3: {  	v5 =	vadd.f32 v6, v5;
	v4 =	vadd.f32 v4, v7;
	v6 =	vpop (erf)  }
0x1d4: {  	v1 =	vadd.f32 v1, v3;
	v0 =	vadd.f32 v0, v2;
	v2 =	vpop (erf)  }
0x1d5: {  	v3 =	vadd.f32 v9, v8;
	v7 =	vadd.f32 v11, v10;
	v8 =	vpop (erf)  }
0x1d6: {  	v6 =	vadd.f32 v6, v12;
	v2 =	vadd.f32 v8, v2  }
0x1d7: {  	v4 =	vadd.f32 v4, v5;
	v0 =	vadd.f32 v0, v1  }
0x1d8: {  	v1 =	vadd.f32 v7, v3;
	v2 =	vadd.f32 v2, v6;
	_ =	sdelay $0x1  }
0x1d9: {  	v0 =	vadd.f32 v0, v4;
	v1 =	vadd.f32 v2, v1;
	_ =	sdelay $0x1  }
0x1da: {  	v0 =	vadd.f32 v1, v0  }
0x1db: {  	[tilespmem:s25+$0xFFFFFFF0] =	vst v16  }
0x1dc: {  	s30 =	sadd.s32 s24, s6;
	p1 =	seq.s32 s23, $0xF;
	[tilespmem:s28+$0x30] =	vst v0  }
0x1dd: {  	[hbm4b:s30+s3] =	stream.linear.scatter [tilespmem:s14], [sflag:$0x3], $0x800, $0x38;
	[tilespmem:$0xD000] =	vst v63  }
0x1de: {  	s26 =	simm.s32 @!p1 $0x80;
	s25 =	sadd.s32 @!p1 $0x200, s24;
	s28 =	simm.s32 @!p1 $0x4000  }
0x1df: {  	[tilespmem:s28], [sflag:$0x1] =	stream.indirect.gather @!p1 [hbm4b:s1+s26], $0x40, s25, s26, $0xb8;
	[tilespmem:$0xD000] =	vst v63  }
0x1e0: {  	s24 =	sadd.s32 @!p1 $0x280, s24;
	s25 =	simm.s32 @!p1 $0x6000  }
0x1e1: {  	[tilespmem:s25], [sflag:$0x1] =	stream.indirect.gather @!p1 [hbm4b:s1+s26], $0x40, s24, s26, $0xb8;
	[tilespmem:$0xD000] =	vst v63  }
0x1e2: {  	_ =	swait.ge [sflag:s15], $0x2000  }
0x1e3: {  	[sflag:s15] =	ssyncset.done $0x0  }
0x1e4: {  	[sflag:s15] =	ssyncadd.s32 $0xFFFFE000  }
0x1e5: {  	_ =	swait.ge [sflag:s15], $0x2000  }
0x1e6: {  	[sflag:s15] =	ssyncset.done $0x0  }
0x1e7: {  	s24 =	simm.s32 @!p0 $0x4;
	[sflag:s15] =	ssyncadd.s32 $0xFFFFE000  }
0x1e8: {  	_ =	swait.ge @!p0 [sflag:s24], $0x800  }
0x1e9: {  	[sflag:s24] =	ssyncset.done @!p0 $0x0  }
0x1ea: {  	s25 =	simm.s32 $0x8200;
	[sflag:s24] =	ssyncadd.s32 @!p0 $0xFFFFF800  }
0x1eb: {  	v0 =	vmov s21;
	v5 =	vld [tilespmem:s25+$0xFFFFFE00]  }
0x1ec: {  	v6 =	vld [tilespmem:s25+$0xFFFFFE40]  }
0x1ed: {  	v7 =	vld [tilespmem:s25+$0xFFFFFE80]  }
0x1ee: {  	v8 =	vld [tilespmem:s25+$0xFFFFFEC0]  }
0x1ef: {  	s31 =	simm.s32 $0x0;
	v9 =	vld [tilespmem:s25+$0xFFFFFF00];
	[tilespmem:$0x1FFB0] =	vst v0  }
0x1f0: {  	v15 =	vld.idx.msk [tilespmem:v0+s31+$0x0 ss:$0x1], $0xffff;
	_ =	sdelay $0x1  }
0x1f1: {  	v11 =	vld [tilespmem:s25+$0xFFFFFF40]  }
0x1f2: {  	v17 =	vld [tilespmem:s25+$0xFFFFFFC0]  }
0x1f3: {  	v18 =	vld [tilespmem:s25+$0x0]  }
0x1f4: {  	v19 =	vld [tilespmem:s25+$0x40];
	v52 =	vbroadcast v15, $0x0;
	v3 =	vbroadcast v15, $0x1  }
0x1f5: {  	v20 =	vld [tilespmem:s25+$0x80];
	v4 =	vbroadcast v15, $0x2;
	v53 =	vbroadcast v15, $0x3  }
0x1f6: {  	v23 =	vld [tilespmem:s25+$0xC0];
	v54 =	vbroadcast v15, $0x4;
	v10 =	vbroadcast v15, $0x7  }
0x1f7: {  	v25 =	vld [tilespmem:s25+$0x100];
	v56 =	vbroadcast v15, $0x8;
	v57 =	vbroadcast v15, $0x9  }
0x1f8: {  	v27 =	vld [tilespmem:s25+$0x140];
	v58 =	vbroadcast v15, $0xA;
	v59 =	vbroadcast v15, $0xB  }
0x1f9: {  	v29 =	vld [tilespmem:s25+$0x180];
	v60 =	vbroadcast v15, $0xC;
	v21 =	vadd.f32 v52, v5;
	v22 =	vadd.f32 v6, v3  }
0x1fa: {  	v48 =	vld [tilespmem:s25+$0x1C0];
	v13 =	vbroadcast v15, $0xD;
	v24 =	vadd.f32 v7, v4;
	v26 =	vadd.f32 v8, v53  }
0x1fb: {  	v14 =	vld [tilespmem:s25+$0xFFFFFF80];
	v62 =	vbroadcast v15, $0xE;
	v28 =	vadd.f32 v9, v54;
	v17 =	vadd.f32 v17, v10  }
0x1fc: {  	v63 =	vbroadcast v15, $0xF;
	v18 =	vadd.f32 v18, v56;
	v19 =	vadd.f32 v19, v57  }
0x1fd: {  	v6 =	vbroadcast v15, $0x5;
	v20 =	vadd.f32 v20, v58;
	v23 =	vadd.f32 v23, v59  }
0x1fe: {  	v7 =	vbroadcast v15, $0x6;
	v25 =	vadd.f32 v25, v60;
	v27 =	vadd.f32 v27, v13  }
0x1ff: {  	v29 =	vadd.f32 v29, v62;
	v31 =	vadd.f32 v48, v63  }
0x200: {  	v30 =	vadd.f32 v11, v6;
	v49 =	vadd.f32 v14, v7  }
0x201: {  	v50 =	vmax.f32 v21, v22;
	v51 =	vmax.f32 v24, v26;
	v37 =	vmax.f32 v18, v19  }
0x202: {  	v38 =	vmax.f32 v20, v23;
	v39 =	vmax.f32 v25, v27;
	v40 =	vmax.f32 v29, v31  }
0x203: {  	v33 =	vmax.f32 v50, v51;
	v55 =	vmax.f32 v28, v30;
	v61 =	vmax.f32 v49, v17  }
0x204: {  	v45 =	vmax.f32 v37, v38;
	v46 =	vmax.f32 v39, v40;
	v44 =	vmax.f32 v55, v61  }
0x205: {  	v47 =	vmax.f32 v45, v46;
	v33 =	vmax.f32 v33, v44  }
0x206: {  	v33 =	vmax.f32 v33, v47  }
0x207: {  	v21 =	vsub.f32 v21, v33  }
0x208: {  	v22 =	vsub.f32 v22, v33;
	v24 =	vsub.f32 v24, v33  }
0x209: {  	v17 =	vsub.f32 v17, v33;
	v21 =	vmul.f32 $1.442695020e+00, v21  }
0x20a: {  	v26 =	vsub.f32 v26, v33;
	v22 =	vmul.f32 $1.442695020e+00, v22;
	v24 =	vmul.f32 $1.442695020e+00, v24  }
0x20b: {  	v28 =	vsub.f32 v28, v33;
	v17 =	vmul.f32 $1.442695020e+00, v17;
	(erf) = vpow2.f32 v21  }
0x20c: {  	v21 =	vmul.f32 $1.442695020e+00, v26;
	v26 =	vsub.f32 v30, v33;
	(erf) = vpow2.f32 v22  }
0x20d: {  	v22 =	vmul.f32 $1.442695020e+00, v28;
	(erf) = vpow2.f32 v24;
	v24 =	vsub.f32 v49, v33  }
0x20e: {  	v18 =	vsub.f32 v18, v33;
	v26 =	vmul.f32 $1.442695020e+00, v26;
	(erf) = vpow2.f32 v21  }
0x20f: {  	v19 =	vsub.f32 v19, v33;
	(erf) = vpow2.f32 v22;
	v21 =	vmul.f32 $1.442695020e+00, v24  }
0x210: {  	v20 =	vsub.f32 v20, v33;
	v18 =	vmul.f32 $1.442695020e+00, v18;
	(erf) = vpow2.f32 v26  }
0x211: {  	v19 =	vmul.f32 $1.442695020e+00, v19;
	(erf) = vpow2.f32 v21;
	v21 =	vsub.f32 v23, v33  }
0x212: {  	v20 =	vmul.f32 $1.442695020e+00, v20;
	(erf) = vpow2.f32 v17;
	v17 =	vsub.f32 v25, v33  }
0x213: {  	v22 =	vsub.f32 v27, v33;
	(erf) = vpow2.f32 v18;
	v21 =	vmul.f32 $1.442695020e+00, v21  }
0x214: {  	v23 =	vsub.f32 v29, v33;
	v18 =	vpop (erf);
	(erf) = vpow2.f32 v19;
	v17 =	vmul.f32 $1.442695020e+00, v17  }
0x215: {  	v24 =	vsub.f32 v31, v33;
	v22 =	vmul.f32 $1.442695020e+00, v22;
	v19 =	vpop (erf);
	(erf) = vpow2.f32 v20  }
0x216: {  	v23 =	vmul.f32 $1.442695020e+00, v23;
	v20 =	vpop (erf);
	(erf) = vpow2.f32 v21  }
0x217: {  	v24 =	vmul.f32 $1.442695020e+00, v24;
	v21 =	vpop (erf);
	(erf) = vpow2.f32 v17  }
0x218: {  	v17 =	vpop (erf);
	(erf) = vpow2.f32 v22  }
0x219: {  	v22 =	vpop (erf);
	(erf) = vpow2.f32 v23  }
0x21a: {  	v23 =	vpop (erf);
	(erf) = vpow2.f32 v24  }
0x21b: {  	v24 =	vpop (erf)  }
0x21c: {  	v25 =	vpop (erf)  }
0x21d: {  	v26 =	vpop (erf)  }
0x21e: {  	v27 =	vpop (erf)  }
0x21f: {  	v28 =	vpop (erf)  }
0x220: {  	v29 =	vpop (erf)  }
0x221: {  	v18 =	vadd.f32 v19, v18;
	v19 =	vadd.f32 v21, v20;
	v20 =	vpop (erf)  }
0x222: {  	v17 =	vadd.f32 v22, v17;
	v21 =	vadd.f32 v24, v23;
	v22 =	vpop (erf)  }
0x223: {  	v23 =	vadd.f32 v26, v25;
	v24 =	vadd.f32 v28, v27;
	v25 =	vpop (erf)  }
0x224: {  	v20 =	vadd.f32 v20, v29;
	v22 =	vadd.f32 v25, v22  }
0x225: {  	v18 =	vadd.f32 v19, v18;
	v17 =	vadd.f32 v21, v17  }
0x226: {  	v19 =	vadd.f32 v24, v23;
	v20 =	vadd.f32 v22, v20;
	_ =	sdelay $0x1  }
0x227: {  	v17 =	vadd.f32 v17, v18;
	v18 =	vadd.f32 v20, v19;
	_ =	sdelay $0x1  }
0x228: {  	s24 =	simm.s32 $0xC840;
	v17 =	vadd.f32 v18, v17  }
0x229: {  	[tilespmem:s24+$0xFFFFFFC0] =	vst v33  }
0x22a: {  	[tilespmem:s24+$0x0] =	vst v17  }
0x22b: {  	v17 =	vld [tilespmem:s25+$0xFFFFFE10]  }
0x22c: {  	v18 =	vld [tilespmem:s25+$0xFFFFFE50]  }
0x22d: {  	v19 =	vld [tilespmem:s25+$0xFFFFFE90]  }
0x22e: {  	v20 =	vld [tilespmem:s25+$0xFFFFFED0]  }
0x22f: {  	v21 =	vld [tilespmem:s25+$0xFFFFFF10]  }
0x230: {  	v22 =	vld [tilespmem:s25+$0xFFFFFF50]  }
0x231: {  	v23 =	vld [tilespmem:s25+$0xFFFFFF90]  }
0x232: {  	v24 =	vld [tilespmem:s25+$0xFFFFFFD0]  }
0x233: {  	v25 =	vld [tilespmem:s25+$0x10]  }
0x234: {  	v26 =	vld [tilespmem:s25+$0x50]  }
0x235: {  	v27 =	vld [tilespmem:s25+$0x90]  }
0x236: {  	v28 =	vld [tilespmem:s25+$0xD0]  }
0x237: {  	v29 =	vld [tilespmem:s25+$0x110];
	v30 =	vadd.f32 v17, v52  }
0x238: {  	v48 =	vld [tilespmem:s25+$0x190];
	v18 =	vadd.f32 v18, v3;
	v19 =	vadd.f32 v19, v4  }
0x239: {  	v49 =	vld [tilespmem:s25+$0x1D0];
	v20 =	vadd.f32 v20, v53;
	v21 =	vadd.f32 v21, v54  }
0x23a: {  	v17 =	vld [tilespmem:s25+$0x150];
	v22 =	vadd.f32 v22, v6;
	v23 =	vadd.f32 v23, v7  }
0x23b: {  	v24 =	vadd.f32 v24, v10;
	v25 =	vadd.f32 v25, v56  }
0x23c: {  	v26 =	vadd.f32 v26, v57;
	v27 =	vadd.f32 v27, v58  }
0x23d: {  	v28 =	vadd.f32 v28, v59;
	v29 =	vadd.f32 v29, v60  }
0x23e: {  	v31 =	vadd.f32 v48, v62;
	v32 =	vadd.f32 v49, v63;
	v50 =	vmax.f32 v19, v20  }
0x23f: {  	v51 =	vmax.f32 v21, v22;
	v55 =	vmax.f32 v23, v24;
	v33 =	vadd.f32 v17, v13  }
0x240: {  	v61 =	vmax.f32 v25, v26;
	v44 =	vmax.f32 v27, v28;
	v46 =	vmax.f32 v31, v32  }
0x241: {  	v47 =	vmax.f32 v51, v55;
	v17 =	vmax.f32 v30, v18;
	v45 =	vmax.f32 v29, v33  }
0x242: {  	v48 =	vmax.f32 v61, v44;
	v17 =	vmax.f32 v17, v50;
	v49 =	vmax.f32 v45, v46  }
0x243: {  	v17 =	vmax.f32 v17, v47;
	v50 =	vmax.f32 v48, v49  }
0x244: {  	v17 =	vmax.f32 v17, v50  }
0x245: {  	v30 =	vsub.f32 v30, v17  }
0x246: {  	v18 =	vsub.f32 v18, v17;
	v19 =	vsub.f32 v19, v17  }
0x247: {  	v20 =	vsub.f32 v20, v17;
	v30 =	vmul.f32 $1.442695020e+00, v30  }
0x248: {  	v21 =	vsub.f32 v21, v17;
	v18 =	vmul.f32 $1.442695020e+00, v18;
	v19 =	vmul.f32 $1.442695020e+00, v19  }
0x249: {  	v22 =	vsub.f32 v22, v17;
	v20 =	vmul.f32 $1.442695020e+00, v20;
	(erf) = vpow2.f32 v30  }
0x24a: {  	(erf) = vpow2.f32 v18;
	v18 =	vmul.f32 $1.442695020e+00, v21;
	v21 =	vsub.f32 v23, v17  }
0x24b: {  	(erf) = vpow2.f32 v19;
	v19 =	vmul.f32 $1.442695020e+00, v22;
	v22 =	vsub.f32 v24, v17  }
0x24c: {  	(erf) = vpow2.f32 v20;
	v20 =	vmul.f32 $1.442695020e+00, v21;
	v21 =	vsub.f32 v25, v17  }
0x24d: {  	(erf) = vpow2.f32 v18;
	v18 =	vmul.f32 $1.442695020e+00, v22;
	v22 =	vsub.f32 v26, v17  }
0x24e: {  	(erf) = vpow2.f32 v19;
	v19 =	vmul.f32 $1.442695020e+00, v21;
	v21 =	vsub.f32 v27, v17  }
0x24f: {  	(erf) = vpow2.f32 v20;
	v20 =	vmul.f32 $1.442695020e+00, v22;
	v22 =	vsub.f32 v28, v17  }
0x250: {  	(erf) = vpow2.f32 v18;
	v18 =	vmul.f32 $1.442695020e+00, v21;
	v21 =	vsub.f32 v29, v17  }
0x251: {  	(erf) = vpow2.f32 v19;
	v19 =	vmul.f32 $1.442695020e+00, v22;
	v22 =	vsub.f32 v33, v17  }
0x252: {  	v23 =	vpop (erf);
	(erf) = vpow2.f32 v20;
	v20 =	vmul.f32 $1.442695020e+00, v21;
	v21 =	vsub.f32 v31, v17  }
0x253: {  	v24 =	vpop (erf);
	(erf) = vpow2.f32 v18;
	v18 =	vmul.f32 $1.442695020e+00, v22;
	v22 =	vsub.f32 v32, v17;
	_ =	sdelay $0x1  }
0x254: {  	v25 =	vpop (erf);
	(erf) = vpow2.f32 v19  }
0x255: {  	v19 =	vmul.f32 $1.442695020e+00, v21;
	v21 =	vpop (erf);
	(erf) = vpow2.f32 v20  }
0x256: {  	v20 =	vmul.f32 $1.442695020e+00, v22;
	v22 =	vpop (erf);
	(erf) = vpow2.f32 v18  }
0x257: {  	v26 =	vpop (erf);
	(erf) = vpow2.f32 v19  }
0x258: {  	v27 =	vpop (erf);
	(erf) = vpow2.f32 v20  }
0x259: {  	v28 =	vpop (erf)  }
0x25a: {  	v29 =	vpop (erf)  }
0x25b: {  	v51 =	vpop (erf)  }
0x25c: {  	v55 =	vpop (erf)  }
0x25d: {  	v61 =	vpop (erf)  }
0x25e: {  	v19 =	vpop (erf)  }
0x25f: {  	v18 =	vadd.f32 v24, v23;
	v20 =	vadd.f32 v21, v25;
	v24 =	vpop (erf)  }
0x260: {  	s23 =	sadd.s32 $0x1, s23;
	v21 =	vadd.f32 v26, v22;
	v22 =	vadd.f32 v28, v27;
	v26 =	vpop (erf)  }
0x261: {  	s29 =	simm.s32 $0x40;
	s28 =	simm.s32 $0x8200;
	s26 =	simm.s32 $0xC840;
	v23 =	vadd.f32 v51, v29;
	v25 =	vadd.f32 v61, v55;
	v27 =	vpop (erf)  }
.LBB2_5:
0x262: {  	v19 =	vadd.f32 v24, v19;
	v24 =	vadd.f32 v27, v26;
	v0 =	vld [tilespmem:$0x1FFB0]  }
0x263: {  	s25 =	sadd.s32 $0x400, s25;
	v18 =	vadd.f32 v20, v18;
	v20 =	vadd.f32 v22, v21  }
0x264: {  	v21 =	vld [tilespmem:s25+$0xFFFFFE00];
	v22 =	vadd.f32 v25, v23;
	v19 =	vadd.f32 v24, v19  }
0x265: {  	v25 =	vld [tilespmem:s25+$0xFFFFFE40]  }
0x266: {  	v26 =	vld [tilespmem:s25+$0xFFFFFE80];
	v18 =	vadd.f32 v20, v18;
	v19 =	vadd.f32 v19, v22  }
0x267: {  	v27 =	vld [tilespmem:s25+$0xFFFFFEC0]  }
0x268: {  	v28 =	vld [tilespmem:s25+$0xFFFFFF00];
	v18 =	vadd.f32 v19, v18  }
0x269: {  	s30 =	sshra.s32 s29, $0x2;
	v29 =	vld [tilespmem:s25+$0xFFFFFF40];
	[tilespmem:s24+$0xFFFFFFD0] =	vst v17  }
0x26a: {  	v31 =	vld.idx.msk [tilespmem:v0+s30+$0x0 ss:$0x1], $0xffff;
	[tilespmem:s24+$0x10] =	vst v18  }
0x26b: {  	v17 =	vld [tilespmem:s28+$0xFFFFFE20]  }
0x26c: {  	v18 =	vld [tilespmem:s28+$0xFFFFFE60]  }
0x26d: {  	v30 =	vld [tilespmem:s28+$0xFFFFFEA0]  }
0x26e: {  	v32 =	vld [tilespmem:s28+$0xFFFFFEE0]  }
0x26f: {  	v33 =	vld [tilespmem:s28+$0xFFFFFF20]  }
0x270: {  	v40 =	vld [tilespmem:s28+$0xFFFFFF60]  }
0x271: {  	v41 =	vld [tilespmem:s28+$0xFFFFFFA0]  }
0x272: {  	v42 =	vld [tilespmem:s28+$0xFFFFFFE0]  }
0x273: {  	v43 =	vld [tilespmem:s28+$0x20]  }
0x274: {  	v44 =	vld [tilespmem:s28+$0x60]  }
0x275: {  	v45 =	vld [tilespmem:s28+$0xA0]  }
0x276: {  	v5 =	vmovc v4;
	v46 =	vld [tilespmem:s28+$0xE0];
	v23 =	vbroadcast v31, $0x0;
	v48 =	vadd.f32 v17, v52;
	v49 =	vadd.f32 v18, v3  }
0x277: {  	v9 =	vmovc v6;
	v11 =	vmovc v7;
	v47 =	vld [tilespmem:s28+$0x120];
	v24 =	vbroadcast v31, $0x1;
	v50 =	vadd.f32 v30, v4;
	v51 =	vadd.f32 v32, v53  }
0x278: {  	v20 =	vbroadcast v31, $0x2;
	v33 =	vadd.f32 v33, v54;
	v4 =	vmovc v3;
	v3 =	vmovc v52;
	v52 =	vadd.f32 v40, v6  }
0x279: {  	v22 =	vbroadcast v31, $0x3;
	v6 =	vmovc v53;
	v53 =	vadd.f32 v41, v7;
	v7 =	vmovc v54;
	v54 =	vadd.f32 v42, v10  }
0x27a: {  	v15 =	vmovc v56;
	v19 =	vbroadcast v31, $0x4;
	v55 =	vadd.f32 v43, v56;
	v56 =	vadd.f32 v44, v57  }
0x27b: {  	[tilespmem:$0x1FF80] =	vst v58;
	v12 =	vmovc v57;
	v18 =	vld [tilespmem:s28+$0x160];
	v32 =	vbroadcast v31, $0x9;
	v57 =	vadd.f32 v45, v58;
	v58 =	vadd.f32 v46, v59  }
0x27c: {  	v14 =	vmovc v59;
	v30 =	vld [tilespmem:s28+$0x1A0];
	v17 =	vbroadcast v31, $0xC;
	v59 =	vadd.f32 v47, v60;
	v39 =	vadd.f32 v23, v21  }
0x27d: {  	v40 =	vld [tilespmem:s28+$0x1E0];
	v37 =	vadd.f32 v25, v24;
	v21 =	vbroadcast v31, $0x5;
	v38 =	vadd.f32 v26, v20  }
0x27e: {  	v2 =	vld [tilespmem:s25+$0xC0];
	v36 =	vadd.f32 v28, v19;
	v25 =	vbroadcast v31, $0x6;
	v28 =	vbroadcast v31, $0x7  }
0x27f: {  	v35 =	vadd.f32 v27, v22;
	v27 =	vbroadcast v31, $0xA;
	v26 =	vbroadcast v31, $0xB  }
0x280: {  	v16 =	vld [tilespmem:s25+$0x80];
	v43 =	vmax.f32 v50, v51;
	v44 =	vmax.f32 v33, v52;
	v46 =	vmax.f32 v53, v54  }
0x281: {  	[tilespmem:$0x1FF90] =	vst v60;
	v42 =	vld [tilespmem:s25+$0xFFFFFFC0];
	v47 =	vmax.f32 v55, v56;
	v34 =	vadd.f32 v29, v21;
	v60 =	vadd.f32 v18, v13  }
0x282: {  	[tilespmem:$0x1FFA0] =	vst v62;
	v41 =	vld [tilespmem:s25+$0xFFFFFF80];
	v29 =	vbroadcast v31, $0x8;
	v61 =	vadd.f32 v30, v62;
	v62 =	vadd.f32 v40, v63  }
0x283: {  	v44 =	vmax.f32 v44, v46;
	v46 =	vadd.f32 v2, v26;
	v30 =	vld [tilespmem:s25+$0x0];
	v40 =	vmax.f32 v48, v49  }
0x284: {  	v8 =	vmovc v63;
	v45 =	vld [tilespmem:s25+$0x40];
	v63 =	vmax.f32 v57, v58;
	v0 =	vmax.f32 v59, v60;
	v1 =	vmax.f32 v61, v62  }
0x285: {  	v43 =	vmax.f32 v40, v43;
	v63 =	vmax.f32 v47, v63;
	v0 =	vmax.f32 v0, v1  }
0x286: {  	v42 =	vadd.f32 v42, v28;
	v43 =	vmax.f32 v43, v44;
	v1 =	vld [tilespmem:s25+$0x100];
	v0 =	vmax.f32 v63, v0  }
0x287: {  	v40 =	vadd.f32 v41, v25;
	v44 =	vadd.f32 v16, v27;
	v47 =	vmax.f32 v43, v0  }
0x288: {  	v18 =	vbroadcast v31, $0xD;
	v41 =	vadd.f32 v30, v29;
	v0 =	vsub.f32 v48, v47  }
0x289: {  	v43 =	vadd.f32 v45, v32;
	v30 =	vbroadcast v31, $0xE;
	v16 =	vsub.f32 v49, v47  }
0x28a: {  	v31 =	vbroadcast v31, $0xF;
	v2 =	vsub.f32 v50, v47;
	v0 =	vmul.f32 $1.442695020e+00, v0  }
0x28b: {  	v45 =	vadd.f32 v1, v17;
	v1 =	vmul.f32 $1.442695020e+00, v16;
	v16 =	vsub.f32 v51, v47  }
0x28c: {  	v33 =	vsub.f32 v33, v47;
	v2 =	vmul.f32 $1.442695020e+00, v2;
	(erf) = vpow2.f32 v0  }
0x28d: {  	v0 =	vmul.f32 $1.442695020e+00, v16;
	v16 =	vsub.f32 v52, v47;
	(erf) = vpow2.f32 v1  }
0x28e: {  	v53 =	vsub.f32 v53, v47;
	v1 =	vmul.f32 $1.442695020e+00, v33;
	(erf) = vpow2.f32 v2  }
0x28f: {  	v2 =	vmul.f32 $1.442695020e+00, v16;
	v16 =	vsub.f32 v54, v47;
	(erf) = vpow2.f32 v0  }
0x290: {  	v55 =	vsub.f32 v55, v47;
	v0 =	vmul.f32 $1.442695020e+00, v53;
	(erf) = vpow2.f32 v1  }
0x291: {  	v1 =	vmul.f32 $1.442695020e+00, v16;
	v16 =	vsub.f32 v56, v47;
	(erf) = vpow2.f32 v2  }
0x292: {  	v56 =	vsub.f32 v57, v47;
	v2 =	vmul.f32 $1.442695020e+00, v55;
	(erf) = vpow2.f32 v0  }
0x293: {  	v57 =	vsub.f32 v58, v47;
	v16 =	vmul.f32 $1.442695020e+00, v16;
	(erf) = vpow2.f32 v1;
	v1 =	vld [tilespmem:s25+$0x180]  }
0x294: {  	v58 =	vsub.f32 v59, v47;
	v33 =	vmul.f32 $1.442695020e+00, v56;
	(erf) = vpow2.f32 v2;
	v2 =	vld [tilespmem:s25+$0x1C0]  }
0x295: {  	v59 =	vsub.f32 v60, v47;
	v48 =	vmul.f32 $1.442695020e+00, v57;
	v51 =	vpop (erf);
	(erf) = vpow2.f32 v16  }
0x296: {  	v60 =	vsub.f32 v61, v47;
	v0 =	vld [tilespmem:s25+$0x140];
	v16 =	vmul.f32 $1.442695020e+00, v58;
	v52 =	vpop (erf);
	(erf) = vpow2.f32 v33  }
0x297: {  	v62 =	vsub.f32 v62, v47;
	v61 =	vmul.f32 $1.442695020e+00, v59;
	v53 =	vpop (erf);
	(erf) = vpow2.f32 v48  }
0x298: {  	v63 =	vmul.f32 $1.442695020e+00, v60;
	v49 =	vpop (erf);
	(erf) = vpow2.f32 v16;
	v1 =	vadd.f32 v1, v30  }
0x299: {  	v16 =	vmul.f32 $1.442695020e+00, v62;
	v50 =	vpop (erf);
	(erf) = vpow2.f32 v61;
	v2 =	vadd.f32 v2, v31  }
0x29a: {  	v55 =	vmax.f32 v36, v34;
	v48 =	vmax.f32 v38, v35;
	v54 =	vpop (erf);
	(erf) = vpow2.f32 v63  }
0x29b: {  	v0 =	vadd.f32 v0, v18;
	v56 =	vpop (erf);
	(erf) = vpow2.f32 v16;
	v58 =	vmax.f32 v1, v2  }
0x29c: {  	v33 =	vmax.f32 v39, v37;
	v63 =	vmax.f32 v44, v46;
	v16 =	vmax.f32 v40, v42;
	v59 =	vpop (erf)  }
0x29d: {  	v33 =	vmax.f32 v33, v48;
	v60 =	vmax.f32 v45, v0;
	v16 =	vmax.f32 v55, v16;
	v48 =	vpop (erf)  }
0x29e: {  	v57 =	vmax.f32 v41, v43;
	v55 =	vmax.f32 v60, v58;
	v58 =	vpop (erf)  }
0x29f: {  	v62 =	vmax.f32 v57, v63;
	v60 =	vmax.f32 v33, v16;
	v63 =	vpop (erf)  }
0x2a0: {  	v62 =	vmax.f32 v62, v55;
	v16 =	vpop (erf)  }
0x2a1: {  	v51 =	vadd.f32 v52, v51;
	v49 =	vadd.f32 v49, v53;
	v57 =	vpop (erf)  }
0x2a2: {  	v50 =	vadd.f32 v54, v50;
	v33 =	vmax.f32 v60, v62;
	v60 =	vpop (erf)  }
0x2a3: {  	v49 =	vadd.f32 v49, v51;
	v61 =	vadd.f32 v59, v56;
	v62 =	vpop (erf)  }
0x2a4: {  	v48 =	vadd.f32 v58, v48;
	v16 =	vadd.f32 v16, v63;
	v63 =	vpop (erf)  }
0x2a5: {  	v52 =	vadd.f32 v60, v57;
	v54 =	vadd.f32 v63, v62  }
0x2a6: {  	v39 =	vsub.f32 v39, v33;
	v50 =	vadd.f32 v61, v50  }
0x2a7: {  	v16 =	vadd.f32 v16, v48;
	v55 =	vadd.f32 v54, v52  }
0x2a8: {  	v37 =	vsub.f32 v37, v33;
	v38 =	vsub.f32 v38, v33  }
0x2a9: {  	v39 =	vmul.f32 $1.442695020e+00, v39;
	v49 =	vadd.f32 v50, v49;
	v16 =	vadd.f32 v55, v16  }
0x2aa: {  	v35 =	vsub.f32 v35, v33;
	v36 =	vsub.f32 v36, v33;
	v37 =	vmul.f32 $1.442695020e+00, v37  }
0x2ab: {  	v38 =	vmul.f32 $1.442695020e+00, v38;
	(erf) = vpow2.f32 v39;
	v16 =	vadd.f32 v16, v49  }
0x2ac: {  	[tilespmem:s24+$0xFFFFFFE0] =	vst v47;
	v34 =	vsub.f32 v34, v33;
	v35 =	vmul.f32 $1.442695020e+00, v35;
	(erf) = vpow2.f32 v37  }
0x2ad: {  	v36 =	vmul.f32 $1.442695020e+00, v36;
	(erf) = vpow2.f32 v38;
	[tilespmem:s24+$0x20] =	vst v16  }
0x2ae: {  	(erf) = vpow2.f32 v35;
	v16 =	vmul.f32 $1.442695020e+00, v34;
	v34 =	vld [tilespmem:s28+$0xFFFFFE30]  }
0x2af: {  	(erf) = vpow2.f32 v36;
	v35 =	vld [tilespmem:s28+$0xFFFFFE70]  }
0x2b0: {  	v38 =	vld [tilespmem:s28+$0xFFFFFEF0];
	(erf) = vpow2.f32 v16  }
0x2b1: {  	v58 =	vsub.f32 v41, v33;
	v41 =	vld [tilespmem:s28+$0xFFFFFF30]  }
0x2b2: {  	v56 =	vsub.f32 v40, v33;
	v60 =	vsub.f32 v44, v33;
	v44 =	vld [tilespmem:s28+$0xFFFFFF70]  }
0x2b3: {  	v59 =	vsub.f32 v43, v33;
	v57 =	vsub.f32 v42, v33;
	v47 =	vld [tilespmem:s28+$0xFFFFFFB0]  }
0x2b4: {  	v61 =	vsub.f32 v46, v33;
	v62 =	vpop (erf);
	v49 =	vld [tilespmem:s28+$0xFFFFFFF0]  }
0x2b5: {  	v45 =	vsub.f32 v45, v33;
	v40 =	vmul.f32 $1.442695020e+00, v59;
	v36 =	vmul.f32 $1.442695020e+00, v56;
	v63 =	vpop (erf);
	v16 =	vld [tilespmem:s28+$0xFFFFFEB0]  }
0x2b6: {  	v0 =	vsub.f32 v0, v33;
	v43 =	vmul.f32 $1.442695020e+00, v61;
	v37 =	vmul.f32 $1.442695020e+00, v57;
	v51 =	vld [tilespmem:s28+$0x30];
	v56 =	vpop (erf)  }
0x2b7: {  	v1 =	vsub.f32 v1, v33;
	v39 =	vmul.f32 $1.442695020e+00, v58;
	v58 =	vld [tilespmem:s28+$0x70];
	v57 =	vpop (erf);
	(erf) = vpow2.f32 v36  }
0x2b8: {  	v2 =	vsub.f32 v2, v33;
	v45 =	vmul.f32 $1.442695020e+00, v45;
	v61 =	vld [tilespmem:s28+$0xF0];
	v59 =	vpop (erf);
	(erf) = vpow2.f32 v37  }
0x2b9: {  	v42 =	vmul.f32 $1.442695020e+00, v60;
	v46 =	vadd.f32 v63, v62;
	v62 =	vld [tilespmem:s28+$0x130];
	v60 =	vpop (erf);
	(erf) = vpow2.f32 v39  }
0x2ba: {  	v0 =	vmul.f32 $1.442695020e+00, v0;
	v16 =	vadd.f32 v16, v5;
	v5 =	vld [tilespmem:$0x1FF90];
	(erf) = vpow2.f32 v40  }
0x2bb: {  	v1 =	vmul.f32 $1.442695020e+00, v1;
	v63 =	vld [tilespmem:s28+$0x170];
	(erf) = vpow2.f32 v42  }
0x2bc: {  	v2 =	vmul.f32 $1.442695020e+00, v2;
	v37 =	vld [tilespmem:s28+$0xB0];
	v50 =	vadd.f32 v57, v56;
	(erf) = vpow2.f32 v43  }
0x2bd: {  	v53 =	vmovc v22;
	v52 =	vmovc v23;
	v34 =	vadd.f32 v34, v3;
	v22 =	vadd.f32 v44, v9;
	v44 =	vld [tilespmem:s28+$0x1F0];
	(erf) = vpow2.f32 v45  }
0x2be: {  	v54 =	vmovc v19;
	v35 =	vadd.f32 v35, v4;
	v3 =	vmovc v24;
	v23 =	vadd.f32 v38, v6;
	v24 =	vld [tilespmem:s28+$0x1B0];
	(erf) = vpow2.f32 v0  }
0x2bf: {  	v57 =	vmovc v32;
	v4 =	vmovc v20;
	v20 =	vadd.f32 v41, v7;
	v32 =	vadd.f32 v62, v5;
	v5 =	vld [tilespmem:$0x1FFA0];
	(erf) = vpow2.f32 v1  }
0x2c0: {  	v19 =	vadd.f32 v49, v10;
	v7 =	vmov v25;
	v25 =	vpop (erf);
	(erf) = vpow2.f32 v2;
	v2 =	vld [tilespmem:$0x1FF80]  }
0x2c1: {  	v56 =	vmovc v29;
	v6 =	vmovc v21;
	v10 =	vmov v28;
	v21 =	vadd.f32 v58, v12;
	v28 =	vadd.f32 v61, v14  }
0x2c2: {  	v58 =	vmov v27;
	v27 =	vadd.f32 v44, v8;
	v48 =	vadd.f32 v60, v59;
	v29 =	vpop (erf)  }
0x2c3: {  	v14 =	vmax.f32 v34, v35;
	v25 =	vadd.f32 v29, v25;
	v45 =	vadd.f32 v63, v13  }
0x2c4: {  	v59 =	vmovc v26;
	v26 =	vmax.f32 v20, v22;
	v0 =	vadd.f32 v47, v11;
	v1 =	vadd.f32 v51, v15  }
0x2c5: {  	v24 =	vadd.f32 v24, v5;
	v15 =	vmax.f32 v16, v23;
	v2 =	vadd.f32 v37, v2  }
0x2c6: {  	v42 =	vmax.f32 v32, v45;
	v49 =	vmax.f32 v0, v19;
	v14 =	vmax.f32 v14, v15;
	v12 =	vpop (erf)  }
0x2c7: {  	v51 =	vmax.f32 v1, v21;
	v61 =	vmax.f32 v24, v27;
	v13 =	vpop (erf);
	v55 =	vmax.f32 v2, v28  }
0x2c8: {  	v26 =	vmax.f32 v26, v49;
	v63 =	vmax.f32 v42, v61;
	v47 =	vpop (erf);
	v62 =	vmax.f32 v51, v55  }
0x2c9: {  	v5 =	vmax.f32 v14, v26;
	v60 =	vpop (erf);
	v26 =	vmax.f32 v62, v63  }
0x2ca: {  	v25 =	vadd.f32 v25, v48;
	v40 =	vadd.f32 v13, v12;
	v15 =	vpop (erf);
	v26 =	vmax.f32 v5, v26  }
0x2cb: {  	v37 =	vadd.f32 v60, v47;
	v29 =	vpop (erf);
	v34 =	vsub.f32 v34, v26  }
0x2cc: {  	v13 =	vpop (erf);
	v29 =	vadd.f32 v29, v15;
	v35 =	vsub.f32 v35, v26  }
0x2cd: {  	v8 =	vadd.f32 v37, v40;
	v14 =	vpop (erf);
	v16 =	vsub.f32 v16, v26;
	v41 =	vmul.f32 $1.442695020e+00, v34  }
0x2ce: {  	v60 =	vmovc v17;
	v17 =	vadd.f32 v14, v13;
	v23 =	vsub.f32 v23, v26;
	v42 =	vmul.f32 $1.442695020e+00, v35  }
0x2cf: {  	v20 =	vsub.f32 v20, v26;
	v16 =	vmul.f32 $1.442695020e+00, v16;
	(erf) = vpow2.f32 v41  }
0x2d0: {  	v22 =	vsub.f32 v22, v26;
	v23 =	vmul.f32 $1.442695020e+00, v23;
	(erf) = vpow2.f32 v42  }
0x2d1: {  	v0 =	vsub.f32 v0, v26;
	v20 =	vmul.f32 $1.442695020e+00, v20;
	(erf) = vpow2.f32 v16  }
0x2d2: {  	v19 =	vsub.f32 v19, v26;
	v16 =	vmul.f32 $1.442695020e+00, v22;
	(erf) = vpow2.f32 v23  }
0x2d3: {  	v1 =	vsub.f32 v1, v26;
	v0 =	vmul.f32 $1.442695020e+00, v0;
	(erf) = vpow2.f32 v20  }
0x2d4: {  	v19 =	vmul.f32 $1.442695020e+00, v19;
	v20 =	vsub.f32 v21, v26;
	(erf) = vpow2.f32 v16  }
0x2d5: {  	v2 =	vsub.f32 v2, v26;
	v1 =	vmul.f32 $1.442695020e+00, v1;
	(erf) = vpow2.f32 v0  }
0x2d6: {  	v16 =	vsub.f32 v28, v26;
	v0 =	vmul.f32 $1.442695020e+00, v20;
	(erf) = vpow2.f32 v19  }
0x2d7: {  	v13 =	vmovc v18;
	v2 =	vmul.f32 $1.442695020e+00, v2;
	v19 =	vsub.f32 v32, v26;
	(erf) = vpow2.f32 v1  }
0x2d8: {  	v1 =	vmul.f32 $1.442695020e+00, v16;
	v16 =	vsub.f32 v45, v26;
	v20 =	vpop (erf);
	(erf) = vpow2.f32 v0  }
0x2d9: {  	v0 =	vmul.f32 $1.442695020e+00, v19;
	v19 =	vsub.f32 v24, v26;
	v21 =	vpop (erf);
	(erf) = vpow2.f32 v2  }
0x2da: {  	v5 =	vmul.f32 $1.442695020e+00, v16;
	v16 =	vsub.f32 v27, v26;
	v22 =	vpop (erf);
	(erf) = vpow2.f32 v1  }
0x2db: {  	v18 =	vadd.f32 v50, v46;
	v19 =	vmul.f32 $1.442695020e+00, v19;
	v23 =	vpop (erf);
	(erf) = vpow2.f32 v0  }
0x2dc: {  	v0 =	vadd.f32 v17, v29;
	v9 =	vmul.f32 $1.442695020e+00, v16;
	v17 =	vpop (erf);
	(erf) = vpow2.f32 v5  }
0x2dd: {  	v2 =	vpop (erf);
	(erf) = vpow2.f32 v19  }
0x2de: {  	v5 =	vadd.f32 v25, v18;
	v0 =	vadd.f32 v0, v8;
	v1 =	vpop (erf);
	(erf) = vpow2.f32 v9  }
0x2df: {  	v16 =	vpop (erf)  }
0x2e0: {  	[tilespmem:s24+$0xFFFFFFF0] =	vst v26;
	s24 =	sadd.s32 $0x80, s24;
	v5 =	vadd.f32 v0, v5;
	v18 =	vpop (erf)  }
0x2e1: {  	[tilespmem:s24+$0xFFFFFFC0] =	vst v33;
	v19 =	vpop (erf)  }
0x2e2: {  	[tilespmem:s24+$0x0] =	vst v5;
	v0 =	vpop (erf)  }
0x2e3: {  	v24 =	vld [tilespmem:s25+$0xFFFFFE10];
	v25 =	vpop (erf)  }
0x2e4: {  	v20 =	vadd.f32 v21, v20;
	v21 =	vadd.f32 v23, v22;
	v26 =	vld [tilespmem:s25+$0xFFFFFE50];
	v27 =	vpop (erf)  }
0x2e5: {  	v2 =	vadd.f32 v2, v17;
	v1 =	vadd.f32 v16, v1;
	v28 =	vld [tilespmem:s25+$0xFFFFFE90];
	v22 =	vpop (erf)  }
0x2e6: {  	v23 =	vld [tilespmem:s25+$0xFFFFFED0];
	v18 =	vadd.f32 v19, v18;
	v16 =	vpop (erf)  }
0x2e7: {  	v17 =	vld [tilespmem:s25+$0xFFFFFF10];
	v1 =	vadd.f32 v1, v2;
	v0 =	vadd.f32 v25, v0;
	v19 =	vpop (erf)  }
0x2e8: {  	v2 =	vld [tilespmem:s25+$0xFFFFFFD0];
	v22 =	vadd.f32 v22, v27;
	v16 =	vadd.f32 v19, v16  }
0x2e9: {  	v20 =	vadd.f32 v21, v20;
	v21 =	vld [tilespmem:s25+$0x50]  }
0x2ea: {  	v25 =	vld [tilespmem:s25+$0xFFFFFF50];
	v0 =	vadd.f32 v0, v18;
	v16 =	vadd.f32 v16, v22  }
0x2eb: {  	v1 =	vadd.f32 v1, v20;
	v20 =	vld [tilespmem:s25+$0xD0]  }
0x2ec: {  	v18 =	vld [tilespmem:s25+$0x10];
	v0 =	vadd.f32 v16, v0  }
0x2ed: {  	v19 =	vld [tilespmem:s25+$0xFFFFFF90];
	v22 =	vadd.f32 v24, v52  }
0x2ee: {  	v24 =	vadd.f32 v26, v3;
	v26 =	vld [tilespmem:s25+$0x150];
	v0 =	vadd.f32 v0, v1  }
0x2ef: {  	v16 =	vld [tilespmem:s25+$0x90]  }
0x2f0: {  	v1 =	vld [tilespmem:s25+$0x110];
	[tilespmem:s26+$0x30] =	vst v0  }
0x2f1: {  	v23 =	vadd.f32 v23, v53;
	v2 =	vadd.f32 v2, v10;
	v27 =	vld [tilespmem:s25+$0x190]  }
0x2f2: {  	v0 =	vadd.f32 v28, v4;
	v28 =	vadd.f32 v17, v54;
	v17 =	vld [tilespmem:s25+$0x1D0]  }
0x2f3: {  	v21 =	vadd.f32 v21, v57;
	v18 =	vadd.f32 v18, v56  }
0x2f4: {  	v25 =	vadd.f32 v25, v6;
	v19 =	vadd.f32 v19, v7  }
0x2f5: {  	v63 =	vmovc v31;
	v20 =	vadd.f32 v20, v59;
	v46 =	vmax.f32 v18, v21;
	v26 =	vadd.f32 v26, v13  }
0x2f6: {  	v62 =	vmovc v30;
	v45 =	vmax.f32 v19, v2;
	v16 =	vadd.f32 v16, v58;
	v1 =	vadd.f32 v1, v60  }
0x2f7: {  	v44 =	vmax.f32 v28, v25;
	v27 =	vadd.f32 v27, v62;
	v29 =	vadd.f32 v17, v63  }
0x2f8: {  	v43 =	vmax.f32 v0, v23;
	v47 =	vmax.f32 v16, v20;
	v50 =	vmax.f32 v44, v45  }
0x2f9: {  	v48 =	vmax.f32 v1, v26;
	v17 =	vmax.f32 v22, v24;
	v49 =	vmax.f32 v27, v29  }
0x2fa: {  	v51 =	vmax.f32 v46, v47;
	v17 =	vmax.f32 v17, v43;
	v55 =	vmax.f32 v48, v49  }
0x2fb: {  	v17 =	vmax.f32 v17, v50;
	v61 =	vmax.f32 v51, v55  }
0x2fc: {  	v17 =	vmax.f32 v17, v61  }
0x2fd: {  	v22 =	vsub.f32 v22, v17  }
0x2fe: {  	v24 =	vsub.f32 v24, v17  }
0x2ff: {  	v0 =	vsub.f32 v0, v17;
	v22 =	vmul.f32 $1.442695020e+00, v22  }
0x300: {  	v23 =	vsub.f32 v23, v17;
	v24 =	vmul.f32 $1.442695020e+00, v24  }
0x301: {  	v28 =	vsub.f32 v28, v17;
	v0 =	vmul.f32 $1.442695020e+00, v0;
	(erf) = vpow2.f32 v22  }
0x302: {  	v22 =	vmul.f32 $1.442695020e+00, v23;
	v23 =	vsub.f32 v25, v17;
	(erf) = vpow2.f32 v24  }
0x303: {  	v19 =	vsub.f32 v19, v17;
	v24 =	vmul.f32 $1.442695020e+00, v28;
	(erf) = vpow2.f32 v0  }
0x304: {  	v2 =	vsub.f32 v2, v17;
	v0 =	vmul.f32 $1.442695020e+00, v23;
	(erf) = vpow2.f32 v22  }
0x305: {  	v18 =	vsub.f32 v18, v17;
	v19 =	vmul.f32 $1.442695020e+00, v19;
	(erf) = vpow2.f32 v24  }
0x306: {  	v21 =	vsub.f32 v21, v17;
	v2 =	vmul.f32 $1.442695020e+00, v2;
	(erf) = vpow2.f32 v0  }
0x307: {  	v16 =	vsub.f32 v16, v17;
	v0 =	vmul.f32 $1.442695020e+00, v18;
	(erf) = vpow2.f32 v19  }
0x308: {  	v18 =	vmul.f32 $1.442695020e+00, v21;
	v19 =	vsub.f32 v20, v17;
	(erf) = vpow2.f32 v2  }
0x309: {  	v1 =	vsub.f32 v1, v17;
	v2 =	vmul.f32 $1.442695020e+00, v16;
	(erf) = vpow2.f32 v0  }
0x30a: {  	v16 =	vsub.f32 v26, v17;
	v0 =	vmul.f32 $1.442695020e+00, v19;
	v20 =	vpop (erf);
	(erf) = vpow2.f32 v18  }
0x30b: {  	v1 =	vmul.f32 $1.442695020e+00, v1;
	v18 =	vsub.f32 v27, v17;
	v21 =	vpop (erf);
	(erf) = vpow2.f32 v2  }
0x30c: {  	v5 =	vsub.f32 v29, v17;
	v8 =	vmul.f32 $1.442695020e+00, v16;
	v22 =	vpop (erf);
	(erf) = vpow2.f32 v0  }
0x30d: {  	v9 =	vmul.f32 $1.442695020e+00, v18;
	v23 =	vpop (erf);
	(erf) = vpow2.f32 v1  }
0x30e: {  	v5 =	vmul.f32 $1.442695020e+00, v5;
	v16 =	vpop (erf);
	(erf) = vpow2.f32 v8  }
0x30f: {  	v2 =	vpop (erf);
	(erf) = vpow2.f32 v9  }
0x310: {  	v0 =	vpop (erf);
	(erf) = vpow2.f32 v5  }
0x311: {  	v1 =	vpop (erf)  }
0x312: {  	v25 =	vpop (erf)  }
0x313: {  	v27 =	vpop (erf)  }
0x314: {  	p0 =	sne.s32 s29, $0x3C0;
	v28 =	vpop (erf)  }
.Ltmp1:
0x315: {  	v29 =	vpop (erf);
	(pc) =	sbr.rel @p0 .LBB2_5-.Ltmp1, $4  }
0x316: {  	v19 =	vpop (erf)  }
0x317: {  	v18 =	vadd.f32 v21, v20;
	v20 =	vadd.f32 v23, v22;
	v24 =	vpop (erf)  }
0x318: {  	v21 =	vadd.f32 v2, v16;
	v22 =	vadd.f32 v1, v0;
	v26 =	vpop (erf)  }
0x319: {  	s29 =	sadd.s32 $0x40, s29;
	s28 =	smov.u32 s25;
	s26 =	smov.u32 s24;
	v23 =	vadd.f32 v27, v25;
	v25 =	vadd.f32 v29, v28;
	v27 =	vpop (erf)  }
0x31a: {  	v0 =	vadd.f32 v24, v19;
	v1 =	vadd.f32 v27, v26  }
0x31b: {  	v2 =	vadd.f32 v20, v18;
	v16 =	vadd.f32 v22, v21  }
0x31c: {  	v35 =	vadd.f32 v25, v23;
	v0 =	vadd.f32 v1, v0;
	_ =	sdelay $0x1  }
0x31d: {  	v36 =	vadd.f32 v16, v2;
	v0 =	vadd.f32 v0, v35;
	_ =	sdelay $0x1  }
0x31e: {  	v0 =	vadd.f32 v0, v36  }
0x31f: {  	[tilespmem:s24+$0xFFFFFFD0] =	vst v17  }
0x320: {  	[tilespmem:s24+$0x10] =	vst v0  }
0x321: {  	v0 =	vld [tilespmem:s28+$0xFFFFFE20]  }
0x322: {  	v37 =	vld [tilespmem:s28+$0xFFFFFE60]  }
0x323: {  	v38 =	vld [tilespmem:s28+$0xFFFFFEA0]  }
0x324: {  	v39 =	vld [tilespmem:s28+$0xFFFFFEE0]  }
0x325: {  	v17 =	vld [tilespmem:s28+$0xFFFFFF20]  }
0x326: {  	v40 =	vld [tilespmem:s28+$0xFFFFFF60]  }
0x327: {  	v41 =	vld [tilespmem:s28+$0xFFFFFFA0]  }
0x328: {  	v42 =	vld [tilespmem:s28+$0xFFFFFFE0]  }
0x329: {  	v43 =	vld [tilespmem:s28+$0x20]  }
0x32a: {  	v44 =	vld [tilespmem:s28+$0x60]  }
0x32b: {  	v45 =	vld [tilespmem:s28+$0xA0]  }
0x32c: {  	v46 =	vld [tilespmem:s28+$0xE0]  }
0x32d: {  	v47 =	vld [tilespmem:s28+$0x120]  }
0x32e: {  	v48 =	vld [tilespmem:s28+$0x160];
	v0 =	vadd.f32 v0, v52;
	v1 =	vadd.f32 v37, v3  }
0x32f: {  	v49 =	vld [tilespmem:s28+$0x1A0];
	v2 =	vadd.f32 v38, v4;
	v16 =	vadd.f32 v39, v53  }
0x330: {  	v28 =	vld [tilespmem:s28+$0x1E0];
	v17 =	vadd.f32 v17, v54;
	v18 =	vadd.f32 v40, v6  }
0x331: {  	v19 =	vadd.f32 v41, v7;
	v20 =	vadd.f32 v42, v10  }
0x332: {  	v21 =	vadd.f32 v43, v56;
	v22 =	vadd.f32 v44, v57  }
0x333: {  	v23 =	vadd.f32 v45, v58;
	v24 =	vadd.f32 v46, v59  }
0x334: {  	v25 =	vadd.f32 v47, v60;
	v26 =	vadd.f32 v48, v13  }
0x335: {  	v27 =	vadd.f32 v49, v62;
	v28 =	vadd.f32 v28, v63  }
0x336: {  	v29 =	vmax.f32 v0, v1;
	v30 =	vmax.f32 v2, v16;
	v31 =	vmax.f32 v17, v18  }
0x337: {  	v32 =	vmax.f32 v19, v20;
	v33 =	vmax.f32 v21, v22;
	v34 =	vmax.f32 v23, v24  }
0x338: {  	v35 =	vmax.f32 v25, v26;
	v36 =	vmax.f32 v27, v28;
	v29 =	vmax.f32 v29, v30  }
0x339: {  	v50 =	vmax.f32 v31, v32;
	v51 =	vmax.f32 v33, v34;
	v55 =	vmax.f32 v35, v36  }
0x33a: {  	v29 =	vmax.f32 v29, v50;
	v61 =	vmax.f32 v51, v55  }
0x33b: {  	v29 =	vmax.f32 v29, v61  }
0x33c: {  	v0 =	vsub.f32 v0, v29  }
0x33d: {  	v1 =	vsub.f32 v1, v29  }
0x33e: {  	v2 =	vsub.f32 v2, v29;
	v0 =	vmul.f32 $1.442695020e+00, v0  }
0x33f: {  	v16 =	vsub.f32 v16, v29;
	v1 =	vmul.f32 $1.442695020e+00, v1  }
0x340: {  	v17 =	vsub.f32 v17, v29;
	v2 =	vmul.f32 $1.442695020e+00, v2;
	(erf) = vpow2.f32 v0  }
0x341: {  	v8 =	vsub.f32 v18, v29;
	v5 =	vmul.f32 $1.442695020e+00, v16;
	(erf) = vpow2.f32 v1  }
0x342: {  	v11 =	vsub.f32 v19, v29;
	v9 =	vmul.f32 $1.442695020e+00, v17;
	(erf) = vpow2.f32 v2  }
0x343: {  	v14 =	vsub.f32 v20, v29;
	v12 =	vmul.f32 $1.442695020e+00, v8;
	(erf) = vpow2.f32 v5  }
0x344: {  	v30 =	vsub.f32 v21, v29;
	v20 =	vmul.f32 $1.442695020e+00, v11;
	(erf) = vpow2.f32 v9  }
0x345: {  	v32 =	vsub.f32 v22, v29;
	v31 =	vmul.f32 $1.442695020e+00, v14;
	(erf) = vpow2.f32 v12  }
0x346: {  	v34 =	vsub.f32 v23, v29;
	v33 =	vmul.f32 $1.442695020e+00, v30;
	(erf) = vpow2.f32 v20  }
0x347: {  	v36 =	vsub.f32 v24, v29;
	v35 =	vmul.f32 $1.442695020e+00, v32;
	(erf) = vpow2.f32 v31  }
0x348: {  	v38 =	vsub.f32 v25, v29;
	v37 =	vmul.f32 $1.442695020e+00, v34;
	(erf) = vpow2.f32 v33  }
0x349: {  	v40 =	vsub.f32 v26, v29;
	v39 =	vmul.f32 $1.442695020e+00, v36;
	v41 =	vpop (erf);
	(erf) = vpow2.f32 v35  }
0x34a: {  	v43 =	vsub.f32 v27, v29;
	v42 =	vmul.f32 $1.442695020e+00, v38;
	v44 =	vpop (erf);
	(erf) = vpow2.f32 v37  }
0x34b: {  	v46 =	vsub.f32 v28, v29;
	v45 =	vmul.f32 $1.442695020e+00, v40;
	v47 =	vpop (erf);
	(erf) = vpow2.f32 v39  }
0x34c: {  	v48 =	vmul.f32 $1.442695020e+00, v43;
	v49 =	vpop (erf);
	(erf) = vpow2.f32 v42  }
0x34d: {  	v50 =	vmul.f32 $1.442695020e+00, v46;
	v51 =	vpop (erf);
	(erf) = vpow2.f32 v45  }
0x34e: {  	v55 =	vpop (erf);
	(erf) = vpow2.f32 v48  }
0x34f: {  	v61 =	vpop (erf);
	(erf) = vpow2.f32 v50  }
0x350: {  	v5 =	vpop (erf)  }
0x351: {  	v8 =	vpop (erf)  }
0x352: {  	v9 =	vpop (erf)  }
0x353: {  	v11 =	vpop (erf)  }
0x354: {  	v12 =	vpop (erf)  }
0x355: {  	v14 =	vpop (erf)  }
0x356: {  	v18 =	vadd.f32 v44, v41;
	v17 =	vadd.f32 v49, v47;
	v27 =	vpop (erf)  }
0x357: {  	v1 =	vadd.f32 v55, v51;
	v0 =	vadd.f32 v5, v61;
	v28 =	vpop (erf)  }
0x358: {  	v30 =	vadd.f32 v9, v8;
	v31 =	vadd.f32 v12, v11;
	v32 =	vpop (erf)  }
0x359: {  	v19 =	vadd.f32 v27, v14;
	v2 =	vadd.f32 v32, v28  }
0x35a: {  	v17 =	vadd.f32 v17, v18;
	v0 =	vadd.f32 v0, v1  }
0x35b: {  	v33 =	vadd.f32 v31, v30;
	v2 =	vadd.f32 v2, v19;
	_ =	sdelay $0x1  }
0x35c: {  	v0 =	vadd.f32 v0, v17;
	v1 =	vadd.f32 v2, v33;
	_ =	sdelay $0x1  }
0x35d: {  	v0 =	vadd.f32 v1, v0  }
0x35e: {  	[tilespmem:s24+$0xFFFFFFE0] =	vst v29  }
0x35f: {  	[tilespmem:s24+$0x20] =	vst v0  }
0x360: {  	v0 =	vld [tilespmem:s28+$0xFFFFFE30]  }
0x361: {  	v34 =	vld [tilespmem:s28+$0xFFFFFE70]  }
0x362: {  	v35 =	vld [tilespmem:s28+$0xFFFFFEB0]  }
0x363: {  	v36 =	vld [tilespmem:s28+$0xFFFFFEF0]  }
0x364: {  	v37 =	vld [tilespmem:s28+$0xFFFFFF30]  }
0x365: {  	v38 =	vld [tilespmem:s28+$0xFFFFFF70]  }
0x366: {  	v39 =	vld [tilespmem:s28+$0xFFFFFFB0]  }
0x367: {  	v40 =	vld [tilespmem:s28+$0xFFFFFFF0]  }
0x368: {  	v41 =	vld [tilespmem:s28+$0x30]  }
0x369: {  	v42 =	vld [tilespmem:s28+$0x70]  }
0x36a: {  	v43 =	vld [tilespmem:s28+$0xB0]  }
0x36b: {  	v44 =	vld [tilespmem:s28+$0xF0]  }
0x36c: {  	v45 =	vld [tilespmem:s28+$0x130]  }
0x36d: {  	v46 =	vld [tilespmem:s28+$0x170];
	v0 =	vadd.f32 v0, v52;
	v1 =	vadd.f32 v34, v3  }
0x36e: {  	v48 =	vld [tilespmem:s28+$0x1B0];
	v2 =	vadd.f32 v35, v4;
	v47 =	vadd.f32 v36, v53  }
0x36f: {  	v51 =	vld [tilespmem:s28+$0x1F0];
	v49 =	vadd.f32 v37, v54;
	v50 =	vadd.f32 v38, v6  }
0x370: {  	v5 =	vadd.f32 v39, v7;
	v52 =	vadd.f32 v40, v10  }
0x371: {  	v8 =	vadd.f32 v41, v56;
	v9 =	vadd.f32 v42, v57  }
0x372: {  	v53 =	vadd.f32 v43, v58;
	v11 =	vadd.f32 v44, v59  }
0x373: {  	v12 =	vadd.f32 v45, v60;
	v54 =	vadd.f32 v46, v13  }
0x374: {  	v14 =	vadd.f32 v48, v62;
	v15 =	vadd.f32 v51, v63  }
0x375: {  	v55 =	vmax.f32 v0, v1;
	v56 =	vmax.f32 v2, v47;
	v18 =	vmax.f32 v49, v50  }
0x376: {  	v19 =	vmax.f32 v5, v52;
	v57 =	vmax.f32 v8, v9;
	v58 =	vmax.f32 v53, v11  }
0x377: {  	v59 =	vmax.f32 v12, v54;
	v60 =	vmax.f32 v14, v15;
	v16 =	vmax.f32 v55, v56  }
0x378: {  	v61 =	vmax.f32 v18, v19;
	v62 =	vmax.f32 v57, v58;
	v63 =	vmax.f32 v59, v60  }
0x379: {  	v16 =	vmax.f32 v16, v61;
	v20 =	vmax.f32 v62, v63  }
0x37a: {  	v16 =	vmax.f32 v16, v20  }
0x37b: {  	v0 =	vsub.f32 v0, v16  }
0x37c: {  	v1 =	vsub.f32 v1, v16  }
0x37d: {  	v2 =	vsub.f32 v2, v16;
	v0 =	vmul.f32 $1.442695020e+00, v0  }
0x37e: {  	v3 =	vsub.f32 v47, v16;
	v1 =	vmul.f32 $1.442695020e+00, v1  }
0x37f: {  	v4 =	vsub.f32 v49, v16;
	v2 =	vmul.f32 $1.442695020e+00, v2;
	(erf) = vpow2.f32 v0  }
0x380: {  	v22 =	vsub.f32 v50, v16;
	v21 =	vmul.f32 $1.442695020e+00, v3;
	(erf) = vpow2.f32 v1  }
0x381: {  	v24 =	vsub.f32 v5, v16;
	v23 =	vmul.f32 $1.442695020e+00, v4;
	(erf) = vpow2.f32 v2  }
0x382: {  	v26 =	vsub.f32 v52, v16;
	v25 =	vmul.f32 $1.442695020e+00, v22;
	(erf) = vpow2.f32 v21  }
0x383: {  	v28 =	vsub.f32 v8, v16;
	v27 =	vmul.f32 $1.442695020e+00, v24;
	(erf) = vpow2.f32 v23  }
0x384: {  	v30 =	vsub.f32 v9, v16;
	v29 =	vmul.f32 $1.442695020e+00, v26;
	(erf) = vpow2.f32 v25  }
0x385: {  	v32 =	vsub.f32 v53, v16;
	v31 =	vmul.f32 $1.442695020e+00, v28;
	(erf) = vpow2.f32 v27  }
0x386: {  	v34 =	vsub.f32 v11, v16;
	v33 =	vmul.f32 $1.442695020e+00, v30;
	(erf) = vpow2.f32 v29  }
0x387: {  	v36 =	vsub.f32 v12, v16;
	v35 =	vmul.f32 $1.442695020e+00, v32;
	(erf) = vpow2.f32 v31  }
0x388: {  	v38 =	vsub.f32 v54, v16;
	v37 =	vmul.f32 $1.442695020e+00, v34;
	v39 =	vpop (erf);
	(erf) = vpow2.f32 v33  }
0x389: {  	v41 =	vsub.f32 v14, v16;
	v40 =	vmul.f32 $1.442695020e+00, v36;
	v42 =	vpop (erf);
	(erf) = vpow2.f32 v35  }
0x38a: {  	v44 =	vsub.f32 v15, v16;
	v43 =	vmul.f32 $1.442695020e+00, v38;
	v45 =	vpop (erf);
	(erf) = vpow2.f32 v37  }
0x38b: {  	v46 =	vmul.f32 $1.442695020e+00, v41;
	v47 =	vpop (erf);
	(erf) = vpow2.f32 v40  }
0x38c: {  	v48 =	vmul.f32 $1.442695020e+00, v44;
	v49 =	vpop (erf);
	(erf) = vpow2.f32 v43  }
0x38d: {  	v50 =	vpop (erf);
	(erf) = vpow2.f32 v46  }
0x38e: {  	v51 =	vpop (erf);
	(erf) = vpow2.f32 v48  }
0x38f: {  	v52 =	vpop (erf)  }
0x390: {  	v53 =	vpop (erf)  }
0x391: {  	v54 =	vpop (erf)  }
0x392: {  	v55 =	vpop (erf)  }
0x393: {  	v56 =	vpop (erf)  }
0x394: {  	v57 =	vpop (erf)  }
0x395: {  	v5 =	vadd.f32 v42, v39;
	v4 =	vadd.f32 v47, v45;
	v58 =	vpop (erf)  }
0x396: {  	v1 =	vadd.f32 v50, v49;
	v0 =	vadd.f32 v52, v51;
	v59 =	vpop (erf)  }
0x397: {  	v60 =	vadd.f32 v54, v53;
	v61 =	vadd.f32 v56, v55;
	v62 =	vpop (erf)  }
0x398: {  	v6 =	vadd.f32 v58, v57;
	v2 =	vadd.f32 v62, v59  }
0x399: {  	v4 =	vadd.f32 v4, v5;
	v0 =	vadd.f32 v0, v1  }
0x39a: {  	v63 =	vadd.f32 v61, v60;
	v2 =	vadd.f32 v2, v6;
	_ =	sdelay $0x1  }
0x39b: {  	p0 =	sne.s32 s23, $0x10;
	v0 =	vadd.f32 v0, v4;
	v1 =	vadd.f32 v2, v63  }
.Ltmp2:
0x39c: {  	_ = 	snop;
	(pc) =	sbr.rel @p0 .LBB2_2-.Ltmp2, $4  }
0x39d: {  	v0 =	vadd.f32 v1, v0  }
0x39e: {  	[tilespmem:s24+$0xFFFFFFF0] =	vst v16  }
0x39f: {  	s22 =	sadd.s32 s22, s6;
	s20 =	sadd.s32 $0x200, s20;
	s21 =	sadd.s32 $0x200, s21;
	[tilespmem:s26+$0x30] =	vst v0  }
0x3a0: {  	[hbm4b:s22+s3] =	stream.linear.scatter [tilespmem:s16], [sflag:$0x4], $0x800, $0x38;
	[tilespmem:$0xD000] =	vst v63  }
0x3a1: {  	s19 =	sadd.s32 $0x1, s19  }
0x3a2: {  	_ =	swait.ge [sflag:s17], $0x800;
	p0 =	sne.s32 s19, s7  }
.Ltmp3:
0x3a3: {  	[sflag:s17] =	ssyncset.done $0x0;
	(pc) =	sbr.rel @p0 .LBB2_1-.Ltmp3, $4  }
0x3a4: {  	[sflag:s17] =	ssyncadd.s32 $0xFFFFF800  }
0x3a5: {  	_ =	swait.ge [sflag:s18], $0x800  }
0x3a6: {  	[sflag:s18] =	ssyncset.done $0x0  }
0x3a7: {  	[sflag:s18] =	ssyncadd.s32 $0xFFFFF800  }
0x3a8: {  	_ =	sfence.sel $0x180000  }
0x3a9: {  	[bflag:$0x0] =	sbarrier.arrive $0xFFFF  }
0x3aa: {  	p0 =	sne.s32 s2, $0x0;
	_ =	strace $0x90000047  }
0x3ab: {  	s0 =	sadd.s32 @!p0 $0x100000, s0;
	[bflag:$0x2] =	sbarrier.arrive $0xFFFF  }
0x3ac: {  	[sflag:s0] =	ssyncadd.tile.s32 @!p0 $0x1;
	_ =	shalt  }
.Lfunc_end2:
_tile_overlayer_lowered:
.L_overlay_start_2:
0x3ad: {  	(tag) =	ssettag $0x2  }
0x3ae: {  	s0 =	rddreg [dreg:$0x0];
	s2 =	stileid.u32  }
0x3af: {  	s1 =	rddreg [dreg:$0x1];
	p0 =	sne.s32 s2, $0x0  }
0x3b0: {  	s3 =	rddreg [dreg:$0x2];
	[bflag:$0x3] =	sbarrier.arrive $0xFFFF;
	s2 =	simm.s32 @!p0 $0x1C05  }
0x3b1: {  	[timem:s3], [sflag:s2] =	dma.local @!p0 [hbm:s0], s1  }
0x3b2: {  	s0 =	simm.s32 @!p0 $0x5  }
0x3b3: {  	_ =	swait.ge @!p0 [sflag:s0], s1  }
0x3b4: {  	s1 =	ssub.s32 @!p0 $0x0, s1;
	[sflag:s0] =	ssyncset.done @!p0 $0x0  }
0x3b5: {  	[sflag:s0] =	ssyncadd.s32 @!p0 s1  }
0x3b6: {  	[bflag:$0x3] =	sbarrier.arrive $0xFFFF  }
0x3b7: {  	_ =	shalt  }

</sc_bundles>
